<compile_context>
chip_gen: v7x
topology: tpu7x:2x2x1
jax: 0.10.2.dev20260603
libtpu: 0.0.44.dev20260713+nightly
codegen_flags: <defaults>
</compile_context>

<pallas_src>
import functools

import jax
import jax.numpy as jnp
from jax import lax
from jax.experimental import pallas as pl
from jax.experimental.pallas import tpu as pltpu
from jax.experimental.pallas import tpu_sc as plsc

_N = 100000
_I = 10
_H = 128
_BN = 4000
_NB = _N // _BN
_NW = 32
_NEG = -3.0e38
_POS = 3.0e38


def _stage1_body(pct_ref, mkt_ref, w1t_ref, b1_ref, w2t_ref, b2_ref, w3t_ref, b3_ref,
                 mt_ref, aux_ref):
    pcT = pct_ref[0]
    mkT = mkt_ref[0]

    hT = jnp.maximum(
        jnp.dot(w1t_ref[...], pcT, preferred_element_type=jnp.float32)
        + b1_ref[...][:, None], 0.0)
    hT = jnp.maximum(
        jnp.dot(w2t_ref[...].astype(jnp.bfloat16), hT.astype(jnp.bfloat16),
                preferred_element_type=jnp.float32)
        + b2_ref[...][:, None], 0.0)
    out4T = (jnp.dot(w3t_ref[...], hT, preferred_element_type=jnp.float32)
             + b3_ref[...][:, None])

    bn = pcT.shape[1]
    mmaxT = jnp.max(mkT, axis=0, keepdims=True)
    shT = mkT - mmaxT
    eT = jnp.exp(shT)
    sT = jnp.sum(eT, axis=0, keepdims=True)
    mt_ref[0] = jnp.exp(shT - jnp.log(sT))
    subi = jax.lax.broadcasted_iota(jnp.int32, (_I, bn), 0)
    big = jnp.int32(2 ** 30)
    indT = jnp.min(jnp.where(mkT == mmaxT, subi, big),
                   axis=0, keepdims=True)
    indTf = indT.astype(jnp.float32)
    aux_ref[0] = jnp.concatenate([out4T, pcT, indTf], axis=0)


def _seg_sc_body(aux_hbm, pmax_hbm, pmin_hbm, buf, omax, omin):
    cid = lax.axis_index("c")
    sid = lax.axis_index("s")
    w = sid * 2 + cid

    for inst in range(_I):
        for cc in range(3):
            omax[inst, cc, :] = jnp.full((16,), _NEG, jnp.float32)
            omin[inst, cc, :] = jnp.full((16,), _POS, jnp.float32)

    @pl.when(w < _NB)
    def _work():
        pltpu.sync_copy(aux_hbm.at[w], buf)

        for pair in range(_I // 2):
            i0 = 2 * pair
            i1 = i0 + 1

            def body(j, carry):
                (ax0, ay0, az0, nx0, ny0, nz0,
                 ax1, ay1, az1, nx1, ny1, nz1) = carry
                base = j * 16
                vx = buf[4, pl.ds(base, 16)]
                vy = buf[5, pl.ds(base, 16)]
                vz = buf[6, pl.ds(base, 16)]
                vi = buf[7, pl.ds(base, 16)]
                c0 = vi == float(i0)
                c1 = vi == float(i1)
                ax0 = jnp.maximum(ax0, jnp.where(c0, vx, _NEG))
                ay0 = jnp.maximum(ay0, jnp.where(c0, vy, _NEG))
                az0 = jnp.maximum(az0, jnp.where(c0, vz, _NEG))
                nx0 = jnp.minimum(nx0, jnp.where(c0, vx, _POS))
                ny0 = jnp.minimum(ny0, jnp.where(c0, vy, _POS))
                nz0 = jnp.minimum(nz0, jnp.where(c0, vz, _POS))
                ax1 = jnp.maximum(ax1, jnp.where(c1, vx, _NEG))
                ay1 = jnp.maximum(ay1, jnp.where(c1, vy, _NEG))
                az1 = jnp.maximum(az1, jnp.where(c1, vz, _NEG))
                nx1 = jnp.minimum(nx1, jnp.where(c1, vx, _POS))
                ny1 = jnp.minimum(ny1, jnp.where(c1, vy, _POS))
                nz1 = jnp.minimum(nz1, jnp.where(c1, vz, _POS))
                return (ax0, ay0, az0, nx0, ny0, nz0,
                        ax1, ay1, az1, nx1, ny1, nz1)

            neg = jnp.full((16,), _NEG, jnp.float32)
            pos = jnp.full((16,), _POS, jnp.float32)
            res = lax.fori_loop(
                0, _BN // 16, body,
                (neg, neg, neg, pos, pos, pos,
                 neg, neg, neg, pos, pos, pos))
            omax[i0, 0, :] = res[0]
            omax[i0, 1, :] = res[1]
            omax[i0, 2, :] = res[2]
            omin[i0, 0, :] = res[3]
            omin[i0, 1, :] = res[4]
            omin[i0, 2, :] = res[5]
            omax[i1, 0, :] = res[6]
            omax[i1, 1, :] = res[7]
            omax[i1, 2, :] = res[8]
            omin[i1, 0, :] = res[9]
            omin[i1, 1, :] = res[10]
            omin[i1, 2, :] = res[11]

    pltpu.sync_copy(omax, pmax_hbm.at[w])
    pltpu.sync_copy(omin, pmin_hbm.at[w])


def _segment_sc(aux):
    mesh = plsc.VectorSubcoreMesh(core_axis_name="c", subcore_axis_name="s")
    fn = functools.partial(
        pl.kernel, mesh=mesh,
        out_type=[
            jax.ShapeDtypeStruct((_NW, _I, 3, 16), jnp.float32),
            jax.ShapeDtypeStruct((_NW, _I, 3, 16), jnp.float32),
        ],
        scratch_types=[
            pltpu.VMEM((8, _BN), jnp.float32),
            pltpu.VMEM((_I, 3, 16), jnp.float32),
            pltpu.VMEM((_I, 3, 16), jnp.float32),
        ],
    )(_seg_sc_body)
    return fn(aux)


def _stage2_body(aux_ref, pmax_ref, pmin_ref, flow_ref, t_ref, yaw_ref,
                 vmaxs_ref, vmins_ref):
    ax = aux_ref[0]
    z = ax[3:4, :]
    px = ax[4:5, :]
    py = ax[5:6, :]
    pz = ax[6:7, :]
    ind = ax[7:8, :]

    @pl.when(pl.program_id(0) == 0)
    def _fold():
        rmax = pmax_ref[0]
        rmin = pmin_ref[0]
        for wx in range(1, _NW):
            rmax = jnp.maximum(rmax, pmax_ref[wx])
            rmin = jnp.minimum(rmin, pmin_ref[wx])
        vmaxs_ref[...] = jnp.max(rmax, axis=2)
        vmins_ref[...] = jnp.min(rmin, axis=2)

    zero = jnp.zeros_like(z)
    accx, accy, accz = zero, zero, zero

    def _center(c, i):
        mx = vmaxs_ref[i, c]
        mn = vmins_ref[i, c]
        return jnp.where(mx >= mn, (mx + mn) * 0.5, 0.0)

    for i in range(_I):
        cond = ind == float(i)
        accx = jnp.where(cond, _center(0, i), accx)
        accy = jnp.where(cond, _center(1, i), accy)
        accz = jnp.where(cond, _center(2, i), accz)

    dx = px - accx
    dy = py - accy
    dz = pz - accz

    a2 = z * z
    a = jnp.sqrt(a2 + 1e-12)
    small = a < 1e-4
    a_safe = jnp.where(small, 1.0, a)
    sin_term = jnp.where(small, 1.0 - a2 / 6.0, jnp.sin(a_safe) / a_safe)
    cos_term = jnp.where(small, 0.5 - a2 / 24.0,
                         (1.0 - jnp.cos(a_safe)) / (a_safe * a_safe))
    s = sin_term * z
    cm = 1.0 - cos_term * a2

    rx = cm * dx - s * dy
    ry = s * dx + cm * dy
    fx = (rx + accx + ax[0:1, :]) - px
    fy = (ry + accy + ax[1:2, :]) - py
    fz = (dz + accz + ax[2:3, :]) - pz
    flowT = jnp.concatenate([fx, fy, fz], axis=0)
    flow_ref[0] = flowT
    t_ref[0] = ax[0:3, :]
    yaw_ref[0] = ax[3:4, :]


def kernel(pc1, mask, W1, b1, W2, b2, W3, b3):
    pcT = jnp.transpose(pc1.reshape(_NB, _BN, 3), (0, 2, 1))
    mkT = jnp.transpose(mask.reshape(_NB, _BN, _I), (0, 2, 1))
    W1T, W2T, W3T = W1.T, W2.T, W3.T
    grid = (_NB,)

    mT, aux = pl.pallas_call(
        _stage1_body,
        grid=grid,
        in_specs=[
            pl.BlockSpec((1, 3, _BN), lambda i: (i, 0, 0)),
            pl.BlockSpec((1, _I, _BN), lambda i: (i, 0, 0)),
            pl.BlockSpec((_H, 3), lambda i: (0, 0)),
            pl.BlockSpec((_H,), lambda i: (0,)),
            pl.BlockSpec((_H, _H), lambda i: (0, 0)),
            pl.BlockSpec((_H,), lambda i: (0,)),
            pl.BlockSpec((4, _H), lambda i: (0, 0)),
            pl.BlockSpec((4,), lambda i: (0,)),
        ],
        out_specs=[
            pl.BlockSpec((1, _I, _BN), lambda i: (i, 0, 0)),
            pl.BlockSpec((1, 8, _BN), lambda i: (i, 0, 0)),
        ],
        out_shape=[
            jax.ShapeDtypeStruct((_NB, _I, _BN), jnp.float32),
            jax.ShapeDtypeStruct((_NB, 8, _BN), jnp.float32),
        ],
    )(pcT, mkT, W1T, b1, W2T, b2, W3T, b3)

    pmax, pmin = _segment_sc(aux)

    flow, t, yaw = pl.pallas_call(
        _stage2_body,
        grid=grid,
        in_specs=[
            pl.BlockSpec((1, 8, _BN), lambda i: (i, 0, 0)),
            pl.BlockSpec((_NW, _I, 3, 16), lambda i: (0, 0, 0, 0)),
            pl.BlockSpec((_NW, _I, 3, 16), lambda i: (0, 0, 0, 0)),
        ],
        out_specs=[
            pl.BlockSpec((1, 3, _BN), lambda i: (i, 0, 0)),
            pl.BlockSpec((1, 3, _BN), lambda i: (i, 0, 0)),
            pl.BlockSpec((1, 1, _BN), lambda i: (i, 0, 0)),
        ],
        out_shape=[
            jax.ShapeDtypeStruct((_NB, 3, _BN), jnp.float32),
            jax.ShapeDtypeStruct((_NB, 3, _BN), jnp.float32),
            jax.ShapeDtypeStruct((_NB, 1, _BN), jnp.float32),
        ],
        scratch_shapes=[
            pltpu.VMEM((_I, 3), jnp.float32),
            pltpu.VMEM((_I, 3), jnp.float32),
        ],
    )(aux, pmax, pmin)

    m = jnp.transpose(mT, (0, 2, 1)).reshape(1, _N, _I)
    flow = jnp.transpose(flow, (0, 2, 1)).reshape(1, _N, 3)
    t = jnp.transpose(t, (0, 2, 1)).reshape(1, _N, 3)
    yaw = jnp.transpose(yaw, (0, 2, 1)).reshape(1, _N, 1)
    return (flow, m, t, yaw)

# --- scband reference (transcript-rebuilt; emitter-appended) ---
"""Pipeline reference for scband-joint-model-80444737454387 (READ-ONLY COPY).

The authoritative reference and input builder live on the scoring server;
editing this copy changes nothing except your own understanding.
"""

import jax, jax.numpy as jnp
import numpy as np

INSTANCES = 10
N_POINTS = 100000
HIDDEN = 128


def axis_angle_to_matrix(rotvec):
    # rotvec: [N, 3] -> [N, 3, 3] via Rodrigues formula (pytorch3d-equivalent)
    a2 = jnp.sum(rotvec * rotvec, axis=-1)
    a = jnp.sqrt(a2 + 1e-12)
    small = a < 1e-4
    a_safe = jnp.where(small, 1.0, a)
    sin_term = jnp.where(small, 1.0 - a2 / 6.0, jnp.sin(a_safe) / a_safe)
    cos_term = jnp.where(small, 0.5 - a2 / 24.0, (1.0 - jnp.cos(a_safe)) / (a_safe * a_safe))
    x, y, z = rotvec[..., 0], rotvec[..., 1], rotvec[..., 2]
    zeros = jnp.zeros_like(x)
    K = jnp.stack([
        jnp.stack([zeros, -z, y], axis=-1),
        jnp.stack([z, zeros, -x], axis=-1),
        jnp.stack([-y, x, zeros], axis=-1),
    ], axis=-2)
    I = jnp.eye(3, dtype=rotvec.dtype)
    return I + sin_term[..., None, None] * K + cos_term[..., None, None] * (K @ K)


def flow_net(pc, W1, b1, W2, b2, W3, b3):
    # RigidMovementPriorNetwork: pointwise MLP 3 -> 128 -> 128 -> 4
    h = jnp.maximum(pc @ W1 + b1, 0.0)
    h = jnp.maximum(h @ W2 + b2, 0.0)
    return h @ W3 + b3  # [1, N, 4]


def setup_inputs(seed: int = 0) -> dict:
    key = jax.random.key(seed)
    ks = jax.random.split(key, 8)
    pc1 = jax.random.normal(ks[0], (1, N_POINTS, 3), dtype=jnp.float32)
    mask = jax.random.normal(ks[1], (1, N_POINTS, INSTANCES), dtype=jnp.float32)
    W1 = jax.random.normal(ks[2], (3, HIDDEN), dtype=jnp.float32) * 0.1
    b1 = jnp.zeros((HIDDEN,), dtype=jnp.float32)
    W2 = jax.random.normal(ks[3], (HIDDEN, HIDDEN), dtype=jnp.float32) * 0.1
    b2 = jnp.zeros((HIDDEN,), dtype=jnp.float32)
    W3 = jax.random.normal(ks[4], (HIDDEN, 4), dtype=jnp.float32) * 0.1
    b3 = jnp.zeros((4,), dtype=jnp.float32)
    return {"pc1": pc1, "mask": mask, "W1": W1, "b1": b1, "W2": W2, "b2": b2, "W3": W3, "b3": b3}


def reference(pc1, mask, W1, b1, W2, b2, W3, b3):
    output = flow_net(pc1, W1, b1, W2, b2, W3, b3)  # [1, N, 4]
    m = jax.nn.softmax(mask, axis=2)  # [1, N, INSTANCES]
    t = output[:, :, :3]
    yaw = output[:, :, 3:4]
    full_rotvec = jnp.concatenate(
        [jnp.zeros((1, yaw.shape[1], 2), dtype=yaw.dtype), yaw], axis=-1)
    rot_mat = axis_angle_to_matrix(full_rotvec[0])  # [N, 3, 3]
    ind = jnp.argmax(m, axis=2)[0]  # [N] int
    v_max = jax.ops.segment_max(pc1[0], ind, num_segments=INSTANCES)  # [INSTANCES, 3]
    v_min = jax.ops.segment_min(pc1[0], ind, num_segments=INSTANCES)
    x_c = (v_max + v_min) / 2.0
    point_x_c = x_c[ind]  # gather [N, 3]
    centered = (pc1 - point_x_c)[0]  # [N, 3]
    rotated = jnp.einsum('nij,nj->ni', rot_mat, centered)[None, :, :]  # [1, N, 3]
    deformed_pc = rotated + point_x_c + t
    pred_flow = deformed_pc - pc1
    return (pred_flow, m, t, yaw)

if __name__ == "__main__":
    import jax
    _d = setup_inputs()
    print(jax.jit(kernel)(*tuple(_d.values())))

</pallas_src>

<mosaic_0001>
#map = affine_map<(d0, d1) -> (0, 0, 0)>
#map1 = affine_map<(d0, d1) -> (0, 0, 0, 0)>
module attributes {stable_mosaic.version = 14 : i64} {
  func.func @_seg_sc_body(%arg0: i32, %arg1: i32, %arg2: memref<25x8x4000xf32, #tpu.memory_space<hbm>>, %arg3: memref<32x10x3x16xf32, #tpu.memory_space<hbm>>, %arg4: memref<32x10x3x16xf32, #tpu.memory_space<hbm>>, %arg5: memref<8x4000xf32, #tpu.memory_space<vmem>>, %arg6: memref<10x3x16xf32, #tpu.memory_space<vmem>>, %arg7: memref<10x3x16xf32, #tpu.memory_space<vmem>>) attributes {dimension_semantics = [#tpu.dimension_semantics<core_parallel>, #tpu.dimension_semantics<subcore_parallel>], iteration_bounds = array<i64: 2, 16>, scalar_prefetch = 0 : i64, scratch_operands = 3 : i64, tpu.core_type = #tpu.core_type<sc_vector_subcore>, window_params = [{transform_indices = #map}, {transform_indices = #map1}, {transform_indices = #map1}]} {
    %mul3A = arith.constant 2 : i32
    %mul3A_0 = arith.muli %arg1, %mul3A : i32
    %add3A = arith.addi %mul3A_0, %arg0 : i32
    %broadcast_in_dim3A = arith.constant -3.000000e+38 : f32
    %broadcast_in_dim3A_1 = vector.broadcast %broadcast_in_dim3A : f32 to vector<16xf32>
    %swap3A = arith.constant 0 : i32
    %swap3A_2 = arith.constant 0 : i32
    %swap3A_3 = arith.index_cast %swap3A : i32 to index
    %swap3A_4 = arith.index_cast %swap3A_2 : i32 to index
    %swap3A_5 = arith.constant 0 : index
    %swap3A_6 = tpu.vector_load %arg6[%swap3A_3, %swap3A_4, %swap3A_5] {strides = array<i32>} : memref<10x3x16xf32, #tpu.memory_space<vmem>>, vector<1x1x16xf32>,
    %swap3A_7 = vector.shape_cast %swap3A_6 : vector<1x1x16xf32> to vector<16xf32>
    %swap3A_8 = vector.shape_cast %broadcast_in_dim3A_1 : vector<16xf32> to vector<1x1x16xf32>
    tpu.vector_store %arg6[%swap3A_3, %swap3A_4, %swap3A_5], %swap3A_8 {strides = array<i32>} : memref<10x3x16xf32, #tpu.memory_space<vmem>>, vector<1x1x16xf32>,
    %broadcast_in_dim3A_9 = arith.constant 3.000000e+38 : f32
    %broadcast_in_dim3A_10 = vector.broadcast %broadcast_in_dim3A_9 : f32 to vector<16xf32>
    %swap3A_11 = arith.constant 0 : i32
    %swap3A_12 = arith.constant 0 : i32
    %swap3A_13 = arith.index_cast %swap3A_11 : i32 to index
    %swap3A_14 = arith.index_cast %swap3A_12 : i32 to index
    %swap3A_15 = arith.constant 0 : index
    %swap3A_16 = tpu.vector_load %arg7[%swap3A_13, %swap3A_14, %swap3A_15] {strides = array<i32>} : memref<10x3x16xf32, #tpu.memory_space<vmem>>, vector<1x1x16xf32>,
    %swap3A_17 = vector.shape_cast %swap3A_16 : vector<1x1x16xf32> to vector<16xf32>
    %swap3A_18 = vector.shape_cast %broadcast_in_dim3A_10 : vector<16xf32> to vector<1x1x16xf32>
    tpu.vector_store %arg7[%swap3A_13, %swap3A_14, %swap3A_15], %swap3A_18 {strides = array<i32>} : memref<10x3x16xf32, #tpu.memory_space<vmem>>, vector<1x1x16xf32>,
    %broadcast_in_dim3A_19 = arith.constant -3.000000e+38 : f32
    %broadcast_in_dim3A_20 = vector.broadcast %broadcast_in_dim3A_19 : f32 to vector<16xf32>
    %swap3A_21 = arith.constant 0 : i32
    %swap3A_22 = arith.constant 1 : i32
    %swap3A_23 = arith.index_cast %swap3A_21 : i32 to index
    %swap3A_24 = arith.index_cast %swap3A_22 : i32 to index
    %swap3A_25 = arith.constant 0 : index
    %swap3A_26 = tpu.vector_load %arg6[%swap3A_23, %swap3A_24, %swap3A_25] {strides = array<i32>} : memref<10x3x16xf32, #tpu.memory_space<vmem>>, vector<1x1x16xf32>,
    %swap3A_27 = vector.shape_cast %swap3A_26 : vector<1x1x16xf32> to vector<16xf32>
    %swap3A_28 = vector.shape_cast %broadcast_in_dim3A_20 : vector<16xf32> to vector<1x1x16xf32>
    tpu.vector_store %arg6[%swap3A_23, %swap3A_24, %swap3A_25], %swap3A_28 {strides = array<i32>} : memref<10x3x16xf32, #tpu.memory_space<vmem>>, vector<1x1x16xf32>,
    %broadcast_in_dim3A_29 = arith.constant 3.000000e+38 : f32
    %broadcast_in_dim3A_30 = vector.broadcast %broadcast_in_dim3A_29 : f32 to vector<16xf32>
    %swap3A_31 = arith.constant 0 : i32
    %swap3A_32 = arith.constant 1 : i32
    %swap3A_33 = arith.index_cast %swap3A_31 : i32 to index
    %swap3A_34 = arith.index_cast %swap3A_32 : i32 to index
    %swap3A_35 = arith.constant 0 : index
    %swap3A_36 = tpu.vector_load %arg7[%swap3A_33, %swap3A_34, %swap3A_35] {strides = array<i32>} : memref<10x3x16xf32, #tpu.memory_space<vmem>>, vector<1x1x16xf32>,
    %swap3A_37 = vector.shape_cast %swap3A_36 : vector<1x1x16xf32> to vector<16xf32>
    %swap3A_38 = vector.shape_cast %broadcast_in_dim3A_30 : vector<16xf32> to vector<1x1x16xf32>
    tpu.vector_store %arg7[%swap3A_33, %swap3A_34, %swap3A_35], %swap3A_38 {strides = array<i32>} : memref<10x3x16xf32, #tpu.memory_space<vmem>>, vector<1x1x16xf32>,
    %broadcast_in_dim3A_39 = arith.constant -3.000000e+38 : f32
    %broadcast_in_dim3A_40 = vector.broadcast %broadcast_in_dim3A_39 : f32 to vector<16xf32>
    %swap3A_41 = arith.constant 0 : i32
    %swap3A_42 = arith.constant 2 : i32
    %swap3A_43 = arith.index_cast %swap3A_41 : i32 to index
    %swap3A_44 = arith.index_cast %swap3A_42 : i32 to index
    %swap3A_45 = arith.constant 0 : index
    %swap3A_46 = tpu.vector_load %arg6[%swap3A_43, %swap3A_44, %swap3A_45] {strides = array<i32>} : memref<10x3x16xf32, #tpu.memory_space<vmem>>, vector<1x1x16xf32>,
    %swap3A_47 = vector.shape_cast %swap3A_46 : vector<1x1x16xf32> to vector<16xf32>
    %swap3A_48 = vector.shape_cast %broadcast_in_dim3A_40 : vector<16xf32> to vector<1x1x16xf32>
    tpu.vector_store %arg6[%swap3A_43, %swap3A_44, %swap3A_45], %swap3A_48 {strides = array<i32>} : memref<10x3x16xf32, #tpu.memory_space<vmem>>, vector<1x1x16xf32>,
    %broadcast_in_dim3A_49 = arith.constant 3.000000e+38 : f32
    %broadcast_in_dim3A_50 = vector.broadcast %broadcast_in_dim3A_49 : f32 to vector<16xf32>
    %swap3A_51 = arith.constant 0 : i32
    %swap3A_52 = arith.constant 2 : i32
    %swap3A_53 = arith.index_cast %swap3A_51 : i32 to index
    %swap3A_54 = arith.index_cast %swap3A_52 : i32 to index
    %swap3A_55 = arith.constant 0 : index
    %swap3A_56 = tpu.vector_load %arg7[%swap3A_53, %swap3A_54, %swap3A_55] {strides = array<i32>} : memref<10x3x16xf32, #tpu.memory_space<vmem>>, vector<1x1x16xf32>,
    %swap3A_57 = vector.shape_cast %swap3A_56 : vector<1x1x16xf32> to vector<16xf32>
    %swap3A_58 = vector.shape_cast %broadcast_in_dim3A_50 : vector<16xf32> to vector<1x1x16xf32>
    tpu.vector_store %arg7[%swap3A_53, %swap3A_54, %swap3A_55], %swap3A_58 {strides = array<i32>} : memref<10x3x16xf32, #tpu.memory_space<vmem>>, vector<1x1x16xf32>,
    %broadcast_in_dim3A_59 = arith.constant -3.000000e+38 : f32
    %broadcast_in_dim3A_60 = vector.broadcast %broadcast_in_dim3A_59 : f32 to vector<16xf32>
    %swap3A_61 = arith.constant 1 : i32
    %swap3A_62 = arith.constant 0 : i32
    %swap3A_63 = arith.index_cast %swap3A_61 : i32 to index
    %swap3A_64 = arith.index_cast %swap3A_62 : i32 to index
    %swap3A_65 = arith.constant 0 : index
    %swap3A_66 = tpu.vector_load %arg6[%swap3A_63, %swap3A_64, %swap3A_65] {strides = array<i32>} : memref<10x3x16xf32, #tpu.memory_space<vmem>>, vector<1x1x16xf32>,
    %swap3A_67 = vector.shape_cast %swap3A_66 : vector<1x1x16xf32> to vector<16xf32>
    %swap3A_68 = vector.shape_cast %broadcast_in_dim3A_60 : vector<16xf32> to vector<1x1x16xf32>
    tpu.vector_store %arg6[%swap3A_63, %swap3A_64, %swap3A_65], %swap3A_68 {strides = array<i32>} : memref<10x3x16xf32, #tpu.memory_space<vmem>>, vector<1x1x16xf32>,
    %broadcast_in_dim3A_69 = arith.constant 3.000000e+38 : f32
    %broadcast_in_dim3A_70 = vector.broadcast %broadcast_in_dim3A_69 : f32 to vector<16xf32>
    %swap3A_71 = arith.constant 1 : i32
    %swap3A_72 = arith.constant 0 : i32
    %swap3A_73 = arith.index_cast %swap3A_71 : i32 to index
    %swap3A_74 = arith.index_cast %swap3A_72 : i32 to index
    %swap3A_75 = arith.constant 0 : index
    %swap3A_76 = tpu.vector_load %arg7[%swap3A_73, %swap3A_74, %swap3A_75] {strides = array<i32>} : memref<10x3x16xf32, #tpu.memory_space<vmem>>, vector<1x1x16xf32>,
    %swap3A_77 = vector.shape_cast %swap3A_76 : vector<1x1x16xf32> to vector<16xf32>
    %swap3A_78 = vector.shape_cast %broadcast_in_dim3A_70 : vector<16xf32> to vector<1x1x16xf32>
    tpu.vector_store %arg7[%swap3A_73, %swap3A_74, %swap3A_75], %swap3A_78 {strides = array<i32>} : memref<10x3x16xf32, #tpu.memory_space<vmem>>, vector<1x1x16xf32>,
    %broadcast_in_dim3A_79 = arith.constant -3.000000e+38 : f32
    %broadcast_in_dim3A_80 = vector.broadcast %broadcast_in_dim3A_79 : f32 to vector<16xf32>
    %swap3A_81 = arith.constant 1 : i32
    %swap3A_82 = arith.constant 1 : i32
    %swap3A_83 = arith.index_cast %swap3A_81 : i32 to index
    %swap3A_84 = arith.index_cast %swap3A_82 : i32 to index
    %swap3A_85 = arith.constant 0 : index
    %swap3A_86 = tpu.vector_load %arg6[%swap3A_83, %swap3A_84, %swap3A_85] {strides = array<i32>} : memref<10x3x16xf32, #tpu.memory_space<vmem>>, vector<1x1x16xf32>,
    %swap3A_87 = vector.shape_cast %swap3A_86 : vector<1x1x16xf32> to vector<16xf32>
    %swap3A_88 = vector.shape_cast %broadcast_in_dim3A_80 : vector<16xf32> to vector<1x1x16xf32>
    tpu.vector_store %arg6[%swap3A_83, %swap3A_84, %swap3A_85], %swap3A_88 {strides = array<i32>} : memref<10x3x16xf32, #tpu.memory_space<vmem>>, vector<1x1x16xf32>,
    %broadcast_in_dim3A_89 = arith.constant 3.000000e+38 : f32
    %broadcast_in_dim3A_90 = vector.broadcast %broadcast_in_dim3A_89 : f32 to vector<16xf32>
    %swap3A_91 = arith.constant 1 : i32
    %swap3A_92 = arith.constant 1 : i32
    %swap3A_93 = arith.index_cast %swap3A_91 : i32 to index
    %swap3A_94 = arith.index_cast %swap3A_92 : i32 to index
    %swap3A_95 = arith.constant 0 : index
    %swap3A_96 = tpu.vector_load %arg7[%swap3A_93, %swap3A_94, %swap3A_95] {strides = array<i32>} : memref<10x3x16xf32, #tpu.memory_space<vmem>>, vector<1x1x16xf32>,
    %swap3A_97 = vector.shape_cast %swap3A_96 : vector<1x1x16xf32> to vector<16xf32>
    %swap3A_98 = vector.shape_cast %broadcast_in_dim3A_90 : vector<16xf32> to vector<1x1x16xf32>
    tpu.vector_store %arg7[%swap3A_93, %swap3A_94, %swap3A_95], %swap3A_98 {strides = array<i32>} : memref<10x3x16xf32, #tpu.memory_space<vmem>>, vector<1x1x16xf32>,
    %broadcast_in_dim3A_99 = arith.constant -3.000000e+38 : f32
    %broadcast_in_dim3A_100 = vector.broadcast %broadcast_in_dim3A_99 : f32 to vector<16xf32>
    %swap3A_101 = arith.constant 1 : i32
    %swap3A_102 = arith.constant 2 : i32
    %swap3A_103 = arith.index_cast %swap3A_101 : i32 to index
    %swap3A_104 = arith.index_cast %swap3A_102 : i32 to index
    %swap3A_105 = arith.constant 0 : index
    %swap3A_106 = tpu.vector_load %arg6[%swap3A_103, %swap3A_104, %swap3A_105] {strides = array<i32>} : memref<10x3x16xf32, #tpu.memory_space<vmem>>, vector<1x1x16xf32>,
    %swap3A_107 = vector.shape_cast %swap3A_106 : vector<1x1x16xf32> to vector<16xf32>
    %swap3A_108 = vector.shape_cast %broadcast_in_dim3A_100 : vector<16xf32> to vector<1x1x16xf32>
    tpu.vector_store %arg6[%swap3A_103, %swap3A_104, %swap3A_105], %swap3A_108 {strides = array<i32>} : memref<10x3x16xf32, #tpu.memory_space<vmem>>, vector<1x1x16xf32>,
    %broadcast_in_dim3A_109 = arith.constant 3.000000e+38 : f32
    %broadcast_in_dim3A_110 = vector.broadcast %broadcast_in_dim3A_109 : f32 to vector<16xf32>
    %swap3A_111 = arith.constant 1 : i32
    %swap3A_112 = arith.constant 2 : i32
    %swap3A_113 = arith.index_cast %swap3A_111 : i32 to index
    %swap3A_114 = arith.index_cast %swap3A_112 : i32 to index
    %swap3A_115 = arith.constant 0 : index
    %swap3A_116 = tpu.vector_load %arg7[%swap3A_113, %swap3A_114, %swap3A_115] {strides = array<i32>} : memref<10x3x16xf32, #tpu.memory_space<vmem>>, vector<1x1x16xf32>,
    %swap3A_117 = vector.shape_cast %swap3A_116 : vector<1x1x16xf32> to vector<16xf32>
    %swap3A_118 = vector.shape_cast %broadcast_in_dim3A_110 : vector<16xf32> to vector<1x1x16xf32>
    tpu.vector_store %arg7[%swap3A_113, %swap3A_114, %swap3A_115], %swap3A_118 {strides = array<i32>} : memref<10x3x16xf32, #tpu.memory_space<vmem>>, vector<1x1x16xf32>,
    %broadcast_in_dim3A_119 = arith.constant -3.000000e+38 : f32
    %broadcast_in_dim3A_120 = vector.broadcast %broadcast_in_dim3A_119 : f32 to vector<16xf32>
    %swap3A_121 = arith.constant 2 : i32
    %swap3A_122 = arith.constant 0 : i32
    %swap3A_123 = arith.index_cast %swap3A_121 : i32 to index
    %swap3A_124 = arith.index_cast %swap3A_122 : i32 to index
    %swap3A_125 = arith.constant 0 : index
    %swap3A_126 = tpu.vector_load %arg6[%swap3A_123, %swap3A_124, %swap3A_125] {strides = array<i32>} : memref<10x3x16xf32, #tpu.memory_space<vmem>>, vector<1x1x16xf32>,
    %swap3A_127 = vector.shape_cast %swap3A_126 : vector<1x1x16xf32> to vector<16xf32>
    %swap3A_128 = vector.shape_cast %broadcast_in_dim3A_120 : vector<16xf32> to vector<1x1x16xf32>
    tpu.vector_store %arg6[%swap3A_123, %swap3A_124, %swap3A_125], %swap3A_128 {strides = array<i32>} : memref<10x3x16xf32, #tpu.memory_space<vmem>>, vector<1x1x16xf32>,
    %broadcast_in_dim3A_129 = arith.constant 3.000000e+38 : f32
    %broadcast_in_dim3A_130 = vector.broadcast %broadcast_in_dim3A_129 : f32 to vector<16xf32>
    %swap3A_131 = arith.constant 2 : i32
    %swap3A_132 = arith.constant 0 : i32
    %swap3A_133 = arith.index_cast %swap3A_131 : i32 to index
    %swap3A_134 = arith.index_cast %swap3A_132 : i32 to index
    %swap3A_135 = arith.constant 0 : index
    %swap3A_136 = tpu.vector_load %arg7[%swap3A_133, %swap3A_134, %swap3A_135] {strides = array<i32>} : memref<10x3x16xf32, #tpu.memory_space<vmem>>, vector<1x1x16xf32>,
    %swap3A_137 = vector.shape_cast %swap3A_136 : vector<1x1x16xf32> to vector<16xf32>
    %swap3A_138 = vector.shape_cast %broadcast_in_dim3A_130 : vector<16xf32> to vector<1x1x16xf32>
    tpu.vector_store %arg7[%swap3A_133, %swap3A_134, %swap3A_135], %swap3A_138 {strides = array<i32>} : memref<10x3x16xf32, #tpu.memory_space<vmem>>, vector<1x1x16xf32>,
    %broadcast_in_dim3A_139 = arith.constant -3.000000e+38 : f32
    %broadcast_in_dim3A_140 = vector.broadcast %broadcast_in_dim3A_139 : f32 to vector<16xf32>
    %swap3A_141 = arith.constant 2 : i32
    %swap3A_142 = arith.constant 1 : i32
    %swap3A_143 = arith.index_cast %swap3A_141 : i32 to index
    %swap3A_144 = arith.index_cast %swap3A_142 : i32 to index
    %swap3A_145 = arith.constant 0 : index
    %swap3A_146 = tpu.vector_load %arg6[%swap3A_143, %swap3A_144, %swap3A_145] {strides = array<i32>} : memref<10x3x16xf32, #tpu.memory_space<vmem>>, vector<1x1x16xf32>,
    %swap3A_147 = vector.shape_cast %swap3A_146 : vector<1x1x16xf32> to vector<16xf32>
    %swap3A_148 = vector.shape_cast %broadcast_in_dim3A_140 : vector<16xf32> to vector<1x1x16xf32>
    tpu.vector_store %arg6[%swap3A_143, %swap3A_144, %swap3A_145], %swap3A_148 {strides = array<i32>} : memref<10x3x16xf32, #tpu.memory_space<vmem>>, vector<1x1x16xf32>,
    %broadcast_in_dim3A_149 = arith.constant 3.000000e+38 : f32
    %broadcast_in_dim3A_150 = vector.broadcast %broadcast_in_dim3A_149 : f32 to vector<16xf32>
    %swap3A_151 = arith.constant 2 : i32
    %swap3A_152 = arith.constant 1 : i32
    %swap3A_153 = arith.index_cast %swap3A_151 : i32 to index
    %swap3A_154 = arith.index_cast %swap3A_152 : i32 to index
    %swap3A_155 = arith.constant 0 : index
    %swap3A_156 = tpu.vector_load %arg7[%swap3A_153, %swap3A_154, %swap3A_155] {strides = array<i32>} : memref<10x3x16xf32, #tpu.memory_space<vmem>>, vector<1x1x16xf32>,
    %swap3A_157 = vector.shape_cast %swap3A_156 : vector<1x1x16xf32> to vector<16xf32>
    %swap3A_158 = vector.shape_cast %broadcast_in_dim3A_150 : vector<16xf32> to vector<1x1x16xf32>
    tpu.vector_store %arg7[%swap3A_153, %swap3A_154, %swap3A_155], %swap3A_158 {strides = array<i32>} : memref<10x3x16xf32, #tpu.memory_space<vmem>>, vector<1x1x16xf32>,
    %broadcast_in_dim3A_159 = arith.constant -3.000000e+38 : f32
    %broadcast_in_dim3A_160 = vector.broadcast %broadcast_in_dim3A_159 : f32 to vector<16xf32>
    %swap3A_161 = arith.constant 2 : i32
    %swap3A_162 = arith.constant 2 : i32
    %swap3A_163 = arith.index_cast %swap3A_161 : i32 to index
    %swap3A_164 = arith.index_cast %swap3A_162 : i32 to index
    %swap3A_165 = arith.constant 0 : index
    %swap3A_166 = tpu.vector_load %arg6[%swap3A_163, %swap3A_164, %swap3A_165] {strides = array<i32>} : memref<10x3x16xf32, #tpu.memory_space<vmem>>, vector<1x1x16xf32>,
    %swap3A_167 = vector.shape_cast %swap3A_166 : vector<1x1x16xf32> to vector<16xf32>
    %swap3A_168 = vector.shape_cast %broadcast_in_dim3A_160 : vector<16xf32> to vector<1x1x16xf32>
    tpu.vector_store %arg6[%swap3A_163, %swap3A_164, %swap3A_165], %swap3A_168 {strides = array<i32>} : memref<10x3x16xf32, #tpu.memory_space<vmem>>, vector<1x1x16xf32>,
    %broadcast_in_dim3A_169 = arith.constant 3.000000e+38 : f32
    %broadcast_in_dim3A_170 = vector.broadcast %broadcast_in_dim3A_169 : f32 to vector<16xf32>
    %swap3A_171 = arith.constant 2 : i32
    %swap3A_172 = arith.constant 2 : i32
    %swap3A_173 = arith.index_cast %swap3A_171 : i32 to index
    %swap3A_174 = arith.index_cast %swap3A_172 : i32 to index
    %swap3A_175 = arith.constant 0 : index
    %swap3A_176 = tpu.vector_load %arg7[%swap3A_173, %swap3A_174, %swap3A_175] {strides = array<i32>} : memref<10x3x16xf32, #tpu.memory_space<vmem>>, vector<1x1x16xf32>,
    %swap3A_177 = vector.shape_cast %swap3A_176 : vector<1x1x16xf32> to vector<16xf32>
    %swap3A_178 = vector.shape_cast %broadcast_in_dim3A_170 : vector<16xf32> to vector<1x1x16xf32>
    tpu.vector_store %arg7[%swap3A_173, %swap3A_174, %swap3A_175], %swap3A_178 {strides = array<i32>} : memref<10x3x16xf32, #tpu.memory_space<vmem>>, vector<1x1x16xf32>,
    %broadcast_in_dim3A_179 = arith.constant -3.000000e+38 : f32
    %broadcast_in_dim3A_180 = vector.broadcast %broadcast_in_dim3A_179 : f32 to vector<16xf32>
    %swap3A_181 = arith.constant 3 : i32
    %swap3A_182 = arith.constant 0 : i32
    %swap3A_183 = arith.index_cast %swap3A_181 : i32 to index
    %swap3A_184 = arith.index_cast %swap3A_182 : i32 to index
    %swap3A_185 = arith.constant 0 : index
    %swap3A_186 = tpu.vector_load %arg6[%swap3A_183, %swap3A_184, %swap3A_185] {strides = array<i32>} : memref<10x3x16xf32, #tpu.memory_space<vmem>>, vector<1x1x16xf32>,
    %swap3A_187 = vector.shape_cast %swap3A_186 : vector<1x1x16xf32> to vector<16xf32>
    %swap3A_188 = vector.shape_cast %broadcast_in_dim3A_180 : vector<16xf32> to vector<1x1x16xf32>
    tpu.vector_store %arg6[%swap3A_183, %swap3A_184, %swap3A_185], %swap3A_188 {strides = array<i32>} : memref<10x3x16xf32, #tpu.memory_space<vmem>>, vector<1x1x16xf32>,
    %broadcast_in_dim3A_189 = arith.constant 3.000000e+38 : f32
    %broadcast_in_dim3A_190 = vector.broadcast %broadcast_in_dim3A_189 : f32 to vector<16xf32>
    %swap3A_191 = arith.constant 3 : i32
    %swap3A_192 = arith.constant 0 : i32
    %swap3A_193 = arith.index_cast %swap3A_191 : i32 to index
    %swap3A_194 = arith.index_cast %swap3A_192 : i32 to index
    %swap3A_195 = arith.constant 0 : index
    %swap3A_196 = tpu.vector_load %arg7[%swap3A_193, %swap3A_194, %swap3A_195] {strides = array<i32>} : memref<10x3x16xf32, #tpu.memory_space<vmem>>, vector<1x1x16xf32>,
    %swap3A_197 = vector.shape_cast %swap3A_196 : vector<1x1x16xf32> to vector<16xf32>
    %swap3A_198 = vector.shape_cast %broadcast_in_dim3A_190 : vector<16xf32> to vector<1x1x16xf32>
    tpu.vector_store %arg7[%swap3A_193, %swap3A_194, %swap3A_195], %swap3A_198 {strides = array<i32>} : memref<10x3x16xf32, #tpu.memory_space<vmem>>, vector<1x1x16xf32>,
    %broadcast_in_dim3A_199 = arith.constant -3.000000e+38 : f32
    %broadcast_in_dim3A_200 = vector.broadcast %broadcast_in_dim3A_199 : f32 to vector<16xf32>
    %swap3A_201 = arith.constant 3 : i32
    %swap3A_202 = arith.constant 1 : i32
    %swap3A_203 = arith.index_cast %swap3A_201 : i32 to index
    %swap3A_204 = arith.index_cast %swap3A_202 : i32 to index
    %swap3A_205 = arith.constant 0 : index
    %swap3A_206 = tpu.vector_load %arg6[%swap3A_203, %swap3A_204, %swap3A_205] {strides = array<i32>} : memref<10x3x16xf32, #tpu.memory_space<vmem>>, vector<1x1x16xf32>,
    %swap3A_207 = vector.shape_cast %swap3A_206 : vector<1x1x16xf32> to vector<16xf32>
    %swap3A_208 = vector.shape_cast %broadcast_in_dim3A_200 : vector<16xf32> to vector<1x1x16xf32>
    tpu.vector_store %arg6[%swap3A_203, %swap3A_204, %swap3A_205], %swap3A_208 {strides = array<i32>} : memref<10x3x16xf32, #tpu.memory_space<vmem>>, vector<1x1x16xf32>,
    %broadcast_in_dim3A_209 = arith.constant 3.000000e+38 : f32
    %broadcast_in_dim3A_210 = vector.broadcast %broadcast_in_dim3A_209 : f32 to vector<16xf32>
    %swap3A_211 = arith.constant 3 : i32
    %swap3A_212 = arith.constant 1 : i32
    %swap3A_213 = arith.index_cast %swap3A_211 : i32 to index
    %swap3A_214 = arith.index_cast %swap3A_212 : i32 to index
    %swap3A_215 = arith.constant 0 : index
    %swap3A_216 = tpu.vector_load %arg7[%swap3A_213, %swap3A_214, %swap3A_215] {strides = array<i32>} : memref<10x3x16xf32, #tpu.memory_space<vmem>>, vector<1x1x16xf32>,
    %swap3A_217 = vector.shape_cast %swap3A_216 : vector<1x1x16xf32> to vector<16xf32>
    %swap3A_218 = vector.shape_cast %broadcast_in_dim3A_210 : vector<16xf32> to vector<1x1x16xf32>
    tpu.vector_store %arg7[%swap3A_213, %swap3A_214, %swap3A_215], %swap3A_218 {strides = array<i32>} : memref<10x3x16xf32, #tpu.memory_space<vmem>>, vector<1x1x16xf32>,
    %broadcast_in_dim3A_219 = arith.constant -3.000000e+38 : f32
    %broadcast_in_dim3A_220 = vector.broadcast %broadcast_in_dim3A_219 : f32 to vector<16xf32>
    %swap3A_221 = arith.constant 3 : i32
    %swap3A_222 = arith.constant 2 : i32
    %swap3A_223 = arith.index_cast %swap3A_221 : i32 to index
    %swap3A_224 = arith.index_cast %swap3A_222 : i32 to index
    %swap3A_225 = arith.constant 0 : index
    %swap3A_226 = tpu.vector_load %arg6[%swap3A_223, %swap3A_224, %swap3A_225] {strides = array<i32>} : memref<10x3x16xf32, #tpu.memory_space<vmem>>, vector<1x1x16xf32>,
    %swap3A_227 = vector.shape_cast %swap3A_226 : vector<1x1x16xf32> to vector<16xf32>
    %swap3A_228 = vector.shape_cast %broadcast_in_dim3A_220 : vector<16xf32> to vector<1x1x16xf32>
    tpu.vector_store %arg6[%swap3A_223, %swap3A_224, %swap3A_225], %swap3A_228 {strides = array<i32>} : memref<10x3x16xf32, #tpu.memory_space<vmem>>, vector<1x1x16xf32>,
    %broadcast_in_dim3A_229 = arith.constant 3.000000e+38 : f32
    %broadcast_in_dim3A_230 = vector.broadcast %broadcast_in_dim3A_229 : f32 to vector<16xf32>
    %swap3A_231 = arith.constant 3 : i32
    %swap3A_232 = arith.constant 2 : i32
    %swap3A_233 = arith.index_cast %swap3A_231 : i32 to index
    %swap3A_234 = arith.index_cast %swap3A_232 : i32 to index
    %swap3A_235 = arith.constant 0 : index
    %swap3A_236 = tpu.vector_load %arg7[%swap3A_233, %swap3A_234, %swap3A_235] {strides = array<i32>} : memref<10x3x16xf32, #tpu.memory_space<vmem>>, vector<1x1x16xf32>,
    %swap3A_237 = vector.shape_cast %swap3A_236 : vector<1x1x16xf32> to vector<16xf32>
    %swap3A_238 = vector.shape_cast %broadcast_in_dim3A_230 : vector<16xf32> to vector<1x1x16xf32>
    tpu.vector_store %arg7[%swap3A_233, %swap3A_234, %swap3A_235], %swap3A_238 {strides = array<i32>} : memref<10x3x16xf32, #tpu.memory_space<vmem>>, vector<1x1x16xf32>,
    %broadcast_in_dim3A_239 = arith.constant -3.000000e+38 : f32
    %broadcast_in_dim3A_240 = vector.broadcast %broadcast_in_dim3A_239 : f32 to vector<16xf32>
    %swap3A_241 = arith.constant 4 : i32
    %swap3A_242 = arith.constant 0 : i32
    %swap3A_243 = arith.index_cast %swap3A_241 : i32 to index
    %swap3A_244 = arith.index_cast %swap3A_242 : i32 to index
    %swap3A_245 = arith.constant 0 : index
    %swap3A_246 = tpu.vector_load %arg6[%swap3A_243, %swap3A_244, %swap3A_245] {strides = array<i32>} : memref<10x3x16xf32, #tpu.memory_space<vmem>>, vector<1x1x16xf32>,
    %swap3A_247 = vector.shape_cast %swap3A_246 : vector<1x1x16xf32> to vector<16xf32>
    %swap3A_248 = vector.shape_cast %broadcast_in_dim3A_240 : vector<16xf32> to vector<1x1x16xf32>
    tpu.vector_store %arg6[%swap3A_243, %swap3A_244, %swap3A_245], %swap3A_248 {strides = array<i32>} : memref<10x3x16xf32, #tpu.memory_space<vmem>>, vector<1x1x16xf32>,
    %broadcast_in_dim3A_249 = arith.constant 3.000000e+38 : f32
    %broadcast_in_dim3A_250 = vector.broadcast %broadcast_in_dim3A_249 : f32 to vector<16xf32>
    %swap3A_251 = arith.constant 4 : i32
    %swap3A_252 = arith.constant 0 : i32
    %swap3A_253 = arith.index_cast %swap3A_251 : i32 to index
    %swap3A_254 = arith.index_cast %swap3A_252 : i32 to index
    %swap3A_255 = arith.constant 0 : index
    %swap3A_256 = tpu.vector_load %arg7[%swap3A_253, %swap3A_254, %swap3A_255] {strides = array<i32>} : memref<10x3x16xf32, #tpu.memory_space<vmem>>, vector<1x1x16xf32>,
    %swap3A_257 = vector.shape_cast %swap3A_256 : vector<1x1x16xf32> to vector<16xf32>
    %swap3A_258 = vector.shape_cast %broadcast_in_dim3A_250 : vector<16xf32> to vector<1x1x16xf32>
    tpu.vector_store %arg7[%swap3A_253, %swap3A_254, %swap3A_255], %swap3A_258 {strides = array<i32>} : memref<10x3x16xf32, #tpu.memory_space<vmem>>, vector<1x1x16xf32>,
    %broadcast_in_dim3A_259 = arith.constant -3.000000e+38 : f32
    %broadcast_in_dim3A_260 = vector.broadcast %broadcast_in_dim3A_259 : f32 to vector<16xf32>
    %swap3A_261 = arith.constant 4 : i32
    %swap3A_262 = arith.constant 1 : i32
    %swap3A_263 = arith.index_cast %swap3A_261 : i32 to index
    %swap3A_264 = arith.index_cast %swap3A_262 : i32 to index
    %swap3A_265 = arith.constant 0 : index
    %swap3A_266 = tpu.vector_load %arg6[%swap3A_263, %swap3A_264, %swap3A_265] {strides = array<i32>} : memref<10x3x16xf32, #tpu.memory_space<vmem>>, vector<1x1x16xf32>,
    %swap3A_267 = vector.shape_cast %swap3A_266 : vector<1x1x16xf32> to vector<16xf32>
    %swap3A_268 = vector.shape_cast %broadcast_in_dim3A_260 : vector<16xf32> to vector<1x1x16xf32>
    tpu.vector_store %arg6[%swap3A_263, %swap3A_264, %swap3A_265], %swap3A_268 {strides = array<i32>} : memref<10x3x16xf32, #tpu.memory_space<vmem>>, vector<1x1x16xf32>,
    %broadcast_in_dim3A_269 = arith.constant 3.000000e+38 : f32
    %broadcast_in_dim3A_270 = vector.broadcast %broadcast_in_dim3A_269 : f32 to vector<16xf32>
    %swap3A_271 = arith.constant 4 : i32
    %swap3A_272 = arith.constant 1 : i32
    %swap3A_273 = arith.index_cast %swap3A_271 : i32 to index
    %swap3A_274 = arith.index_cast %swap3A_272 : i32 to index
    %swap3A_275 = arith.constant 0 : index
    %swap3A_276 = tpu.vector_load %arg7[%swap3A_273, %swap3A_274, %swap3A_275] {strides = array<i32>} : memref<10x3x16xf32, #tpu.memory_space<vmem>>, vector<1x1x16xf32>,
    %swap3A_277 = vector.shape_cast %swap3A_276 : vector<1x1x16xf32> to vector<16xf32>
    %swap3A_278 = vector.shape_cast %broadcast_in_dim3A_270 : vector<16xf32> to vector<1x1x16xf32>
    tpu.vector_store %arg7[%swap3A_273, %swap3A_274, %swap3A_275], %swap3A_278 {strides = array<i32>} : memref<10x3x16xf32, #tpu.memory_space<vmem>>, vector<1x1x16xf32>,
    %broadcast_in_dim3A_279 = arith.constant -3.000000e+38 : f32
    %broadcast_in_dim3A_280 = vector.broadcast %broadcast_in_dim3A_279 : f32 to vector<16xf32>
    %swap3A_281 = arith.constant 4 : i32
    %swap3A_282 = arith.constant 2 : i32
    %swap3A_283 = arith.index_cast %swap3A_281 : i32 to index
    %swap3A_284 = arith.index_cast %swap3A_282 : i32 to index
    %swap3A_285 = arith.constant 0 : index
    %swap3A_286 = tpu.vector_load %arg6[%swap3A_283, %swap3A_284, %swap3A_285] {strides = array<i32>} : memref<10x3x16xf32, #tpu.memory_space<vmem>>, vector<1x1x16xf32>,
    %swap3A_287 = vector.shape_cast %swap3A_286 : vector<1x1x16xf32> to vector<16xf32>
    %swap3A_288 = vector.shape_cast %broadcast_in_dim3A_280 : vector<16xf32> to vector<1x1x16xf32>
    tpu.vector_store %arg6[%swap3A_283, %swap3A_284, %swap3A_285], %swap3A_288 {strides = array<i32>} : memref<10x3x16xf32, #tpu.memory_space<vmem>>, vector<1x1x16xf32>,
    %broadcast_in_dim3A_289 = arith.constant 3.000000e+38 : f32
    %broadcast_in_dim3A_290 = vector.broadcast %broadcast_in_dim3A_289 : f32 to vector<16xf32>
    %swap3A_291 = arith.constant 4 : i32
    %swap3A_292 = arith.constant 2 : i32
    %swap3A_293 = arith.index_cast %swap3A_291 : i32 to index
    %swap3A_294 = arith.index_cast %swap3A_292 : i32 to index
    %swap3A_295 = arith.constant 0 : index
    %swap3A_296 = tpu.vector_load %arg7[%swap3A_293, %swap3A_294, %swap3A_295] {strides = array<i32>} : memref<10x3x16xf32, #tpu.memory_space<vmem>>, vector<1x1x16xf32>,
    %swap3A_297 = vector.shape_cast %swap3A_296 : vector<1x1x16xf32> to vector<16xf32>
    %swap3A_298 = vector.shape_cast %broadcast_in_dim3A_290 : vector<16xf32> to vector<1x1x16xf32>
    tpu.vector_store %arg7[%swap3A_293, %swap3A_294, %swap3A_295], %swap3A_298 {strides = array<i32>} : memref<10x3x16xf32, #tpu.memory_space<vmem>>, vector<1x1x16xf32>,
    %broadcast_in_dim3A_299 = arith.constant -3.000000e+38 : f32
    %broadcast_in_dim3A_300 = vector.broadcast %broadcast_in_dim3A_299 : f32 to vector<16xf32>
    %swap3A_301 = arith.constant 5 : i32
    %swap3A_302 = arith.constant 0 : i32
    %swap3A_303 = arith.index_cast %swap3A_301 : i32 to index
    %swap3A_304 = arith.index_cast %swap3A_302 : i32 to index
    %swap3A_305 = arith.constant 0 : index
    %swap3A_306 = tpu.vector_load %arg6[%swap3A_303, %swap3A_304, %swap3A_305] {strides = array<i32>} : memref<10x3x16xf32, #tpu.memory_space<vmem>>, vector<1x1x16xf32>,
    %swap3A_307 = vector.shape_cast %swap3A_306 : vector<1x1x16xf32> to vector<16xf32>
    %swap3A_308 = vector.shape_cast %broadcast_in_dim3A_300 : vector<16xf32> to vector<1x1x16xf32>
    tpu.vector_store %arg6[%swap3A_303, %swap3A_304, %swap3A_305], %swap3A_308 {strides = array<i32>} : memref<10x3x16xf32, #tpu.memory_space<vmem>>, vector<1x1x16xf32>,
    %broadcast_in_dim3A_309 = arith.constant 3.000000e+38 : f32
    %broadcast_in_dim3A_310 = vector.broadcast %broadcast_in_dim3A_309 : f32 to vector<16xf32>
    %swap3A_311 = arith.constant 5 : i32
    %swap3A_312 = arith.constant 0 : i32
    %swap3A_313 = arith.index_cast %swap3A_311 : i32 to index
    %swap3A_314 = arith.index_cast %swap3A_312 : i32 to index
    %swap3A_315 = arith.constant 0 : index
    %swap3A_316 = tpu.vector_load %arg7[%swap3A_313, %swap3A_314, %swap3A_315] {strides = array<i32>} : memref<10x3x16xf32, #tpu.memory_space<vmem>>, vector<1x1x16xf32>,
    %swap3A_317 = vector.shape_cast %swap3A_316 : vector<1x1x16xf32> to vector<16xf32>
    %swap3A_318 = vector.shape_cast %broadcast_in_dim3A_310 : vector<16xf32> to vector<1x1x16xf32>
    tpu.vector_store %arg7[%swap3A_313, %swap3A_314, %swap3A_315], %swap3A_318 {strides = array<i32>} : memref<10x3x16xf32, #tpu.memory_space<vmem>>, vector<1x1x16xf32>,
    %broadcast_in_dim3A_319 = arith.constant -3.000000e+38 : f32
    %broadcast_in_dim3A_320 = vector.broadcast %broadcast_in_dim3A_319 : f32 to vector<16xf32>
    %swap3A_321 = arith.constant 5 : i32
    %swap3A_322 = arith.constant 1 : i32
    %swap3A_323 = arith.index_cast %swap3A_321 : i32 to index
    %swap3A_324 = arith.index_cast %swap3A_322 : i32 to index
    %swap3A_325 = arith.constant 0 : index
    %swap3A_326 = tpu.vector_load %arg6[%swap3A_323, %swap3A_324, %swap3A_325] {strides = array<i32>} : memref<10x3x16xf32, #tpu.memory_space<vmem>>, vector<1x1x16xf32>,
    %swap3A_327 = vector.shape_cast %swap3A_326 : vector<1x1x16xf32> to vector<16xf32>
    %swap3A_328 = vector.shape_cast %broadcast_in_dim3A_320 : vector<16xf32> to vector<1x1x16xf32>
    tpu.vector_store %arg6[%swap3A_323, %swap3A_324, %swap3A_325], %swap3A_328 {strides = array<i32>} : memref<10x3x16xf32, #tpu.memory_space<vmem>>, vector<1x1x16xf32>,
    %broadcast_in_dim3A_329 = arith.constant 3.000000e+38 : f32
    %broadcast_in_dim3A_330 = vector.broadcast %broadcast_in_dim3A_329 : f32 to vector<16xf32>
    %swap3A_331 = arith.constant 5 : i32
    %swap3A_332 = arith.constant 1 : i32
    %swap3A_333 = arith.index_cast %swap3A_331 : i32 to index
    %swap3A_334 = arith.index_cast %swap3A_332 : i32 to index
    %swap3A_335 = arith.constant 0 : index
    %swap3A_336 = tpu.vector_load %arg7[%swap3A_333, %swap3A_334, %swap3A_335] {strides = array<i32>} : memref<10x3x16xf32, #tpu.memory_space<vmem>>, vector<1x1x16xf32>,
    %swap3A_337 = vector.shape_cast %swap3A_336 : vector<1x1x16xf32> to vector<16xf32>
    %swap3A_338 = vector.shape_cast %broadcast_in_dim3A_330 : vector<16xf32> to vector<1x1x16xf32>
    tpu.vector_store %arg7[%swap3A_333, %swap3A_334, %swap3A_335], %swap3A_338 {strides = array<i32>} : memref<10x3x16xf32, #tpu.memory_space<vmem>>, vector<1x1x16xf32>,
    %broadcast_in_dim3A_339 = arith.constant -3.000000e+38 : f32
    %broadcast_in_dim3A_340 = vector.broadcast %broadcast_in_dim3A_339 : f32 to vector<16xf32>
    %swap3A_341 = arith.constant 5 : i32
    %swap3A_342 = arith.constant 2 : i32
    %swap3A_343 = arith.index_cast %swap3A_341 : i32 to index
    %swap3A_344 = arith.index_cast %swap3A_342 : i32 to index
    %swap3A_345 = arith.constant 0 : index
    %swap3A_346 = tpu.vector_load %arg6[%swap3A_343, %swap3A_344, %swap3A_345] {strides = array<i32>} : memref<10x3x16xf32, #tpu.memory_space<vmem>>, vector<1x1x16xf32>,
    %swap3A_347 = vector.shape_cast %swap3A_346 : vector<1x1x16xf32> to vector<16xf32>
    %swap3A_348 = vector.shape_cast %broadcast_in_dim3A_340 : vector<16xf32> to vector<1x1x16xf32>
    tpu.vector_store %arg6[%swap3A_343, %swap3A_344, %swap3A_345], %swap3A_348 {strides = array<i32>} : memref<10x3x16xf32, #tpu.memory_space<vmem>>, vector<1x1x16xf32>,
    %broadcast_in_dim3A_349 = arith.constant 3.000000e+38 : f32
    %broadcast_in_dim3A_350 = vector.broadcast %broadcast_in_dim3A_349 : f32 to vector<16xf32>
    %swap3A_351 = arith.constant 5 : i32
    %swap3A_352 = arith.constant 2 : i32
    %swap3A_353 = arith.index_cast %swap3A_351 : i32 to index
    %swap3A_354 = arith.index_cast %swap3A_352 : i32 to index
    %swap3A_355 = arith.constant 0 : index
    %swap3A_356 = tpu.vector_load %arg7[%swap3A_353, %swap3A_354, %swap3A_355] {strides = array<i32>} : memref<10x3x16xf32, #tpu.memory_space<vmem>>, vector<1x1x16xf32>,
    %swap3A_357 = vector.shape_cast %swap3A_356 : vector<1x1x16xf32> to vector<16xf32>
    %swap3A_358 = vector.shape_cast %broadcast_in_dim3A_350 : vector<16xf32> to vector<1x1x16xf32>
    tpu.vector_store %arg7[%swap3A_353, %swap3A_354, %swap3A_355], %swap3A_358 {strides = array<i32>} : memref<10x3x16xf32, #tpu.memory_space<vmem>>, vector<1x1x16xf32>,
    %broadcast_in_dim3A_359 = arith.constant -3.000000e+38 : f32
    %broadcast_in_dim3A_360 = vector.broadcast %broadcast_in_dim3A_359 : f32 to vector<16xf32>
    %swap3A_361 = arith.constant 6 : i32
    %swap3A_362 = arith.constant 0 : i32
    %swap3A_363 = arith.index_cast %swap3A_361 : i32 to index
    %swap3A_364 = arith.index_cast %swap3A_362 : i32 to index
    %swap3A_365 = arith.constant 0 : index
    %swap3A_366 = tpu.vector_load %arg6[%swap3A_363, %swap3A_364, %swap3A_365] {strides = array<i32>} : memref<10x3x16xf32, #tpu.memory_space<vmem>>, vector<1x1x16xf32>,
    %swap3A_367 = vector.shape_cast %swap3A_366 : vector<1x1x16xf32> to vector<16xf32>
    %swap3A_368 = vector.shape_cast %broadcast_in_dim3A_360 : vector<16xf32> to vector<1x1x16xf32>
    tpu.vector_store %arg6[%swap3A_363, %swap3A_364, %swap3A_365], %swap3A_368 {strides = array<i32>} : memref<10x3x16xf32, #tpu.memory_space<vmem>>, vector<1x1x16xf32>,
    %broadcast_in_dim3A_369 = arith.constant 3.000000e+38 : f32
    %broadcast_in_dim3A_370 = vector.broadcast %broadcast_in_dim3A_369 : f32 to vector<16xf32>
    %swap3A_371 = arith.constant 6 : i32
    %swap3A_372 = arith.constant 0 : i32
    %swap3A_373 = arith.index_cast %swap3A_371 : i32 to index
    %swap3A_374 = arith.index_cast %swap3A_372 : i32 to index
    %swap3A_375 = arith.constant 0 : index
    %swap3A_376 = tpu.vector_load %arg7[%swap3A_373, %swap3A_374, %swap3A_375] {strides = array<i32>} : memref<10x3x16xf32, #tpu.memory_space<vmem>>, vector<1x1x16xf32>,
    %swap3A_377 = vector.shape_cast %swap3A_376 : vector<1x1x16xf32> to vector<16xf32>
    %swap3A_378 = vector.shape_cast %broadcast_in_dim3A_370 : vector<16xf32> to vector<1x1x16xf32>
    tpu.vector_store %arg7[%swap3A_373, %swap3A_374, %swap3A_375], %swap3A_378 {strides = array<i32>} : memref<10x3x16xf32, #tpu.memory_space<vmem>>, vector<1x1x16xf32>,
    %broadcast_in_dim3A_379 = arith.constant -3.000000e+38 : f32
    %broadcast_in_dim3A_380 = vector.broadcast %broadcast_in_dim3A_379 : f32 to vector<16xf32>
    %swap3A_381 = arith.constant 6 : i32
    %swap3A_382 = arith.constant 1 : i32
    %swap3A_383 = arith.index_cast %swap3A_381 : i32 to index
    %swap3A_384 = arith.index_cast %swap3A_382 : i32 to index
    %swap3A_385 = arith.constant 0 : index
    %swap3A_386 = tpu.vector_load %arg6[%swap3A_383, %swap3A_384, %swap3A_385] {strides = array<i32>} : memref<10x3x16xf32, #tpu.memory_space<vmem>>, vector<1x1x16xf32>,
    %swap3A_387 = vector.shape_cast %swap3A_386 : vector<1x1x16xf32> to vector<16xf32>
    %swap3A_388 = vector.shape_cast %broadcast_in_dim3A_380 : vector<16xf32> to vector<1x1x16xf32>
    tpu.vector_store %arg6[%swap3A_383, %swap3A_384, %swap3A_385], %swap3A_388 {strides = array<i32>} : memref<10x3x16xf32, #tpu.memory_space<vmem>>, vector<1x1x16xf32>,
    %broadcast_in_dim3A_389 = arith.constant 3.000000e+38 : f32
    %broadcast_in_dim3A_390 = vector.broadcast %broadcast_in_dim3A_389 : f32 to vector<16xf32>
    %swap3A_391 = arith.constant 6 : i32
    %swap3A_392 = arith.constant 1 : i32
    %swap3A_393 = arith.index_cast %swap3A_391 : i32 to index
    %swap3A_394 = arith.index_cast %swap3A_392 : i32 to index
    %swap3A_395 = arith.constant 0 : index
    %swap3A_396 = tpu.vector_load %arg7[%swap3A_393, %swap3A_394, %swap3A_395] {strides = array<i32>} : memref<10x3x16xf32, #tpu.memory_space<vmem>>, vector<1x1x16xf32>,
    %swap3A_397 = vector.shape_cast %swap3A_396 : vector<1x1x16xf32> to vector<16xf32>
    %swap3A_398 = vector.shape_cast %broadcast_in_dim3A_390 : vector<16xf32> to vector<1x1x16xf32>
    tpu.vector_store %arg7[%swap3A_393, %swap3A_394, %swap3A_395], %swap3A_398 {strides = array<i32>} : memref<10x3x16xf32, #tpu.memory_space<vmem>>, vector<1x1x16xf32>,
    %broadcast_in_dim3A_399 = arith.constant -3.000000e+38 : f32
    %broadcast_in_dim3A_400 = vector.broadcast %broadcast_in_dim3A_399 : f32 to vector<16xf32>
    %swap3A_401 = arith.constant 6 : i32
    %swap3A_402 = arith.constant 2 : i32
    %swap3A_403 = arith.index_cast %swap3A_401 : i32 to index
    %swap3A_404 = arith.index_cast %swap3A_402 : i32 to index
    %swap3A_405 = arith.constant 0 : index
    %swap3A_406 = tpu.vector_load %arg6[%swap3A_403, %swap3A_404, %swap3A_405] {strides = array<i32>} : memref<10x3x16xf32, #tpu.memory_space<vmem>>, vector<1x1x16xf32>,
    %swap3A_407 = vector.shape_cast %swap3A_406 : vector<1x1x16xf32> to vector<16xf32>
    %swap3A_408 = vector.shape_cast %broadcast_in_dim3A_400 : vector<16xf32> to vector<1x1x16xf32>
    tpu.vector_store %arg6[%swap3A_403, %swap3A_404, %swap3A_405], %swap3A_408 {strides = array<i32>} : memref<10x3x16xf32, #tpu.memory_space<vmem>>, vector<1x1x16xf32>,
    %broadcast_in_dim3A_409 = arith.constant 3.000000e+38 : f32
    %broadcast_in_dim3A_410 = vector.broadcast %broadcast_in_dim3A_409 : f32 to vector<16xf32>
    %swap3A_411 = arith.constant 6 : i32
    %swap3A_412 = arith.constant 2 : i32
    %swap3A_413 = arith.index_cast %swap3A_411 : i32 to index
    %swap3A_414 = arith.index_cast %swap3A_412 : i32 to index
    %swap3A_415 = arith.constant 0 : index
    %swap3A_416 = tpu.vector_load %arg7[%swap3A_413, %swap3A_414, %swap3A_415] {strides = array<i32>} : memref<10x3x16xf32, #tpu.memory_space<vmem>>, vector<1x1x16xf32>,
    %swap3A_417 = vector.shape_cast %swap3A_416 : vector<1x1x16xf32> to vector<16xf32>
    %swap3A_418 = vector.shape_cast %broadcast_in_dim3A_410 : vector<16xf32> to vector<1x1x16xf32>
    tpu.vector_store %arg7[%swap3A_413, %swap3A_414, %swap3A_415], %swap3A_418 {strides = array<i32>} : memref<10x3x16xf32, #tpu.memory_space<vmem>>, vector<1x1x16xf32>,
    %broadcast_in_dim3A_419 = arith.constant -3.000000e+38 : f32
    %broadcast_in_dim3A_420 = vector.broadcast %broadcast_in_dim3A_419 : f32 to vector<16xf32>
    %swap3A_421 = arith.constant 7 : i32
    %swap3A_422 = arith.constant 0 : i32
    %swap3A_423 = arith.index_cast %swap3A_421 : i32 to index
    %swap3A_424 = arith.index_cast %swap3A_422 : i32 to index
    %swap3A_425 = arith.constant 0 : index
    %swap3A_426 = tpu.vector_load %arg6[%swap3A_423, %swap3A_424, %swap3A_425] {strides = array<i32>} : memref<10x3x16xf32, #tpu.memory_space<vmem>>, vector<1x1x16xf32>,
    %swap3A_427 = vector.shape_cast %swap3A_426 : vector<1x1x16xf32> to vector<16xf32>
    %swap3A_428 = vector.shape_cast %broadcast_in_dim3A_420 : vector<16xf32> to vector<1x1x16xf32>
    tpu.vector_store %arg6[%swap3A_423, %swap3A_424, %swap3A_425], %swap3A_428 {strides = array<i32>} : memref<10x3x16xf32, #tpu.memory_space<vmem>>, vector<1x1x16xf32>,
    %broadcast_in_dim3A_429 = arith.constant 3.000000e+38 : f32
    %broadcast_in_dim3A_430 = vector.broadcast %broadcast_in_dim3A_429 : f32 to vector<16xf32>
    %swap3A_431 = arith.constant 7 : i32
    %swap3A_432 = arith.constant 0 : i32
    %swap3A_433 = arith.index_cast %swap3A_431 : i32 to index
    %swap3A_434 = arith.index_cast %swap3A_432 : i32 to index
    %swap3A_435 = arith.constant 0 : index
    %swap3A_436 = tpu.vector_load %arg7[%swap3A_433, %swap3A_434, %swap3A_435] {strides = array<i32>} : memref<10x3x16xf32, #tpu.memory_space<vmem>>, vector<1x1x16xf32>,
    %swap3A_437 = vector.shape_cast %swap3A_436 : vector<1x1x16xf32> to vector<16xf32>
    %swap3A_438 = vector.shape_cast %broadcast_in_dim3A_430 : vector<16xf32> to vector<1x1x16xf32>
    tpu.vector_store %arg7[%swap3A_433, %swap3A_434, %swap3A_435], %swap3A_438 {strides = array<i32>} : memref<10x3x16xf32, #tpu.memory_space<vmem>>, vector<1x1x16xf32>,
    %broadcast_in_dim3A_439 = arith.constant -3.000000e+38 : f32
    %broadcast_in_dim3A_440 = vector.broadcast %broadcast_in_dim3A_439 : f32 to vector<16xf32>
    %swap3A_441 = arith.constant 7 : i32
    %swap3A_442 = arith.constant 1 : i32
    %swap3A_443 = arith.index_cast %swap3A_441 : i32 to index
    %swap3A_444 = arith.index_cast %swap3A_442 : i32 to index
    %swap3A_445 = arith.constant 0 : index
    %swap3A_446 = tpu.vector_load %arg6[%swap3A_443, %swap3A_444, %swap3A_445] {strides = array<i32>} : memref<10x3x16xf32, #tpu.memory_space<vmem>>, vector<1x1x16xf32>,
    %swap3A_447 = vector.shape_cast %swap3A_446 : vector<1x1x16xf32> to vector<16xf32>
    %swap3A_448 = vector.shape_cast %broadcast_in_dim3A_440 : vector<16xf32> to vector<1x1x16xf32>
    tpu.vector_store %arg6[%swap3A_443, %swap3A_444, %swap3A_445], %swap3A_448 {strides = array<i32>} : memref<10x3x16xf32, #tpu.memory_space<vmem>>, vector<1x1x16xf32>,
    %broadcast_in_dim3A_449 = arith.constant 3.000000e+38 : f32
    %broadcast_in_dim3A_450 = vector.broadcast %broadcast_in_dim3A_449 : f32 to vector<16xf32>
    %swap3A_451 = arith.constant 7 : i32
    %swap3A_452 = arith.constant 1 : i32
    %swap3A_453 = arith.index_cast %swap3A_451 : i32 to index
    %swap3A_454 = arith.index_cast %swap3A_452 : i32 to index
    %swap3A_455 = arith.constant 0 : index
    %swap3A_456 = tpu.vector_load %arg7[%swap3A_453, %swap3A_454, %swap3A_455] {strides = array<i32>} : memref<10x3x16xf32, #tpu.memory_space<vmem>>, vector<1x1x16xf32>,
    %swap3A_457 = vector.shape_cast %swap3A_456 : vector<1x1x16xf32> to vector<16xf32>
    %swap3A_458 = vector.shape_cast %broadcast_in_dim3A_450 : vector<16xf32> to vector<1x1x16xf32>
    tpu.vector_store %arg7[%swap3A_453, %swap3A_454, %swap3A_455], %swap3A_458 {strides = array<i32>} : memref<10x3x16xf32, #tpu.memory_space<vmem>>, vector<1x1x16xf32>,
    %broadcast_in_dim3A_459 = arith.constant -3.000000e+38 : f32
    %broadcast_in_dim3A_460 = vector.broadcast %broadcast_in_dim3A_459 : f32 to vector<16xf32>
    %swap3A_461 = arith.constant 7 : i32
    %swap3A_462 = arith.constant 2 : i32
    %swap3A_463 = arith.index_cast %swap3A_461 : i32 to index
    %swap3A_464 = arith.index_cast %swap3A_462 : i32 to index
    %swap3A_465 = arith.constant 0 : index
    %swap3A_466 = tpu.vector_load %arg6[%swap3A_463, %swap3A_464, %swap3A_465] {strides = array<i32>} : memref<10x3x16xf32, #tpu.memory_space<vmem>>, vector<1x1x16xf32>,
    %swap3A_467 = vector.shape_cast %swap3A_466 : vector<1x1x16xf32> to vector<16xf32>
    %swap3A_468 = vector.shape_cast %broadcast_in_dim3A_460 : vector<16xf32> to vector<1x1x16xf32>
    tpu.vector_store %arg6[%swap3A_463, %swap3A_464, %swap3A_465], %swap3A_468 {strides = array<i32>} : memref<10x3x16xf32, #tpu.memory_space<vmem>>, vector<1x1x16xf32>,
    %broadcast_in_dim3A_469 = arith.constant 3.000000e+38 : f32
    %broadcast_in_dim3A_470 = vector.broadcast %broadcast_in_dim3A_469 : f32 to vector<16xf32>
    %swap3A_471 = arith.constant 7 : i32
    %swap3A_472 = arith.constant 2 : i32
    %swap3A_473 = arith.index_cast %swap3A_471 : i32 to index
    %swap3A_474 = arith.index_cast %swap3A_472 : i32 to index
    %swap3A_475 = arith.constant 0 : index
    %swap3A_476 = tpu.vector_load %arg7[%swap3A_473, %swap3A_474, %swap3A_475] {strides = array<i32>} : memref<10x3x16xf32, #tpu.memory_space<vmem>>, vector<1x1x16xf32>,
    %swap3A_477 = vector.shape_cast %swap3A_476 : vector<1x1x16xf32> to vector<16xf32>
    %swap3A_478 = vector.shape_cast %broadcast_in_dim3A_470 : vector<16xf32> to vector<1x1x16xf32>
    tpu.vector_store %arg7[%swap3A_473, %swap3A_474, %swap3A_475], %swap3A_478 {strides = array<i32>} : memref<10x3x16xf32, #tpu.memory_space<vmem>>, vector<1x1x16xf32>,
    %broadcast_in_dim3A_479 = arith.constant -3.000000e+38 : f32
    %broadcast_in_dim3A_480 = vector.broadcast %broadcast_in_dim3A_479 : f32 to vector<16xf32>
    %swap3A_481 = arith.constant 8 : i32
    %swap3A_482 = arith.constant 0 : i32
    %swap3A_483 = arith.index_cast %swap3A_481 : i32 to index
    %swap3A_484 = arith.index_cast %swap3A_482 : i32 to index
    %swap3A_485 = arith.constant 0 : index
    %swap3A_486 = tpu.vector_load %arg6[%swap3A_483, %swap3A_484, %swap3A_485] {strides = array<i32>} : memref<10x3x16xf32, #tpu.memory_space<vmem>>, vector<1x1x16xf32>,
    %swap3A_487 = vector.shape_cast %swap3A_486 : vector<1x1x16xf32> to vector<16xf32>
    %swap3A_488 = vector.shape_cast %broadcast_in_dim3A_480 : vector<16xf32> to vector<1x1x16xf32>
    tpu.vector_store %arg6[%swap3A_483, %swap3A_484, %swap3A_485], %swap3A_488 {strides = array<i32>} : memref<10x3x16xf32, #tpu.memory_space<vmem>>, vector<1x1x16xf32>,
    %broadcast_in_dim3A_489 = arith.constant 3.000000e+38 : f32
    %broadcast_in_dim3A_490 = vector.broadcast %broadcast_in_dim3A_489 : f32 to vector<16xf32>
    %swap3A_491 = arith.constant 8 : i32
    %swap3A_492 = arith.constant 0 : i32
    %swap3A_493 = arith.index_cast %swap3A_491 : i32 to index
    %swap3A_494 = arith.index_cast %swap3A_492 : i32 to index
    %swap3A_495 = arith.constant 0 : index
    %swap3A_496 = tpu.vector_load %arg7[%swap3A_493, %swap3A_494, %swap3A_495] {strides = array<i32>} : memref<10x3x16xf32, #tpu.memory_space<vmem>>, vector<1x1x16xf32>,
    %swap3A_497 = vector.shape_cast %swap3A_496 : vector<1x1x16xf32> to vector<16xf32>
    %swap3A_498 = vector.shape_cast %broadcast_in_dim3A_490 : vector<16xf32> to vector<1x1x16xf32>
    tpu.vector_store %arg7[%swap3A_493, %swap3A_494, %swap3A_495], %swap3A_498 {strides = array<i32>} : memref<10x3x16xf32, #tpu.memory_space<vmem>>, vector<1x1x16xf32>,
    %broadcast_in_dim3A_499 = arith.constant -3.000000e+38 : f32
    %broadcast_in_dim3A_500 = vector.broadcast %broadcast_in_dim3A_499 : f32 to vector<16xf32>
    %swap3A_501 = arith.constant 8 : i32
    %swap3A_502 = arith.constant 1 : i32
    %swap3A_503 = arith.index_cast %swap3A_501 : i32 to index
    %swap3A_504 = arith.index_cast %swap3A_502 : i32 to index
    %swap3A_505 = arith.constant 0 : index
    %swap3A_506 = tpu.vector_load %arg6[%swap3A_503, %swap3A_504, %swap3A_505] {strides = array<i32>} : memref<10x3x16xf32, #tpu.memory_space<vmem>>, vector<1x1x16xf32>,
    %swap3A_507 = vector.shape_cast %swap3A_506 : vector<1x1x16xf32> to vector<16xf32>
    %swap3A_508 = vector.shape_cast %broadcast_in_dim3A_500 : vector<16xf32> to vector<1x1x16xf32>
    tpu.vector_store %arg6[%swap3A_503, %swap3A_504, %swap3A_505], %swap3A_508 {strides = array<i32>} : memref<10x3x16xf32, #tpu.memory_space<vmem>>, vector<1x1x16xf32>,
    %broadcast_in_dim3A_509 = arith.constant 3.000000e+38 : f32
    %broadcast_in_dim3A_510 = vector.broadcast %broadcast_in_dim3A_509 : f32 to vector<16xf32>
    %swap3A_511 = arith.constant 8 : i32
    %swap3A_512 = arith.constant 1 : i32
    %swap3A_513 = arith.index_cast %swap3A_511 : i32 to index
    %swap3A_514 = arith.index_cast %swap3A_512 : i32 to index
    %swap3A_515 = arith.constant 0 : index
    %swap3A_516 = tpu.vector_load %arg7[%swap3A_513, %swap3A_514, %swap3A_515] {strides = array<i32>} : memref<10x3x16xf32, #tpu.memory_space<vmem>>, vector<1x1x16xf32>,
    %swap3A_517 = vector.shape_cast %swap3A_516 : vector<1x1x16xf32> to vector<16xf32>
    %swap3A_518 = vector.shape_cast %broadcast_in_dim3A_510 : vector<16xf32> to vector<1x1x16xf32>
    tpu.vector_store %arg7[%swap3A_513, %swap3A_514, %swap3A_515], %swap3A_518 {strides = array<i32>} : memref<10x3x16xf32, #tpu.memory_space<vmem>>, vector<1x1x16xf32>,
    %broadcast_in_dim3A_519 = arith.constant -3.000000e+38 : f32
    %broadcast_in_dim3A_520 = vector.broadcast %broadcast_in_dim3A_519 : f32 to vector<16xf32>
    %swap3A_521 = arith.constant 8 : i32
    %swap3A_522 = arith.constant 2 : i32
    %swap3A_523 = arith.index_cast %swap3A_521 : i32 to index
    %swap3A_524 = arith.index_cast %swap3A_522 : i32 to index
    %swap3A_525 = arith.constant 0 : index
    %swap3A_526 = tpu.vector_load %arg6[%swap3A_523, %swap3A_524, %swap3A_525] {strides = array<i32>} : memref<10x3x16xf32, #tpu.memory_space<vmem>>, vector<1x1x16xf32>,
    %swap3A_527 = vector.shape_cast %swap3A_526 : vector<1x1x16xf32> to vector<16xf32>
    %swap3A_528 = vector.shape_cast %broadcast_in_dim3A_520 : vector<16xf32> to vector<1x1x16xf32>
    tpu.vector_store %arg6[%swap3A_523, %swap3A_524, %swap3A_525], %swap3A_528 {strides = array<i32>} : memref<10x3x16xf32, #tpu.memory_space<vmem>>, vector<1x1x16xf32>,
    %broadcast_in_dim3A_529 = arith.constant 3.000000e+38 : f32
    %broadcast_in_dim3A_530 = vector.broadcast %broadcast_in_dim3A_529 : f32 to vector<16xf32>
    %swap3A_531 = arith.constant 8 : i32
    %swap3A_532 = arith.constant 2 : i32
    %swap3A_533 = arith.index_cast %swap3A_531 : i32 to index
    %swap3A_534 = arith.index_cast %swap3A_532 : i32 to index
    %swap3A_535 = arith.constant 0 : index
    %swap3A_536 = tpu.vector_load %arg7[%swap3A_533, %swap3A_534, %swap3A_535] {strides = array<i32>} : memref<10x3x16xf32, #tpu.memory_space<vmem>>, vector<1x1x16xf32>,
    %swap3A_537 = vector.shape_cast %swap3A_536 : vector<1x1x16xf32> to vector<16xf32>
    %swap3A_538 = vector.shape_cast %broadcast_in_dim3A_530 : vector<16xf32> to vector<1x1x16xf32>
    tpu.vector_store %arg7[%swap3A_533, %swap3A_534, %swap3A_535], %swap3A_538 {strides = array<i32>} : memref<10x3x16xf32, #tpu.memory_space<vmem>>, vector<1x1x16xf32>,
    %broadcast_in_dim3A_539 = arith.constant -3.000000e+38 : f32
    %broadcast_in_dim3A_540 = vector.broadcast %broadcast_in_dim3A_539 : f32 to vector<16xf32>
    %swap3A_541 = arith.constant 9 : i32
    %swap3A_542 = arith.constant 0 : i32
    %swap3A_543 = arith.index_cast %swap3A_541 : i32 to index
    %swap3A_544 = arith.index_cast %swap3A_542 : i32 to index
    %swap3A_545 = arith.constant 0 : index
    %swap3A_546 = tpu.vector_load %arg6[%swap3A_543, %swap3A_544, %swap3A_545] {strides = array<i32>} : memref<10x3x16xf32, #tpu.memory_space<vmem>>, vector<1x1x16xf32>,
    %swap3A_547 = vector.shape_cast %swap3A_546 : vector<1x1x16xf32> to vector<16xf32>
    %swap3A_548 = vector.shape_cast %broadcast_in_dim3A_540 : vector<16xf32> to vector<1x1x16xf32>
    tpu.vector_store %arg6[%swap3A_543, %swap3A_544, %swap3A_545], %swap3A_548 {strides = array<i32>} : memref<10x3x16xf32, #tpu.memory_space<vmem>>, vector<1x1x16xf32>,
    %broadcast_in_dim3A_549 = arith.constant 3.000000e+38 : f32
    %broadcast_in_dim3A_550 = vector.broadcast %broadcast_in_dim3A_549 : f32 to vector<16xf32>
    %swap3A_551 = arith.constant 9 : i32
    %swap3A_552 = arith.constant 0 : i32
    %swap3A_553 = arith.index_cast %swap3A_551 : i32 to index
    %swap3A_554 = arith.index_cast %swap3A_552 : i32 to index
    %swap3A_555 = arith.constant 0 : index
    %swap3A_556 = tpu.vector_load %arg7[%swap3A_553, %swap3A_554, %swap3A_555] {strides = array<i32>} : memref<10x3x16xf32, #tpu.memory_space<vmem>>, vector<1x1x16xf32>,
    %swap3A_557 = vector.shape_cast %swap3A_556 : vector<1x1x16xf32> to vector<16xf32>
    %swap3A_558 = vector.shape_cast %broadcast_in_dim3A_550 : vector<16xf32> to vector<1x1x16xf32>
    tpu.vector_store %arg7[%swap3A_553, %swap3A_554, %swap3A_555], %swap3A_558 {strides = array<i32>} : memref<10x3x16xf32, #tpu.memory_space<vmem>>, vector<1x1x16xf32>,
    %broadcast_in_dim3A_559 = arith.constant -3.000000e+38 : f32
    %broadcast_in_dim3A_560 = vector.broadcast %broadcast_in_dim3A_559 : f32 to vector<16xf32>
    %swap3A_561 = arith.constant 9 : i32
    %swap3A_562 = arith.constant 1 : i32
    %swap3A_563 = arith.index_cast %swap3A_561 : i32 to index
    %swap3A_564 = arith.index_cast %swap3A_562 : i32 to index
    %swap3A_565 = arith.constant 0 : index
    %swap3A_566 = tpu.vector_load %arg6[%swap3A_563, %swap3A_564, %swap3A_565] {strides = array<i32>} : memref<10x3x16xf32, #tpu.memory_space<vmem>>, vector<1x1x16xf32>,
    %swap3A_567 = vector.shape_cast %swap3A_566 : vector<1x1x16xf32> to vector<16xf32>
    %swap3A_568 = vector.shape_cast %broadcast_in_dim3A_560 : vector<16xf32> to vector<1x1x16xf32>
    tpu.vector_store %arg6[%swap3A_563, %swap3A_564, %swap3A_565], %swap3A_568 {strides = array<i32>} : memref<10x3x16xf32, #tpu.memory_space<vmem>>, vector<1x1x16xf32>,
    %broadcast_in_dim3A_569 = arith.constant 3.000000e+38 : f32
    %broadcast_in_dim3A_570 = vector.broadcast %broadcast_in_dim3A_569 : f32 to vector<16xf32>
    %swap3A_571 = arith.constant 9 : i32
    %swap3A_572 = arith.constant 1 : i32
    %swap3A_573 = arith.index_cast %swap3A_571 : i32 to index
    %swap3A_574 = arith.index_cast %swap3A_572 : i32 to index
    %swap3A_575 = arith.constant 0 : index
    %swap3A_576 = tpu.vector_load %arg7[%swap3A_573, %swap3A_574, %swap3A_575] {strides = array<i32>} : memref<10x3x16xf32, #tpu.memory_space<vmem>>, vector<1x1x16xf32>,
    %swap3A_577 = vector.shape_cast %swap3A_576 : vector<1x1x16xf32> to vector<16xf32>
    %swap3A_578 = vector.shape_cast %broadcast_in_dim3A_570 : vector<16xf32> to vector<1x1x16xf32>
    tpu.vector_store %arg7[%swap3A_573, %swap3A_574, %swap3A_575], %swap3A_578 {strides = array<i32>} : memref<10x3x16xf32, #tpu.memory_space<vmem>>, vector<1x1x16xf32>,
    %broadcast_in_dim3A_579 = arith.constant -3.000000e+38 : f32
    %broadcast_in_dim3A_580 = vector.broadcast %broadcast_in_dim3A_579 : f32 to vector<16xf32>
    %swap3A_581 = arith.constant 9 : i32
    %swap3A_582 = arith.constant 2 : i32
    %swap3A_583 = arith.index_cast %swap3A_581 : i32 to index
    %swap3A_584 = arith.index_cast %swap3A_582 : i32 to index
    %swap3A_585 = arith.constant 0 : index
    %swap3A_586 = tpu.vector_load %arg6[%swap3A_583, %swap3A_584, %swap3A_585] {strides = array<i32>} : memref<10x3x16xf32, #tpu.memory_space<vmem>>, vector<1x1x16xf32>,
    %swap3A_587 = vector.shape_cast %swap3A_586 : vector<1x1x16xf32> to vector<16xf32>
    %swap3A_588 = vector.shape_cast %broadcast_in_dim3A_580 : vector<16xf32> to vector<1x1x16xf32>
    tpu.vector_store %arg6[%swap3A_583, %swap3A_584, %swap3A_585], %swap3A_588 {strides = array<i32>} : memref<10x3x16xf32, #tpu.memory_space<vmem>>, vector<1x1x16xf32>,
    %broadcast_in_dim3A_589 = arith.constant 3.000000e+38 : f32
    %broadcast_in_dim3A_590 = vector.broadcast %broadcast_in_dim3A_589 : f32 to vector<16xf32>
    %swap3A_591 = arith.constant 9 : i32
    %swap3A_592 = arith.constant 2 : i32
    %swap3A_593 = arith.index_cast %swap3A_591 : i32 to index
    %swap3A_594 = arith.index_cast %swap3A_592 : i32 to index
    %swap3A_595 = arith.constant 0 : index
    %swap3A_596 = tpu.vector_load %arg7[%swap3A_593, %swap3A_594, %swap3A_595] {strides = array<i32>} : memref<10x3x16xf32, #tpu.memory_space<vmem>>, vector<1x1x16xf32>,
    %swap3A_597 = vector.shape_cast %swap3A_596 : vector<1x1x16xf32> to vector<16xf32>
    %swap3A_598 = vector.shape_cast %broadcast_in_dim3A_590 : vector<16xf32> to vector<1x1x16xf32>
    tpu.vector_store %arg7[%swap3A_593, %swap3A_594, %swap3A_595], %swap3A_598 {strides = array<i32>} : memref<10x3x16xf32, #tpu.memory_space<vmem>>, vector<1x1x16xf32>,
    %lt3A = arith.constant 25 : i32
    %lt3A_599 = arith.cmpi slt, %add3A, %lt3A : i32
    %convert_element_type3A = arith.extui %lt3A_599 : i1 to i32
    %cond3A = arith.constant 0 : i32
    %cond3A_600 = arith.cmpi ne, %convert_element_type3A, %cond3A : i32
    scf.if %cond3A_600 {
      "tpu.region"() ({
        %run_scoped3A = tpu.sem_alloc : memref<!tpu.dma_semaphore, #tpu.memory_space<semaphore_mem>>
        %dma_start3A = arith.constant 0 : i32
        %dma_start3A_1130 = arith.constant 0 : i32
        %dma_start3A_1131 = tpu.memref_slice %arg2[%add3A, %dma_start3A, %dma_start3A_1130] : memref<25x8x4000xf32, #tpu.memory_space<hbm>> -> memref<1x8x4000xf32, #tpu.memory_space<hbm>>
        %dma_start3A_1132 = tpu.memref_squeeze %dma_start3A_1131 : memref<1x8x4000xf32, #tpu.memory_space<hbm>> -> memref<8x4000xf32, #tpu.memory_space<hbm>>
        %dma_start3A_1133 = arith.constant 0 : i32
        %dma_start3A_1134 = arith.constant 0 : i32
        %dma_start3A_1135 = tpu.memref_slice %arg2[%add3A, %dma_start3A_1133, %dma_start3A_1134] : memref<25x8x4000xf32, #tpu.memory_space<hbm>> -> memref<1x8x4000xf32, #tpu.memory_space<hbm>>
        %dma_start3A_1136 = tpu.memref_squeeze %dma_start3A_1135 : memref<1x8x4000xf32, #tpu.memory_space<hbm>> -> memref<8x4000xf32, #tpu.memory_space<hbm>>
        tpu.enqueue_dma source(%dma_start3A_1136 : memref<8x4000xf32, #tpu.memory_space<hbm>>) target(%arg5 : memref<8x4000xf32, #tpu.memory_space<vmem>>) target_semaphore(%run_scoped3A : memref<!tpu.dma_semaphore, #tpu.memory_space<semaphore_mem>>)
        %dma_wait3A = arith.constant 0 : i32
        %dma_wait3A_1137 = arith.constant 0 : i32
        %dma_wait3A_1138 = tpu.memref_slice %arg2[%add3A, %dma_wait3A, %dma_wait3A_1137] : memref<25x8x4000xf32, #tpu.memory_space<hbm>> -> memref<1x8x4000xf32, #tpu.memory_space<hbm>>
        %dma_wait3A_1139 = tpu.memref_squeeze %dma_wait3A_1138 : memref<1x8x4000xf32, #tpu.memory_space<hbm>> -> memref<8x4000xf32, #tpu.memory_space<hbm>>
        %dma_wait3A_1140 = arith.constant 0 : i32
        %dma_wait3A_1141 = arith.constant 0 : i32
        %dma_wait3A_1142 = tpu.memref_slice %arg2[%add3A, %dma_wait3A_1140, %dma_wait3A_1141] : memref<25x8x4000xf32, #tpu.memory_space<hbm>> -> memref<1x8x4000xf32, #tpu.memory_space<hbm>>
        %dma_wait3A_1143 = tpu.memref_squeeze %dma_wait3A_1142 : memref<1x8x4000xf32, #tpu.memory_space<hbm>> -> memref<8x4000xf32, #tpu.memory_space<hbm>>
        tpu.wait_dma2 semaphore(%run_scoped3A : memref<!tpu.dma_semaphore, #tpu.memory_space<semaphore_mem>>) src(%dma_wait3A_1143 : memref<8x4000xf32, #tpu.memory_space<hbm>>) dst(%arg5 : memref<8x4000xf32, #tpu.memory_space<vmem>>)
        tpu.yield
      }) : () -> ()
      %broadcast_in_dim3A_601 = arith.constant -3.000000e+38 : f32
      %broadcast_in_dim3A_602 = vector.broadcast %broadcast_in_dim3A_601 : f32 to vector<16xf32>
      %broadcast_in_dim3A_603 = arith.constant 3.000000e+38 : f32
      %broadcast_in_dim3A_604 = vector.broadcast %broadcast_in_dim3A_603 : f32 to vector<16xf32>
      %scan3A = arith.constant 0 : i32
      %scan3A_605 = arith.constant 250 : i32
      %scan3A_606 = arith.addi %scan3A, %scan3A_605 : i32
      %scan3A_607 = arith.constant 1 : i32
      %scan3A_608:12 = scf.for %scan3A_1130 = %scan3A to %scan3A_606 step %scan3A_607 iter_args(%scan3A_1131 = %broadcast_in_dim3A_602, %scan3A_1132 = %broadcast_in_dim3A_602, %scan3A_1133 = %broadcast_in_dim3A_602, %scan3A_1134 = %broadcast_in_dim3A_604, %scan3A_1135 = %broadcast_in_dim3A_604, %scan3A_1136 = %broadcast_in_dim3A_604, %scan3A_1137 = %broadcast_in_dim3A_602, %scan3A_1138 = %broadcast_in_dim3A_602, %scan3A_1139 = %broadcast_in_dim3A_602, %scan3A_1140 = %broadcast_in_dim3A_604, %scan3A_1141 = %broadcast_in_dim3A_604, %scan3A_1142 = %broadcast_in_dim3A_604) -> (vector<16xf32>, vector<16xf32>, vector<16xf32>, vector<16xf32>, vector<16xf32>, vector<16xf32>, vector<16xf32>, vector<16xf32>, vector<16xf32>, vector<16xf32>, vector<16xf32>, vector<16xf32>)  : i32 {
        %mul3A_1143 = arith.constant 16 : i32
        %mul3A_1144 = arith.muli %scan3A_1130, %mul3A_1143 : i32
        %get3A = arith.constant 4 : i32
        %get3A_1145 = arith.index_cast %get3A : i32 to index
        %get3A_1146 = arith.index_cast %mul3A_1144 : i32 to index
        %get3A_1147 = tpu.vector_load %arg5[%get3A_1145, %get3A_1146] {strides = array<i32>} : memref<8x4000xf32, #tpu.memory_space<vmem>>, vector<1x16xf32>,
        %get3A_1148 = vector.shape_cast %get3A_1147 : vector<1x16xf32> to vector<16xf32>
        %get3A_1149 = arith.constant 5 : i32
        %get3A_1150 = arith.index_cast %get3A_1149 : i32 to index
        %get3A_1151 = arith.index_cast %mul3A_1144 : i32 to index
        %get3A_1152 = tpu.vector_load %arg5[%get3A_1150, %get3A_1151] {strides = array<i32>} : memref<8x4000xf32, #tpu.memory_space<vmem>>, vector<1x16xf32>,
        %get3A_1153 = vector.shape_cast %get3A_1152 : vector<1x16xf32> to vector<16xf32>
        %get3A_1154 = arith.constant 6 : i32
        %get3A_1155 = arith.index_cast %get3A_1154 : i32 to index
        %get3A_1156 = arith.index_cast %mul3A_1144 : i32 to index
        %get3A_1157 = tpu.vector_load %arg5[%get3A_1155, %get3A_1156] {strides = array<i32>} : memref<8x4000xf32, #tpu.memory_space<vmem>>, vector<1x16xf32>,
        %get3A_1158 = vector.shape_cast %get3A_1157 : vector<1x16xf32> to vector<16xf32>
        %get3A_1159 = arith.constant 7 : i32
        %get3A_1160 = arith.index_cast %get3A_1159 : i32 to index
        %get3A_1161 = arith.index_cast %mul3A_1144 : i32 to index
        %get3A_1162 = tpu.vector_load %arg5[%get3A_1160, %get3A_1161] {strides = array<i32>} : memref<8x4000xf32, #tpu.memory_space<vmem>>, vector<1x16xf32>,
        %get3A_1163 = vector.shape_cast %get3A_1162 : vector<1x16xf32> to vector<16xf32>
        %eq3A = arith.constant 0.000000e+00 : f32
        %eq3A_1164 = vector.broadcast %eq3A : f32 to vector<16xf32>
        %eq3A_1165 = arith.cmpf oeq, %get3A_1163, %eq3A_1164 : vector<16xf32>
        %eq3A_1166 = arith.constant 1.000000e+00 : f32
        %eq3A_1167 = vector.broadcast %eq3A_1166 : f32 to vector<16xf32>
        %eq3A_1168 = arith.cmpf oeq, %get3A_1163, %eq3A_1167 : vector<16xf32>
        %jit3A = arith.constant -3.000000e+38 : f32
        %broadcast_in_dim3A_1169 = vector.broadcast %jit3A : f32 to vector<16xf32>
        %select_n3A = arith.select %eq3A_1165, %get3A_1148, %broadcast_in_dim3A_1169 : vector<16xi1>, vector<16xf32>
        %max3A = arith.maximumf %scan3A_1131, %select_n3A : vector<16xf32>
        %jit3A_1170 = arith.constant -3.000000e+38 : f32
        %broadcast_in_dim3A_1171 = vector.broadcast %jit3A_1170 : f32 to vector<16xf32>
        %select_n3A_1172 = arith.select %eq3A_1165, %get3A_1153, %broadcast_in_dim3A_1171 : vector<16xi1>, vector<16xf32>
        %max3A_1173 = arith.maximumf %scan3A_1132, %select_n3A_1172 : vector<16xf32>
        %jit3A_1174 = arith.constant -3.000000e+38 : f32
        %broadcast_in_dim3A_1175 = vector.broadcast %jit3A_1174 : f32 to vector<16xf32>
        %select_n3A_1176 = arith.select %eq3A_1165, %get3A_1158, %broadcast_in_dim3A_1175 : vector<16xi1>, vector<16xf32>
        %max3A_1177 = arith.maximumf %scan3A_1133, %select_n3A_1176 : vector<16xf32>
        %jit3A_1178 = arith.constant 3.000000e+38 : f32
        %broadcast_in_dim3A_1179 = vector.broadcast %jit3A_1178 : f32 to vector<16xf32>
        %select_n3A_1180 = arith.select %eq3A_1165, %get3A_1148, %broadcast_in_dim3A_1179 : vector<16xi1>, vector<16xf32>
        %min3A = arith.minimumf %scan3A_1134, %select_n3A_1180 : vector<16xf32>
        %jit3A_1181 = arith.constant 3.000000e+38 : f32
        %broadcast_in_dim3A_1182 = vector.broadcast %jit3A_1181 : f32 to vector<16xf32>
        %select_n3A_1183 = arith.select %eq3A_1165, %get3A_1153, %broadcast_in_dim3A_1182 : vector<16xi1>, vector<16xf32>
        %min3A_1184 = arith.minimumf %scan3A_1135, %select_n3A_1183 : vector<16xf32>
        %jit3A_1185 = arith.constant 3.000000e+38 : f32
        %broadcast_in_dim3A_1186 = vector.broadcast %jit3A_1185 : f32 to vector<16xf32>
        %select_n3A_1187 = arith.select %eq3A_1165, %get3A_1158, %broadcast_in_dim3A_1186 : vector<16xi1>, vector<16xf32>
        %min3A_1188 = arith.minimumf %scan3A_1136, %select_n3A_1187 : vector<16xf32>
        %jit3A_1189 = arith.constant -3.000000e+38 : f32
        %broadcast_in_dim3A_1190 = vector.broadcast %jit3A_1189 : f32 to vector<16xf32>
        %select_n3A_1191 = arith.select %eq3A_1168, %get3A_1148, %broadcast_in_dim3A_1190 : vector<16xi1>, vector<16xf32>
        %max3A_1192 = arith.maximumf %scan3A_1137, %select_n3A_1191 : vector<16xf32>
        %jit3A_1193 = arith.constant -3.000000e+38 : f32
        %broadcast_in_dim3A_1194 = vector.broadcast %jit3A_1193 : f32 to vector<16xf32>
        %select_n3A_1195 = arith.select %eq3A_1168, %get3A_1153, %broadcast_in_dim3A_1194 : vector<16xi1>, vector<16xf32>
        %max3A_1196 = arith.maximumf %scan3A_1138, %select_n3A_1195 : vector<16xf32>
        %jit3A_1197 = arith.constant -3.000000e+38 : f32
        %broadcast_in_dim3A_1198 = vector.broadcast %jit3A_1197 : f32 to vector<16xf32>
        %select_n3A_1199 = arith.select %eq3A_1168, %get3A_1158, %broadcast_in_dim3A_1198 : vector<16xi1>, vector<16xf32>
        %max3A_1200 = arith.maximumf %scan3A_1139, %select_n3A_1199 : vector<16xf32>
        %jit3A_1201 = arith.constant 3.000000e+38 : f32
        %broadcast_in_dim3A_1202 = vector.broadcast %jit3A_1201 : f32 to vector<16xf32>
        %select_n3A_1203 = arith.select %eq3A_1168, %get3A_1148, %broadcast_in_dim3A_1202 : vector<16xi1>, vector<16xf32>
        %min3A_1204 = arith.minimumf %scan3A_1140, %select_n3A_1203 : vector<16xf32>
        %jit3A_1205 = arith.constant 3.000000e+38 : f32
        %broadcast_in_dim3A_1206 = vector.broadcast %jit3A_1205 : f32 to vector<16xf32>
        %select_n3A_1207 = arith.select %eq3A_1168, %get3A_1153, %broadcast_in_dim3A_1206 : vector<16xi1>, vector<16xf32>
        %min3A_1208 = arith.minimumf %scan3A_1141, %select_n3A_1207 : vector<16xf32>
        %jit3A_1209 = arith.constant 3.000000e+38 : f32
        %broadcast_in_dim3A_1210 = vector.broadcast %jit3A_1209 : f32 to vector<16xf32>
        %select_n3A_1211 = arith.select %eq3A_1168, %get3A_1158, %broadcast_in_dim3A_1210 : vector<16xi1>, vector<16xf32>
        %min3A_1212 = arith.minimumf %scan3A_1142, %select_n3A_1211 : vector<16xf32>
        scf.yield %max3A, %max3A_1173, %max3A_1177, %min3A, %min3A_1184, %min3A_1188, %max3A_1192, %max3A_1196, %max3A_1200, %min3A_1204, %min3A_1208, %min3A_1212 : vector<16xf32>, vector<16xf32>, vector<16xf32>, vector<16xf32>, vector<16xf32>, vector<16xf32>, vector<16xf32>, vector<16xf32>, vector<16xf32>, vector<16xf32>, vector<16xf32>, vector<16xf32>
      }
      %scan3A_609 = arith.constant 250 : i32
      %swap3A_610 = arith.constant 0 : i32
      %swap3A_611 = arith.constant 0 : i32
      %swap3A_612 = arith.index_cast %swap3A_610 : i32 to index
      %swap3A_613 = arith.index_cast %swap3A_611 : i32 to index
      %swap3A_614 = arith.constant 0 : index
      %swap3A_615 = tpu.vector_load %arg6[%swap3A_612, %swap3A_613, %swap3A_614] {strides = array<i32>} : memref<10x3x16xf32, #tpu.memory_space<vmem>>, vector<1x1x16xf32>,
      %swap3A_616 = vector.shape_cast %swap3A_615 : vector<1x1x16xf32> to vector<16xf32>
      %swap3A_617 = vector.shape_cast %scan3A_608#0 : vector<16xf32> to vector<1x1x16xf32>
      tpu.vector_store %arg6[%swap3A_612, %swap3A_613, %swap3A_614], %swap3A_617 {strides = array<i32>} : memref<10x3x16xf32, #tpu.memory_space<vmem>>, vector<1x1x16xf32>,
      %swap3A_618 = arith.constant 0 : i32
      %swap3A_619 = arith.constant 1 : i32
      %swap3A_620 = arith.index_cast %swap3A_618 : i32 to index
      %swap3A_621 = arith.index_cast %swap3A_619 : i32 to index
      %swap3A_622 = arith.constant 0 : index
      %swap3A_623 = tpu.vector_load %arg6[%swap3A_620, %swap3A_621, %swap3A_622] {strides = array<i32>} : memref<10x3x16xf32, #tpu.memory_space<vmem>>, vector<1x1x16xf32>,
      %swap3A_624 = vector.shape_cast %swap3A_623 : vector<1x1x16xf32> to vector<16xf32>
      %swap3A_625 = vector.shape_cast %scan3A_608#1 : vector<16xf32> to vector<1x1x16xf32>
      tpu.vector_store %arg6[%swap3A_620, %swap3A_621, %swap3A_622], %swap3A_625 {strides = array<i32>} : memref<10x3x16xf32, #tpu.memory_space<vmem>>, vector<1x1x16xf32>,
      %swap3A_626 = arith.constant 0 : i32
      %swap3A_627 = arith.constant 2 : i32
      %swap3A_628 = arith.index_cast %swap3A_626 : i32 to index
      %swap3A_629 = arith.index_cast %swap3A_627 : i32 to index
      %swap3A_630 = arith.constant 0 : index
      %swap3A_631 = tpu.vector_load %arg6[%swap3A_628, %swap3A_629, %swap3A_630] {strides = array<i32>} : memref<10x3x16xf32, #tpu.memory_space<vmem>>, vector<1x1x16xf32>,
      %swap3A_632 = vector.shape_cast %swap3A_631 : vector<1x1x16xf32> to vector<16xf32>
      %swap3A_633 = vector.shape_cast %scan3A_608#2 : vector<16xf32> to vector<1x1x16xf32>
      tpu.vector_store %arg6[%swap3A_628, %swap3A_629, %swap3A_630], %swap3A_633 {strides = array<i32>} : memref<10x3x16xf32, #tpu.memory_space<vmem>>, vector<1x1x16xf32>,
      %swap3A_634 = arith.constant 0 : i32
      %swap3A_635 = arith.constant 0 : i32
      %swap3A_636 = arith.index_cast %swap3A_634 : i32 to index
      %swap3A_637 = arith.index_cast %swap3A_635 : i32 to index
      %swap3A_638 = arith.constant 0 : index
      %swap3A_639 = tpu.vector_load %arg7[%swap3A_636, %swap3A_637, %swap3A_638] {strides = array<i32>} : memref<10x3x16xf32, #tpu.memory_space<vmem>>, vector<1x1x16xf32>,
      %swap3A_640 = vector.shape_cast %swap3A_639 : vector<1x1x16xf32> to vector<16xf32>
      %swap3A_641 = vector.shape_cast %scan3A_608#3 : vector<16xf32> to vector<1x1x16xf32>
      tpu.vector_store %arg7[%swap3A_636, %swap3A_637, %swap3A_638], %swap3A_641 {strides = array<i32>} : memref<10x3x16xf32, #tpu.memory_space<vmem>>, vector<1x1x16xf32>,
      %swap3A_642 = arith.constant 0 : i32
      %swap3A_643 = arith.constant 1 : i32
      %swap3A_644 = arith.index_cast %swap3A_642 : i32 to index
      %swap3A_645 = arith.index_cast %swap3A_643 : i32 to index
      %swap3A_646 = arith.constant 0 : index
      %swap3A_647 = tpu.vector_load %arg7[%swap3A_644, %swap3A_645, %swap3A_646] {strides = array<i32>} : memref<10x3x16xf32, #tpu.memory_space<vmem>>, vector<1x1x16xf32>,
      %swap3A_648 = vector.shape_cast %swap3A_647 : vector<1x1x16xf32> to vector<16xf32>
      %swap3A_649 = vector.shape_cast %scan3A_608#4 : vector<16xf32> to vector<1x1x16xf32>
      tpu.vector_store %arg7[%swap3A_644, %swap3A_645, %swap3A_646], %swap3A_649 {strides = array<i32>} : memref<10x3x16xf32, #tpu.memory_space<vmem>>, vector<1x1x16xf32>,
      %swap3A_650 = arith.constant 0 : i32
      %swap3A_651 = arith.constant 2 : i32
      %swap3A_652 = arith.index_cast %swap3A_650 : i32 to index
      %swap3A_653 = arith.index_cast %swap3A_651 : i32 to index
      %swap3A_654 = arith.constant 0 : index
      %swap3A_655 = tpu.vector_load %arg7[%swap3A_652, %swap3A_653, %swap3A_654] {strides = array<i32>} : memref<10x3x16xf32, #tpu.memory_space<vmem>>, vector<1x1x16xf32>,
      %swap3A_656 = vector.shape_cast %swap3A_655 : vector<1x1x16xf32> to vector<16xf32>
      %swap3A_657 = vector.shape_cast %scan3A_608#5 : vector<16xf32> to vector<1x1x16xf32>
      tpu.vector_store %arg7[%swap3A_652, %swap3A_653, %swap3A_654], %swap3A_657 {strides = array<i32>} : memref<10x3x16xf32, #tpu.memory_space<vmem>>, vector<1x1x16xf32>,
      %swap3A_658 = arith.constant 1 : i32
      %swap3A_659 = arith.constant 0 : i32
      %swap3A_660 = arith.index_cast %swap3A_658 : i32 to index
      %swap3A_661 = arith.index_cast %swap3A_659 : i32 to index
      %swap3A_662 = arith.constant 0 : index
      %swap3A_663 = tpu.vector_load %arg6[%swap3A_660, %swap3A_661, %swap3A_662] {strides = array<i32>} : memref<10x3x16xf32, #tpu.memory_space<vmem>>, vector<1x1x16xf32>,
      %swap3A_664 = vector.shape_cast %swap3A_663 : vector<1x1x16xf32> to vector<16xf32>
      %swap3A_665 = vector.shape_cast %scan3A_608#6 : vector<16xf32> to vector<1x1x16xf32>
      tpu.vector_store %arg6[%swap3A_660, %swap3A_661, %swap3A_662], %swap3A_665 {strides = array<i32>} : memref<10x3x16xf32, #tpu.memory_space<vmem>>, vector<1x1x16xf32>,
      %swap3A_666 = arith.constant 1 : i32
      %swap3A_667 = arith.constant 1 : i32
      %swap3A_668 = arith.index_cast %swap3A_666 : i32 to index
      %swap3A_669 = arith.index_cast %swap3A_667 : i32 to index
      %swap3A_670 = arith.constant 0 : index
      %swap3A_671 = tpu.vector_load %arg6[%swap3A_668, %swap3A_669, %swap3A_670] {strides = array<i32>} : memref<10x3x16xf32, #tpu.memory_space<vmem>>, vector<1x1x16xf32>,
      %swap3A_672 = vector.shape_cast %swap3A_671 : vector<1x1x16xf32> to vector<16xf32>
      %swap3A_673 = vector.shape_cast %scan3A_608#7 : vector<16xf32> to vector<1x1x16xf32>
      tpu.vector_store %arg6[%swap3A_668, %swap3A_669, %swap3A_670], %swap3A_673 {strides = array<i32>} : memref<10x3x16xf32, #tpu.memory_space<vmem>>, vector<1x1x16xf32>,
      %swap3A_674 = arith.constant 1 : i32
      %swap3A_675 = arith.constant 2 : i32
      %swap3A_676 = arith.index_cast %swap3A_674 : i32 to index
      %swap3A_677 = arith.index_cast %swap3A_675 : i32 to index
      %swap3A_678 = arith.constant 0 : index
      %swap3A_679 = tpu.vector_load %arg6[%swap3A_676, %swap3A_677, %swap3A_678] {strides = array<i32>} : memref<10x3x16xf32, #tpu.memory_space<vmem>>, vector<1x1x16xf32>,
      %swap3A_680 = vector.shape_cast %swap3A_679 : vector<1x1x16xf32> to vector<16xf32>
      %swap3A_681 = vector.shape_cast %scan3A_608#8 : vector<16xf32> to vector<1x1x16xf32>
      tpu.vector_store %arg6[%swap3A_676, %swap3A_677, %swap3A_678], %swap3A_681 {strides = array<i32>} : memref<10x3x16xf32, #tpu.memory_space<vmem>>, vector<1x1x16xf32>,
      %swap3A_682 = arith.constant 1 : i32
      %swap3A_683 = arith.constant 0 : i32
      %swap3A_684 = arith.index_cast %swap3A_682 : i32 to index
      %swap3A_685 = arith.index_cast %swap3A_683 : i32 to index
      %swap3A_686 = arith.constant 0 : index
      %swap3A_687 = tpu.vector_load %arg7[%swap3A_684, %swap3A_685, %swap3A_686] {strides = array<i32>} : memref<10x3x16xf32, #tpu.memory_space<vmem>>, vector<1x1x16xf32>,
      %swap3A_688 = vector.shape_cast %swap3A_687 : vector<1x1x16xf32> to vector<16xf32>
      %swap3A_689 = vector.shape_cast %scan3A_608#9 : vector<16xf32> to vector<1x1x16xf32>
      tpu.vector_store %arg7[%swap3A_684, %swap3A_685, %swap3A_686], %swap3A_689 {strides = array<i32>} : memref<10x3x16xf32, #tpu.memory_space<vmem>>, vector<1x1x16xf32>,
      %swap3A_690 = arith.constant 1 : i32
      %swap3A_691 = arith.constant 1 : i32
      %swap3A_692 = arith.index_cast %swap3A_690 : i32 to index
      %swap3A_693 = arith.index_cast %swap3A_691 : i32 to index
      %swap3A_694 = arith.constant 0 : index
      %swap3A_695 = tpu.vector_load %arg7[%swap3A_692, %swap3A_693, %swap3A_694] {strides = array<i32>} : memref<10x3x16xf32, #tpu.memory_space<vmem>>, vector<1x1x16xf32>,
      %swap3A_696 = vector.shape_cast %swap3A_695 : vector<1x1x16xf32> to vector<16xf32>
      %swap3A_697 = vector.shape_cast %scan3A_608#10 : vector<16xf32> to vector<1x1x16xf32>
      tpu.vector_store %arg7[%swap3A_692, %swap3A_693, %swap3A_694], %swap3A_697 {strides = array<i32>} : memref<10x3x16xf32, #tpu.memory_space<vmem>>, vector<1x1x16xf32>,
      %swap3A_698 = arith.constant 1 : i32
      %swap3A_699 = arith.constant 2 : i32
      %swap3A_700 = arith.index_cast %swap3A_698 : i32 to index
      %swap3A_701 = arith.index_cast %swap3A_699 : i32 to index
      %swap3A_702 = arith.constant 0 : index
      %swap3A_703 = tpu.vector_load %arg7[%swap3A_700, %swap3A_701, %swap3A_702] {strides = array<i32>} : memref<10x3x16xf32, #tpu.memory_space<vmem>>, vector<1x1x16xf32>,
      %swap3A_704 = vector.shape_cast %swap3A_703 : vector<1x1x16xf32> to vector<16xf32>
      %swap3A_705 = vector.shape_cast %scan3A_608#11 : vector<16xf32> to vector<1x1x16xf32>
      tpu.vector_store %arg7[%swap3A_700, %swap3A_701, %swap3A_702], %swap3A_705 {strides = array<i32>} : memref<10x3x16xf32, #tpu.memory_space<vmem>>, vector<1x1x16xf32>,
      %broadcast_in_dim3A_706 = arith.constant -3.000000e+38 : f32
      %broadcast_in_dim3A_707 = vector.broadcast %broadcast_in_dim3A_706 : f32 to vector<16xf32>
      %broadcast_in_dim3A_708 = arith.constant 3.000000e+38 : f32
      %broadcast_in_dim3A_709 = vector.broadcast %broadcast_in_dim3A_708 : f32 to vector<16xf32>
      %scan3A_710 = arith.constant 0 : i32
      %scan3A_711 = arith.constant 250 : i32
      %scan3A_712 = arith.addi %scan3A_710, %scan3A_711 : i32
      %scan3A_713 = arith.constant 1 : i32
      %scan3A_714:12 = scf.for %scan3A_1130 = %scan3A_710 to %scan3A_712 step %scan3A_713 iter_args(%scan3A_1131 = %broadcast_in_dim3A_707, %scan3A_1132 = %broadcast_in_dim3A_707, %scan3A_1133 = %broadcast_in_dim3A_707, %scan3A_1134 = %broadcast_in_dim3A_709, %scan3A_1135 = %broadcast_in_dim3A_709, %scan3A_1136 = %broadcast_in_dim3A_709, %scan3A_1137 = %broadcast_in_dim3A_707, %scan3A_1138 = %broadcast_in_dim3A_707, %scan3A_1139 = %broadcast_in_dim3A_707, %scan3A_1140 = %broadcast_in_dim3A_709, %scan3A_1141 = %broadcast_in_dim3A_709, %scan3A_1142 = %broadcast_in_dim3A_709) -> (vector<16xf32>, vector<16xf32>, vector<16xf32>, vector<16xf32>, vector<16xf32>, vector<16xf32>, vector<16xf32>, vector<16xf32>, vector<16xf32>, vector<16xf32>, vector<16xf32>, vector<16xf32>)  : i32 {
        %mul3A_1143 = arith.constant 16 : i32
        %mul3A_1144 = arith.muli %scan3A_1130, %mul3A_1143 : i32
        %get3A = arith.constant 4 : i32
        %get3A_1145 = arith.index_cast %get3A : i32 to index
        %get3A_1146 = arith.index_cast %mul3A_1144 : i32 to index
        %get3A_1147 = tpu.vector_load %arg5[%get3A_1145, %get3A_1146] {strides = array<i32>} : memref<8x4000xf32, #tpu.memory_space<vmem>>, vector<1x16xf32>,
        %get3A_1148 = vector.shape_cast %get3A_1147 : vector<1x16xf32> to vector<16xf32>
        %get3A_1149 = arith.constant 5 : i32
        %get3A_1150 = arith.index_cast %get3A_1149 : i32 to index
        %get3A_1151 = arith.index_cast %mul3A_1144 : i32 to index
        %get3A_1152 = tpu.vector_load %arg5[%get3A_1150, %get3A_1151] {strides = array<i32>} : memref<8x4000xf32, #tpu.memory_space<vmem>>, vector<1x16xf32>,
        %get3A_1153 = vector.shape_cast %get3A_1152 : vector<1x16xf32> to vector<16xf32>
        %get3A_1154 = arith.constant 6 : i32
        %get3A_1155 = arith.index_cast %get3A_1154 : i32 to index
        %get3A_1156 = arith.index_cast %mul3A_1144 : i32 to index
        %get3A_1157 = tpu.vector_load %arg5[%get3A_1155, %get3A_1156] {strides = array<i32>} : memref<8x4000xf32, #tpu.memory_space<vmem>>, vector<1x16xf32>,
        %get3A_1158 = vector.shape_cast %get3A_1157 : vector<1x16xf32> to vector<16xf32>
        %get3A_1159 = arith.constant 7 : i32
        %get3A_1160 = arith.index_cast %get3A_1159 : i32 to index
        %get3A_1161 = arith.index_cast %mul3A_1144 : i32 to index
        %get3A_1162 = tpu.vector_load %arg5[%get3A_1160, %get3A_1161] {strides = array<i32>} : memref<8x4000xf32, #tpu.memory_space<vmem>>, vector<1x16xf32>,
        %get3A_1163 = vector.shape_cast %get3A_1162 : vector<1x16xf32> to vector<16xf32>
        %eq3A = arith.constant 2.000000e+00 : f32
        %eq3A_1164 = vector.broadcast %eq3A : f32 to vector<16xf32>
        %eq3A_1165 = arith.cmpf oeq, %get3A_1163, %eq3A_1164 : vector<16xf32>
        %eq3A_1166 = arith.constant 3.000000e+00 : f32
        %eq3A_1167 = vector.broadcast %eq3A_1166 : f32 to vector<16xf32>
        %eq3A_1168 = arith.cmpf oeq, %get3A_1163, %eq3A_1167 : vector<16xf32>
        %jit3A = arith.constant -3.000000e+38 : f32
        %broadcast_in_dim3A_1169 = vector.broadcast %jit3A : f32 to vector<16xf32>
        %select_n3A = arith.select %eq3A_1165, %get3A_1148, %broadcast_in_dim3A_1169 : vector<16xi1>, vector<16xf32>
        %max3A = arith.maximumf %scan3A_1131, %select_n3A : vector<16xf32>
        %jit3A_1170 = arith.constant -3.000000e+38 : f32
        %broadcast_in_dim3A_1171 = vector.broadcast %jit3A_1170 : f32 to vector<16xf32>
        %select_n3A_1172 = arith.select %eq3A_1165, %get3A_1153, %broadcast_in_dim3A_1171 : vector<16xi1>, vector<16xf32>
        %max3A_1173 = arith.maximumf %scan3A_1132, %select_n3A_1172 : vector<16xf32>
        %jit3A_1174 = arith.constant -3.000000e+38 : f32
        %broadcast_in_dim3A_1175 = vector.broadcast %jit3A_1174 : f32 to vector<16xf32>
        %select_n3A_1176 = arith.select %eq3A_1165, %get3A_1158, %broadcast_in_dim3A_1175 : vector<16xi1>, vector<16xf32>
        %max3A_1177 = arith.maximumf %scan3A_1133, %select_n3A_1176 : vector<16xf32>
        %jit3A_1178 = arith.constant 3.000000e+38 : f32
        %broadcast_in_dim3A_1179 = vector.broadcast %jit3A_1178 : f32 to vector<16xf32>
        %select_n3A_1180 = arith.select %eq3A_1165, %get3A_1148, %broadcast_in_dim3A_1179 : vector<16xi1>, vector<16xf32>
        %min3A = arith.minimumf %scan3A_1134, %select_n3A_1180 : vector<16xf32>
        %jit3A_1181 = arith.constant 3.000000e+38 : f32
        %broadcast_in_dim3A_1182 = vector.broadcast %jit3A_1181 : f32 to vector<16xf32>
        %select_n3A_1183 = arith.select %eq3A_1165, %get3A_1153, %broadcast_in_dim3A_1182 : vector<16xi1>, vector<16xf32>
        %min3A_1184 = arith.minimumf %scan3A_1135, %select_n3A_1183 : vector<16xf32>
        %jit3A_1185 = arith.constant 3.000000e+38 : f32
        %broadcast_in_dim3A_1186 = vector.broadcast %jit3A_1185 : f32 to vector<16xf32>
        %select_n3A_1187 = arith.select %eq3A_1165, %get3A_1158, %broadcast_in_dim3A_1186 : vector<16xi1>, vector<16xf32>
        %min3A_1188 = arith.minimumf %scan3A_1136, %select_n3A_1187 : vector<16xf32>
        %jit3A_1189 = arith.constant -3.000000e+38 : f32
        %broadcast_in_dim3A_1190 = vector.broadcast %jit3A_1189 : f32 to vector<16xf32>
        %select_n3A_1191 = arith.select %eq3A_1168, %get3A_1148, %broadcast_in_dim3A_1190 : vector<16xi1>, vector<16xf32>
        %max3A_1192 = arith.maximumf %scan3A_1137, %select_n3A_1191 : vector<16xf32>
        %jit3A_1193 = arith.constant -3.000000e+38 : f32
        %broadcast_in_dim3A_1194 = vector.broadcast %jit3A_1193 : f32 to vector<16xf32>
        %select_n3A_1195 = arith.select %eq3A_1168, %get3A_1153, %broadcast_in_dim3A_1194 : vector<16xi1>, vector<16xf32>
        %max3A_1196 = arith.maximumf %scan3A_1138, %select_n3A_1195 : vector<16xf32>
        %jit3A_1197 = arith.constant -3.000000e+38 : f32
        %broadcast_in_dim3A_1198 = vector.broadcast %jit3A_1197 : f32 to vector<16xf32>
        %select_n3A_1199 = arith.select %eq3A_1168, %get3A_1158, %broadcast_in_dim3A_1198 : vector<16xi1>, vector<16xf32>
        %max3A_1200 = arith.maximumf %scan3A_1139, %select_n3A_1199 : vector<16xf32>
        %jit3A_1201 = arith.constant 3.000000e+38 : f32
        %broadcast_in_dim3A_1202 = vector.broadcast %jit3A_1201 : f32 to vector<16xf32>
        %select_n3A_1203 = arith.select %eq3A_1168, %get3A_1148, %broadcast_in_dim3A_1202 : vector<16xi1>, vector<16xf32>
        %min3A_1204 = arith.minimumf %scan3A_1140, %select_n3A_1203 : vector<16xf32>
        %jit3A_1205 = arith.constant 3.000000e+38 : f32
        %broadcast_in_dim3A_1206 = vector.broadcast %jit3A_1205 : f32 to vector<16xf32>
        %select_n3A_1207 = arith.select %eq3A_1168, %get3A_1153, %broadcast_in_dim3A_1206 : vector<16xi1>, vector<16xf32>
        %min3A_1208 = arith.minimumf %scan3A_1141, %select_n3A_1207 : vector<16xf32>
        %jit3A_1209 = arith.constant 3.000000e+38 : f32
        %broadcast_in_dim3A_1210 = vector.broadcast %jit3A_1209 : f32 to vector<16xf32>
        %select_n3A_1211 = arith.select %eq3A_1168, %get3A_1158, %broadcast_in_dim3A_1210 : vector<16xi1>, vector<16xf32>
        %min3A_1212 = arith.minimumf %scan3A_1142, %select_n3A_1211 : vector<16xf32>
        scf.yield %max3A, %max3A_1173, %max3A_1177, %min3A, %min3A_1184, %min3A_1188, %max3A_1192, %max3A_1196, %max3A_1200, %min3A_1204, %min3A_1208, %min3A_1212 : vector<16xf32>, vector<16xf32>, vector<16xf32>, vector<16xf32>, vector<16xf32>, vector<16xf32>, vector<16xf32>, vector<16xf32>, vector<16xf32>, vector<16xf32>, vector<16xf32>, vector<16xf32>
      }
      %scan3A_715 = arith.constant 250 : i32
      %swap3A_716 = arith.constant 2 : i32
      %swap3A_717 = arith.constant 0 : i32
      %swap3A_718 = arith.index_cast %swap3A_716 : i32 to index
      %swap3A_719 = arith.index_cast %swap3A_717 : i32 to index
      %swap3A_720 = arith.constant 0 : index
      %swap3A_721 = tpu.vector_load %arg6[%swap3A_718, %swap3A_719, %swap3A_720] {strides = array<i32>} : memref<10x3x16xf32, #tpu.memory_space<vmem>>, vector<1x1x16xf32>,
      %swap3A_722 = vector.shape_cast %swap3A_721 : vector<1x1x16xf32> to vector<16xf32>
      %swap3A_723 = vector.shape_cast %scan3A_714#0 : vector<16xf32> to vector<1x1x16xf32>
      tpu.vector_store %arg6[%swap3A_718, %swap3A_719, %swap3A_720], %swap3A_723 {strides = array<i32>} : memref<10x3x16xf32, #tpu.memory_space<vmem>>, vector<1x1x16xf32>,
      %swap3A_724 = arith.constant 2 : i32
      %swap3A_725 = arith.constant 1 : i32
      %swap3A_726 = arith.index_cast %swap3A_724 : i32 to index
      %swap3A_727 = arith.index_cast %swap3A_725 : i32 to index
      %swap3A_728 = arith.constant 0 : index
      %swap3A_729 = tpu.vector_load %arg6[%swap3A_726, %swap3A_727, %swap3A_728] {strides = array<i32>} : memref<10x3x16xf32, #tpu.memory_space<vmem>>, vector<1x1x16xf32>,
      %swap3A_730 = vector.shape_cast %swap3A_729 : vector<1x1x16xf32> to vector<16xf32>
      %swap3A_731 = vector.shape_cast %scan3A_714#1 : vector<16xf32> to vector<1x1x16xf32>
      tpu.vector_store %arg6[%swap3A_726, %swap3A_727, %swap3A_728], %swap3A_731 {strides = array<i32>} : memref<10x3x16xf32, #tpu.memory_space<vmem>>, vector<1x1x16xf32>,
      %swap3A_732 = arith.constant 2 : i32
      %swap3A_733 = arith.constant 2 : i32
      %swap3A_734 = arith.index_cast %swap3A_732 : i32 to index
      %swap3A_735 = arith.index_cast %swap3A_733 : i32 to index
      %swap3A_736 = arith.constant 0 : index
      %swap3A_737 = tpu.vector_load %arg6[%swap3A_734, %swap3A_735, %swap3A_736] {strides = array<i32>} : memref<10x3x16xf32, #tpu.memory_space<vmem>>, vector<1x1x16xf32>,
      %swap3A_738 = vector.shape_cast %swap3A_737 : vector<1x1x16xf32> to vector<16xf32>
      %swap3A_739 = vector.shape_cast %scan3A_714#2 : vector<16xf32> to vector<1x1x16xf32>
      tpu.vector_store %arg6[%swap3A_734, %swap3A_735, %swap3A_736], %swap3A_739 {strides = array<i32>} : memref<10x3x16xf32, #tpu.memory_space<vmem>>, vector<1x1x16xf32>,
      %swap3A_740 = arith.constant 2 : i32
      %swap3A_741 = arith.constant 0 : i32
      %swap3A_742 = arith.index_cast %swap3A_740 : i32 to index
      %swap3A_743 = arith.index_cast %swap3A_741 : i32 to index
      %swap3A_744 = arith.constant 0 : index
      %swap3A_745 = tpu.vector_load %arg7[%swap3A_742, %swap3A_743, %swap3A_744] {strides = array<i32>} : memref<10x3x16xf32, #tpu.memory_space<vmem>>, vector<1x1x16xf32>,
      %swap3A_746 = vector.shape_cast %swap3A_745 : vector<1x1x16xf32> to vector<16xf32>
      %swap3A_747 = vector.shape_cast %scan3A_714#3 : vector<16xf32> to vector<1x1x16xf32>
      tpu.vector_store %arg7[%swap3A_742, %swap3A_743, %swap3A_744], %swap3A_747 {strides = array<i32>} : memref<10x3x16xf32, #tpu.memory_space<vmem>>, vector<1x1x16xf32>,
      %swap3A_748 = arith.constant 2 : i32
      %swap3A_749 = arith.constant 1 : i32
      %swap3A_750 = arith.index_cast %swap3A_748 : i32 to index
      %swap3A_751 = arith.index_cast %swap3A_749 : i32 to index
      %swap3A_752 = arith.constant 0 : index
      %swap3A_753 = tpu.vector_load %arg7[%swap3A_750, %swap3A_751, %swap3A_752] {strides = array<i32>} : memref<10x3x16xf32, #tpu.memory_space<vmem>>, vector<1x1x16xf32>,
      %swap3A_754 = vector.shape_cast %swap3A_753 : vector<1x1x16xf32> to vector<16xf32>
      %swap3A_755 = vector.shape_cast %scan3A_714#4 : vector<16xf32> to vector<1x1x16xf32>
      tpu.vector_store %arg7[%swap3A_750, %swap3A_751, %swap3A_752], %swap3A_755 {strides = array<i32>} : memref<10x3x16xf32, #tpu.memory_space<vmem>>, vector<1x1x16xf32>,
      %swap3A_756 = arith.constant 2 : i32
      %swap3A_757 = arith.constant 2 : i32
      %swap3A_758 = arith.index_cast %swap3A_756 : i32 to index
      %swap3A_759 = arith.index_cast %swap3A_757 : i32 to index
      %swap3A_760 = arith.constant 0 : index
      %swap3A_761 = tpu.vector_load %arg7[%swap3A_758, %swap3A_759, %swap3A_760] {strides = array<i32>} : memref<10x3x16xf32, #tpu.memory_space<vmem>>, vector<1x1x16xf32>,
      %swap3A_762 = vector.shape_cast %swap3A_761 : vector<1x1x16xf32> to vector<16xf32>
      %swap3A_763 = vector.shape_cast %scan3A_714#5 : vector<16xf32> to vector<1x1x16xf32>
      tpu.vector_store %arg7[%swap3A_758, %swap3A_759, %swap3A_760], %swap3A_763 {strides = array<i32>} : memref<10x3x16xf32, #tpu.memory_space<vmem>>, vector<1x1x16xf32>,
      %swap3A_764 = arith.constant 3 : i32
      %swap3A_765 = arith.constant 0 : i32
      %swap3A_766 = arith.index_cast %swap3A_764 : i32 to index
      %swap3A_767 = arith.index_cast %swap3A_765 : i32 to index
      %swap3A_768 = arith.constant 0 : index
      %swap3A_769 = tpu.vector_load %arg6[%swap3A_766, %swap3A_767, %swap3A_768] {strides = array<i32>} : memref<10x3x16xf32, #tpu.memory_space<vmem>>, vector<1x1x16xf32>,
      %swap3A_770 = vector.shape_cast %swap3A_769 : vector<1x1x16xf32> to vector<16xf32>
      %swap3A_771 = vector.shape_cast %scan3A_714#6 : vector<16xf32> to vector<1x1x16xf32>
      tpu.vector_store %arg6[%swap3A_766, %swap3A_767, %swap3A_768], %swap3A_771 {strides = array<i32>} : memref<10x3x16xf32, #tpu.memory_space<vmem>>, vector<1x1x16xf32>,
      %swap3A_772 = arith.constant 3 : i32
      %swap3A_773 = arith.constant 1 : i32
      %swap3A_774 = arith.index_cast %swap3A_772 : i32 to index
      %swap3A_775 = arith.index_cast %swap3A_773 : i32 to index
      %swap3A_776 = arith.constant 0 : index
      %swap3A_777 = tpu.vector_load %arg6[%swap3A_774, %swap3A_775, %swap3A_776] {strides = array<i32>} : memref<10x3x16xf32, #tpu.memory_space<vmem>>, vector<1x1x16xf32>,
      %swap3A_778 = vector.shape_cast %swap3A_777 : vector<1x1x16xf32> to vector<16xf32>
      %swap3A_779 = vector.shape_cast %scan3A_714#7 : vector<16xf32> to vector<1x1x16xf32>
      tpu.vector_store %arg6[%swap3A_774, %swap3A_775, %swap3A_776], %swap3A_779 {strides = array<i32>} : memref<10x3x16xf32, #tpu.memory_space<vmem>>, vector<1x1x16xf32>,
      %swap3A_780 = arith.constant 3 : i32
      %swap3A_781 = arith.constant 2 : i32
      %swap3A_782 = arith.index_cast %swap3A_780 : i32 to index
      %swap3A_783 = arith.index_cast %swap3A_781 : i32 to index
      %swap3A_784 = arith.constant 0 : index
      %swap3A_785 = tpu.vector_load %arg6[%swap3A_782, %swap3A_783, %swap3A_784] {strides = array<i32>} : memref<10x3x16xf32, #tpu.memory_space<vmem>>, vector<1x1x16xf32>,
      %swap3A_786 = vector.shape_cast %swap3A_785 : vector<1x1x16xf32> to vector<16xf32>
      %swap3A_787 = vector.shape_cast %scan3A_714#8 : vector<16xf32> to vector<1x1x16xf32>
      tpu.vector_store %arg6[%swap3A_782, %swap3A_783, %swap3A_784], %swap3A_787 {strides = array<i32>} : memref<10x3x16xf32, #tpu.memory_space<vmem>>, vector<1x1x16xf32>,
      %swap3A_788 = arith.constant 3 : i32
      %swap3A_789 = arith.constant 0 : i32
      %swap3A_790 = arith.index_cast %swap3A_788 : i32 to index
      %swap3A_791 = arith.index_cast %swap3A_789 : i32 to index
      %swap3A_792 = arith.constant 0 : index
      %swap3A_793 = tpu.vector_load %arg7[%swap3A_790, %swap3A_791, %swap3A_792] {strides = array<i32>} : memref<10x3x16xf32, #tpu.memory_space<vmem>>, vector<1x1x16xf32>,
      %swap3A_794 = vector.shape_cast %swap3A_793 : vector<1x1x16xf32> to vector<16xf32>
      %swap3A_795 = vector.shape_cast %scan3A_714#9 : vector<16xf32> to vector<1x1x16xf32>
      tpu.vector_store %arg7[%swap3A_790, %swap3A_791, %swap3A_792], %swap3A_795 {strides = array<i32>} : memref<10x3x16xf32, #tpu.memory_space<vmem>>, vector<1x1x16xf32>,
      %swap3A_796 = arith.constant 3 : i32
      %swap3A_797 = arith.constant 1 : i32
      %swap3A_798 = arith.index_cast %swap3A_796 : i32 to index
      %swap3A_799 = arith.index_cast %swap3A_797 : i32 to index
      %swap3A_800 = arith.constant 0 : index
      %swap3A_801 = tpu.vector_load %arg7[%swap3A_798, %swap3A_799, %swap3A_800] {strides = array<i32>} : memref<10x3x16xf32, #tpu.memory_space<vmem>>, vector<1x1x16xf32>,
      %swap3A_802 = vector.shape_cast %swap3A_801 : vector<1x1x16xf32> to vector<16xf32>
      %swap3A_803 = vector.shape_cast %scan3A_714#10 : vector<16xf32> to vector<1x1x16xf32>
      tpu.vector_store %arg7[%swap3A_798, %swap3A_799, %swap3A_800], %swap3A_803 {strides = array<i32>} : memref<10x3x16xf32, #tpu.memory_space<vmem>>, vector<1x1x16xf32>,
      %swap3A_804 = arith.constant 3 : i32
      %swap3A_805 = arith.constant 2 : i32
      %swap3A_806 = arith.index_cast %swap3A_804 : i32 to index
      %swap3A_807 = arith.index_cast %swap3A_805 : i32 to index
      %swap3A_808 = arith.constant 0 : index
      %swap3A_809 = tpu.vector_load %arg7[%swap3A_806, %swap3A_807, %swap3A_808] {strides = array<i32>} : memref<10x3x16xf32, #tpu.memory_space<vmem>>, vector<1x1x16xf32>,
      %swap3A_810 = vector.shape_cast %swap3A_809 : vector<1x1x16xf32> to vector<16xf32>
      %swap3A_811 = vector.shape_cast %scan3A_714#11 : vector<16xf32> to vector<1x1x16xf32>
      tpu.vector_store %arg7[%swap3A_806, %swap3A_807, %swap3A_808], %swap3A_811 {strides = array<i32>} : memref<10x3x16xf32, #tpu.memory_space<vmem>>, vector<1x1x16xf32>,
      %broadcast_in_dim3A_812 = arith.constant -3.000000e+38 : f32
      %broadcast_in_dim3A_813 = vector.broadcast %broadcast_in_dim3A_812 : f32 to vector<16xf32>
      %broadcast_in_dim3A_814 = arith.constant 3.000000e+38 : f32
      %broadcast_in_dim3A_815 = vector.broadcast %broadcast_in_dim3A_814 : f32 to vector<16xf32>
      %scan3A_816 = arith.constant 0 : i32
      %scan3A_817 = arith.constant 250 : i32
      %scan3A_818 = arith.addi %scan3A_816, %scan3A_817 : i32
      %scan3A_819 = arith.constant 1 : i32
      %scan3A_820:12 = scf.for %scan3A_1130 = %scan3A_816 to %scan3A_818 step %scan3A_819 iter_args(%scan3A_1131 = %broadcast_in_dim3A_813, %scan3A_1132 = %broadcast_in_dim3A_813, %scan3A_1133 = %broadcast_in_dim3A_813, %scan3A_1134 = %broadcast_in_dim3A_815, %scan3A_1135 = %broadcast_in_dim3A_815, %scan3A_1136 = %broadcast_in_dim3A_815, %scan3A_1137 = %broadcast_in_dim3A_813, %scan3A_1138 = %broadcast_in_dim3A_813, %scan3A_1139 = %broadcast_in_dim3A_813, %scan3A_1140 = %broadcast_in_dim3A_815, %scan3A_1141 = %broadcast_in_dim3A_815, %scan3A_1142 = %broadcast_in_dim3A_815) -> (vector<16xf32>, vector<16xf32>, vector<16xf32>, vector<16xf32>, vector<16xf32>, vector<16xf32>, vector<16xf32>, vector<16xf32>, vector<16xf32>, vector<16xf32>, vector<16xf32>, vector<16xf32>)  : i32 {
        %mul3A_1143 = arith.constant 16 : i32
        %mul3A_1144 = arith.muli %scan3A_1130, %mul3A_1143 : i32
        %get3A = arith.constant 4 : i32
        %get3A_1145 = arith.index_cast %get3A : i32 to index
        %get3A_1146 = arith.index_cast %mul3A_1144 : i32 to index
        %get3A_1147 = tpu.vector_load %arg5[%get3A_1145, %get3A_1146] {strides = array<i32>} : memref<8x4000xf32, #tpu.memory_space<vmem>>, vector<1x16xf32>,
        %get3A_1148 = vector.shape_cast %get3A_1147 : vector<1x16xf32> to vector<16xf32>
        %get3A_1149 = arith.constant 5 : i32
        %get3A_1150 = arith.index_cast %get3A_1149 : i32 to index
        %get3A_1151 = arith.index_cast %mul3A_1144 : i32 to index
        %get3A_1152 = tpu.vector_load %arg5[%get3A_1150, %get3A_1151] {strides = array<i32>} : memref<8x4000xf32, #tpu.memory_space<vmem>>, vector<1x16xf32>,
        %get3A_1153 = vector.shape_cast %get3A_1152 : vector<1x16xf32> to vector<16xf32>
        %get3A_1154 = arith.constant 6 : i32
        %get3A_1155 = arith.index_cast %get3A_1154 : i32 to index
        %get3A_1156 = arith.index_cast %mul3A_1144 : i32 to index
        %get3A_1157 = tpu.vector_load %arg5[%get3A_1155, %get3A_1156] {strides = array<i32>} : memref<8x4000xf32, #tpu.memory_space<vmem>>, vector<1x16xf32>,
        %get3A_1158 = vector.shape_cast %get3A_1157 : vector<1x16xf32> to vector<16xf32>
        %get3A_1159 = arith.constant 7 : i32
        %get3A_1160 = arith.index_cast %get3A_1159 : i32 to index
        %get3A_1161 = arith.index_cast %mul3A_1144 : i32 to index
        %get3A_1162 = tpu.vector_load %arg5[%get3A_1160, %get3A_1161] {strides = array<i32>} : memref<8x4000xf32, #tpu.memory_space<vmem>>, vector<1x16xf32>,
        %get3A_1163 = vector.shape_cast %get3A_1162 : vector<1x16xf32> to vector<16xf32>
        %eq3A = arith.constant 4.000000e+00 : f32
        %eq3A_1164 = vector.broadcast %eq3A : f32 to vector<16xf32>
        %eq3A_1165 = arith.cmpf oeq, %get3A_1163, %eq3A_1164 : vector<16xf32>
        %eq3A_1166 = arith.constant 5.000000e+00 : f32
        %eq3A_1167 = vector.broadcast %eq3A_1166 : f32 to vector<16xf32>
        %eq3A_1168 = arith.cmpf oeq, %get3A_1163, %eq3A_1167 : vector<16xf32>
        %jit3A = arith.constant -3.000000e+38 : f32
        %broadcast_in_dim3A_1169 = vector.broadcast %jit3A : f32 to vector<16xf32>
        %select_n3A = arith.select %eq3A_1165, %get3A_1148, %broadcast_in_dim3A_1169 : vector<16xi1>, vector<16xf32>
        %max3A = arith.maximumf %scan3A_1131, %select_n3A : vector<16xf32>
        %jit3A_1170 = arith.constant -3.000000e+38 : f32
        %broadcast_in_dim3A_1171 = vector.broadcast %jit3A_1170 : f32 to vector<16xf32>
        %select_n3A_1172 = arith.select %eq3A_1165, %get3A_1153, %broadcast_in_dim3A_1171 : vector<16xi1>, vector<16xf32>
        %max3A_1173 = arith.maximumf %scan3A_1132, %select_n3A_1172 : vector<16xf32>
        %jit3A_1174 = arith.constant -3.000000e+38 : f32
        %broadcast_in_dim3A_1175 = vector.broadcast %jit3A_1174 : f32 to vector<16xf32>
        %select_n3A_1176 = arith.select %eq3A_1165, %get3A_1158, %broadcast_in_dim3A_1175 : vector<16xi1>, vector<16xf32>
        %max3A_1177 = arith.maximumf %scan3A_1133, %select_n3A_1176 : vector<16xf32>
        %jit3A_1178 = arith.constant 3.000000e+38 : f32
        %broadcast_in_dim3A_1179 = vector.broadcast %jit3A_1178 : f32 to vector<16xf32>
        %select_n3A_1180 = arith.select %eq3A_1165, %get3A_1148, %broadcast_in_dim3A_1179 : vector<16xi1>, vector<16xf32>
        %min3A = arith.minimumf %scan3A_1134, %select_n3A_1180 : vector<16xf32>
        %jit3A_1181 = arith.constant 3.000000e+38 : f32
        %broadcast_in_dim3A_1182 = vector.broadcast %jit3A_1181 : f32 to vector<16xf32>
        %select_n3A_1183 = arith.select %eq3A_1165, %get3A_1153, %broadcast_in_dim3A_1182 : vector<16xi1>, vector<16xf32>
        %min3A_1184 = arith.minimumf %scan3A_1135, %select_n3A_1183 : vector<16xf32>
        %jit3A_1185 = arith.constant 3.000000e+38 : f32
        %broadcast_in_dim3A_1186 = vector.broadcast %jit3A_1185 : f32 to vector<16xf32>
        %select_n3A_1187 = arith.select %eq3A_1165, %get3A_1158, %broadcast_in_dim3A_1186 : vector<16xi1>, vector<16xf32>
        %min3A_1188 = arith.minimumf %scan3A_1136, %select_n3A_1187 : vector<16xf32>
        %jit3A_1189 = arith.constant -3.000000e+38 : f32
        %broadcast_in_dim3A_1190 = vector.broadcast %jit3A_1189 : f32 to vector<16xf32>
        %select_n3A_1191 = arith.select %eq3A_1168, %get3A_1148, %broadcast_in_dim3A_1190 : vector<16xi1>, vector<16xf32>
        %max3A_1192 = arith.maximumf %scan3A_1137, %select_n3A_1191 : vector<16xf32>
        %jit3A_1193 = arith.constant -3.000000e+38 : f32
        %broadcast_in_dim3A_1194 = vector.broadcast %jit3A_1193 : f32 to vector<16xf32>
        %select_n3A_1195 = arith.select %eq3A_1168, %get3A_1153, %broadcast_in_dim3A_1194 : vector<16xi1>, vector<16xf32>
        %max3A_1196 = arith.maximumf %scan3A_1138, %select_n3A_1195 : vector<16xf32>
        %jit3A_1197 = arith.constant -3.000000e+38 : f32
        %broadcast_in_dim3A_1198 = vector.broadcast %jit3A_1197 : f32 to vector<16xf32>
        %select_n3A_1199 = arith.select %eq3A_1168, %get3A_1158, %broadcast_in_dim3A_1198 : vector<16xi1>, vector<16xf32>
        %max3A_1200 = arith.maximumf %scan3A_1139, %select_n3A_1199 : vector<16xf32>
        %jit3A_1201 = arith.constant 3.000000e+38 : f32
        %broadcast_in_dim3A_1202 = vector.broadcast %jit3A_1201 : f32 to vector<16xf32>
        %select_n3A_1203 = arith.select %eq3A_1168, %get3A_1148, %broadcast_in_dim3A_1202 : vector<16xi1>, vector<16xf32>
        %min3A_1204 = arith.minimumf %scan3A_1140, %select_n3A_1203 : vector<16xf32>
        %jit3A_1205 = arith.constant 3.000000e+38 : f32
        %broadcast_in_dim3A_1206 = vector.broadcast %jit3A_1205 : f32 to vector<16xf32>
        %select_n3A_1207 = arith.select %eq3A_1168, %get3A_1153, %broadcast_in_dim3A_1206 : vector<16xi1>, vector<16xf32>
        %min3A_1208 = arith.minimumf %scan3A_1141, %select_n3A_1207 : vector<16xf32>
        %jit3A_1209 = arith.constant 3.000000e+38 : f32
        %broadcast_in_dim3A_1210 = vector.broadcast %jit3A_1209 : f32 to vector<16xf32>
        %select_n3A_1211 = arith.select %eq3A_1168, %get3A_1158, %broadcast_in_dim3A_1210 : vector<16xi1>, vector<16xf32>
        %min3A_1212 = arith.minimumf %scan3A_1142, %select_n3A_1211 : vector<16xf32>
        scf.yield %max3A, %max3A_1173, %max3A_1177, %min3A, %min3A_1184, %min3A_1188, %max3A_1192, %max3A_1196, %max3A_1200, %min3A_1204, %min3A_1208, %min3A_1212 : vector<16xf32>, vector<16xf32>, vector<16xf32>, vector<16xf32>, vector<16xf32>, vector<16xf32>, vector<16xf32>, vector<16xf32>, vector<16xf32>, vector<16xf32>, vector<16xf32>, vector<16xf32>
      }
      %scan3A_821 = arith.constant 250 : i32
      %swap3A_822 = arith.constant 4 : i32
      %swap3A_823 = arith.constant 0 : i32
      %swap3A_824 = arith.index_cast %swap3A_822 : i32 to index
      %swap3A_825 = arith.index_cast %swap3A_823 : i32 to index
      %swap3A_826 = arith.constant 0 : index
      %swap3A_827 = tpu.vector_load %arg6[%swap3A_824, %swap3A_825, %swap3A_826] {strides = array<i32>} : memref<10x3x16xf32, #tpu.memory_space<vmem>>, vector<1x1x16xf32>,
      %swap3A_828 = vector.shape_cast %swap3A_827 : vector<1x1x16xf32> to vector<16xf32>
      %swap3A_829 = vector.shape_cast %scan3A_820#0 : vector<16xf32> to vector<1x1x16xf32>
      tpu.vector_store %arg6[%swap3A_824, %swap3A_825, %swap3A_826], %swap3A_829 {strides = array<i32>} : memref<10x3x16xf32, #tpu.memory_space<vmem>>, vector<1x1x16xf32>,
      %swap3A_830 = arith.constant 4 : i32
      %swap3A_831 = arith.constant 1 : i32
      %swap3A_832 = arith.index_cast %swap3A_830 : i32 to index
      %swap3A_833 = arith.index_cast %swap3A_831 : i32 to index
      %swap3A_834 = arith.constant 0 : index
      %swap3A_835 = tpu.vector_load %arg6[%swap3A_832, %swap3A_833, %swap3A_834] {strides = array<i32>} : memref<10x3x16xf32, #tpu.memory_space<vmem>>, vector<1x1x16xf32>,
      %swap3A_836 = vector.shape_cast %swap3A_835 : vector<1x1x16xf32> to vector<16xf32>
      %swap3A_837 = vector.shape_cast %scan3A_820#1 : vector<16xf32> to vector<1x1x16xf32>
      tpu.vector_store %arg6[%swap3A_832, %swap3A_833, %swap3A_834], %swap3A_837 {strides = array<i32>} : memref<10x3x16xf32, #tpu.memory_space<vmem>>, vector<1x1x16xf32>,
      %swap3A_838 = arith.constant 4 : i32
      %swap3A_839 = arith.constant 2 : i32
      %swap3A_840 = arith.index_cast %swap3A_838 : i32 to index
      %swap3A_841 = arith.index_cast %swap3A_839 : i32 to index
      %swap3A_842 = arith.constant 0 : index
      %swap3A_843 = tpu.vector_load %arg6[%swap3A_840, %swap3A_841, %swap3A_842] {strides = array<i32>} : memref<10x3x16xf32, #tpu.memory_space<vmem>>, vector<1x1x16xf32>,
      %swap3A_844 = vector.shape_cast %swap3A_843 : vector<1x1x16xf32> to vector<16xf32>
      %swap3A_845 = vector.shape_cast %scan3A_820#2 : vector<16xf32> to vector<1x1x16xf32>
      tpu.vector_store %arg6[%swap3A_840, %swap3A_841, %swap3A_842], %swap3A_845 {strides = array<i32>} : memref<10x3x16xf32, #tpu.memory_space<vmem>>, vector<1x1x16xf32>,
      %swap3A_846 = arith.constant 4 : i32
      %swap3A_847 = arith.constant 0 : i32
      %swap3A_848 = arith.index_cast %swap3A_846 : i32 to index
      %swap3A_849 = arith.index_cast %swap3A_847 : i32 to index
      %swap3A_850 = arith.constant 0 : index
      %swap3A_851 = tpu.vector_load %arg7[%swap3A_848, %swap3A_849, %swap3A_850] {strides = array<i32>} : memref<10x3x16xf32, #tpu.memory_space<vmem>>, vector<1x1x16xf32>,
      %swap3A_852 = vector.shape_cast %swap3A_851 : vector<1x1x16xf32> to vector<16xf32>
      %swap3A_853 = vector.shape_cast %scan3A_820#3 : vector<16xf32> to vector<1x1x16xf32>
      tpu.vector_store %arg7[%swap3A_848, %swap3A_849, %swap3A_850], %swap3A_853 {strides = array<i32>} : memref<10x3x16xf32, #tpu.memory_space<vmem>>, vector<1x1x16xf32>,
      %swap3A_854 = arith.constant 4 : i32
      %swap3A_855 = arith.constant 1 : i32
      %swap3A_856 = arith.index_cast %swap3A_854 : i32 to index
      %swap3A_857 = arith.index_cast %swap3A_855 : i32 to index
      %swap3A_858 = arith.constant 0 : index
      %swap3A_859 = tpu.vector_load %arg7[%swap3A_856, %swap3A_857, %swap3A_858] {strides = array<i32>} : memref<10x3x16xf32, #tpu.memory_space<vmem>>, vector<1x1x16xf32>,
      %swap3A_860 = vector.shape_cast %swap3A_859 : vector<1x1x16xf32> to vector<16xf32>
      %swap3A_861 = vector.shape_cast %scan3A_820#4 : vector<16xf32> to vector<1x1x16xf32>
      tpu.vector_store %arg7[%swap3A_856, %swap3A_857, %swap3A_858], %swap3A_861 {strides = array<i32>} : memref<10x3x16xf32, #tpu.memory_space<vmem>>, vector<1x1x16xf32>,
      %swap3A_862 = arith.constant 4 : i32
      %swap3A_863 = arith.constant 2 : i32
      %swap3A_864 = arith.index_cast %swap3A_862 : i32 to index
      %swap3A_865 = arith.index_cast %swap3A_863 : i32 to index
      %swap3A_866 = arith.constant 0 : index
      %swap3A_867 = tpu.vector_load %arg7[%swap3A_864, %swap3A_865, %swap3A_866] {strides = array<i32>} : memref<10x3x16xf32, #tpu.memory_space<vmem>>, vector<1x1x16xf32>,
      %swap3A_868 = vector.shape_cast %swap3A_867 : vector<1x1x16xf32> to vector<16xf32>
      %swap3A_869 = vector.shape_cast %scan3A_820#5 : vector<16xf32> to vector<1x1x16xf32>
      tpu.vector_store %arg7[%swap3A_864, %swap3A_865, %swap3A_866], %swap3A_869 {strides = array<i32>} : memref<10x3x16xf32, #tpu.memory_space<vmem>>, vector<1x1x16xf32>,
      %swap3A_870 = arith.constant 5 : i32
      %swap3A_871 = arith.constant 0 : i32
      %swap3A_872 = arith.index_cast %swap3A_870 : i32 to index
      %swap3A_873 = arith.index_cast %swap3A_871 : i32 to index
      %swap3A_874 = arith.constant 0 : index
      %swap3A_875 = tpu.vector_load %arg6[%swap3A_872, %swap3A_873, %swap3A_874] {strides = array<i32>} : memref<10x3x16xf32, #tpu.memory_space<vmem>>, vector<1x1x16xf32>,
      %swap3A_876 = vector.shape_cast %swap3A_875 : vector<1x1x16xf32> to vector<16xf32>
      %swap3A_877 = vector.shape_cast %scan3A_820#6 : vector<16xf32> to vector<1x1x16xf32>
      tpu.vector_store %arg6[%swap3A_872, %swap3A_873, %swap3A_874], %swap3A_877 {strides = array<i32>} : memref<10x3x16xf32, #tpu.memory_space<vmem>>, vector<1x1x16xf32>,
      %swap3A_878 = arith.constant 5 : i32
      %swap3A_879 = arith.constant 1 : i32
      %swap3A_880 = arith.index_cast %swap3A_878 : i32 to index
      %swap3A_881 = arith.index_cast %swap3A_879 : i32 to index
      %swap3A_882 = arith.constant 0 : index
      %swap3A_883 = tpu.vector_load %arg6[%swap3A_880, %swap3A_881, %swap3A_882] {strides = array<i32>} : memref<10x3x16xf32, #tpu.memory_space<vmem>>, vector<1x1x16xf32>,
      %swap3A_884 = vector.shape_cast %swap3A_883 : vector<1x1x16xf32> to vector<16xf32>
      %swap3A_885 = vector.shape_cast %scan3A_820#7 : vector<16xf32> to vector<1x1x16xf32>
      tpu.vector_store %arg6[%swap3A_880, %swap3A_881, %swap3A_882], %swap3A_885 {strides = array<i32>} : memref<10x3x16xf32, #tpu.memory_space<vmem>>, vector<1x1x16xf32>,
      %swap3A_886 = arith.constant 5 : i32
      %swap3A_887 = arith.constant 2 : i32
      %swap3A_888 = arith.index_cast %swap3A_886 : i32 to index
      %swap3A_889 = arith.index_cast %swap3A_887 : i32 to index
      %swap3A_890 = arith.constant 0 : index
      %swap3A_891 = tpu.vector_load %arg6[%swap3A_888, %swap3A_889, %swap3A_890] {strides = array<i32>} : memref<10x3x16xf32, #tpu.memory_space<vmem>>, vector<1x1x16xf32>,
      %swap3A_892 = vector.shape_cast %swap3A_891 : vector<1x1x16xf32> to vector<16xf32>
      %swap3A_893 = vector.shape_cast %scan3A_820#8 : vector<16xf32> to vector<1x1x16xf32>
      tpu.vector_store %arg6[%swap3A_888, %swap3A_889, %swap3A_890], %swap3A_893 {strides = array<i32>} : memref<10x3x16xf32, #tpu.memory_space<vmem>>, vector<1x1x16xf32>,
      %swap3A_894 = arith.constant 5 : i32
      %swap3A_895 = arith.constant 0 : i32
      %swap3A_896 = arith.index_cast %swap3A_894 : i32 to index
      %swap3A_897 = arith.index_cast %swap3A_895 : i32 to index
      %swap3A_898 = arith.constant 0 : index
      %swap3A_899 = tpu.vector_load %arg7[%swap3A_896, %swap3A_897, %swap3A_898] {strides = array<i32>} : memref<10x3x16xf32, #tpu.memory_space<vmem>>, vector<1x1x16xf32>,
      %swap3A_900 = vector.shape_cast %swap3A_899 : vector<1x1x16xf32> to vector<16xf32>
      %swap3A_901 = vector.shape_cast %scan3A_820#9 : vector<16xf32> to vector<1x1x16xf32>
      tpu.vector_store %arg7[%swap3A_896, %swap3A_897, %swap3A_898], %swap3A_901 {strides = array<i32>} : memref<10x3x16xf32, #tpu.memory_space<vmem>>, vector<1x1x16xf32>,
      %swap3A_902 = arith.constant 5 : i32
      %swap3A_903 = arith.constant 1 : i32
      %swap3A_904 = arith.index_cast %swap3A_902 : i32 to index
      %swap3A_905 = arith.index_cast %swap3A_903 : i32 to index
      %swap3A_906 = arith.constant 0 : index
      %swap3A_907 = tpu.vector_load %arg7[%swap3A_904, %swap3A_905, %swap3A_906] {strides = array<i32>} : memref<10x3x16xf32, #tpu.memory_space<vmem>>, vector<1x1x16xf32>,
      %swap3A_908 = vector.shape_cast %swap3A_907 : vector<1x1x16xf32> to vector<16xf32>
      %swap3A_909 = vector.shape_cast %scan3A_820#10 : vector<16xf32> to vector<1x1x16xf32>
      tpu.vector_store %arg7[%swap3A_904, %swap3A_905, %swap3A_906], %swap3A_909 {strides = array<i32>} : memref<10x3x16xf32, #tpu.memory_space<vmem>>, vector<1x1x16xf32>,
      %swap3A_910 = arith.constant 5 : i32
      %swap3A_911 = arith.constant 2 : i32
      %swap3A_912 = arith.index_cast %swap3A_910 : i32 to index
      %swap3A_913 = arith.index_cast %swap3A_911 : i32 to index
      %swap3A_914 = arith.constant 0 : index
      %swap3A_915 = tpu.vector_load %arg7[%swap3A_912, %swap3A_913, %swap3A_914] {strides = array<i32>} : memref<10x3x16xf32, #tpu.memory_space<vmem>>, vector<1x1x16xf32>,
      %swap3A_916 = vector.shape_cast %swap3A_915 : vector<1x1x16xf32> to vector<16xf32>
      %swap3A_917 = vector.shape_cast %scan3A_820#11 : vector<16xf32> to vector<1x1x16xf32>
      tpu.vector_store %arg7[%swap3A_912, %swap3A_913, %swap3A_914], %swap3A_917 {strides = array<i32>} : memref<10x3x16xf32, #tpu.memory_space<vmem>>, vector<1x1x16xf32>,
      %broadcast_in_dim3A_918 = arith.constant -3.000000e+38 : f32
      %broadcast_in_dim3A_919 = vector.broadcast %broadcast_in_dim3A_918 : f32 to vector<16xf32>
      %broadcast_in_dim3A_920 = arith.constant 3.000000e+38 : f32
      %broadcast_in_dim3A_921 = vector.broadcast %broadcast_in_dim3A_920 : f32 to vector<16xf32>
      %scan3A_922 = arith.constant 0 : i32
      %scan3A_923 = arith.constant 250 : i32
      %scan3A_924 = arith.addi %scan3A_922, %scan3A_923 : i32
      %scan3A_925 = arith.constant 1 : i32
      %scan3A_926:12 = scf.for %scan3A_1130 = %scan3A_922 to %scan3A_924 step %scan3A_925 iter_args(%scan3A_1131 = %broadcast_in_dim3A_919, %scan3A_1132 = %broadcast_in_dim3A_919, %scan3A_1133 = %broadcast_in_dim3A_919, %scan3A_1134 = %broadcast_in_dim3A_921, %scan3A_1135 = %broadcast_in_dim3A_921, %scan3A_1136 = %broadcast_in_dim3A_921, %scan3A_1137 = %broadcast_in_dim3A_919, %scan3A_1138 = %broadcast_in_dim3A_919, %scan3A_1139 = %broadcast_in_dim3A_919, %scan3A_1140 = %broadcast_in_dim3A_921, %scan3A_1141 = %broadcast_in_dim3A_921, %scan3A_1142 = %broadcast_in_dim3A_921) -> (vector<16xf32>, vector<16xf32>, vector<16xf32>, vector<16xf32>, vector<16xf32>, vector<16xf32>, vector<16xf32>, vector<16xf32>, vector<16xf32>, vector<16xf32>, vector<16xf32>, vector<16xf32>)  : i32 {
        %mul3A_1143 = arith.constant 16 : i32
        %mul3A_1144 = arith.muli %scan3A_1130, %mul3A_1143 : i32
        %get3A = arith.constant 4 : i32
        %get3A_1145 = arith.index_cast %get3A : i32 to index
        %get3A_1146 = arith.index_cast %mul3A_1144 : i32 to index
        %get3A_1147 = tpu.vector_load %arg5[%get3A_1145, %get3A_1146] {strides = array<i32>} : memref<8x4000xf32, #tpu.memory_space<vmem>>, vector<1x16xf32>,
        %get3A_1148 = vector.shape_cast %get3A_1147 : vector<1x16xf32> to vector<16xf32>
        %get3A_1149 = arith.constant 5 : i32
        %get3A_1150 = arith.index_cast %get3A_1149 : i32 to index
        %get3A_1151 = arith.index_cast %mul3A_1144 : i32 to index
        %get3A_1152 = tpu.vector_load %arg5[%get3A_1150, %get3A_1151] {strides = array<i32>} : memref<8x4000xf32, #tpu.memory_space<vmem>>, vector<1x16xf32>,
        %get3A_1153 = vector.shape_cast %get3A_1152 : vector<1x16xf32> to vector<16xf32>
        %get3A_1154 = arith.constant 6 : i32
        %get3A_1155 = arith.index_cast %get3A_1154 : i32 to index
        %get3A_1156 = arith.index_cast %mul3A_1144 : i32 to index
        %get3A_1157 = tpu.vector_load %arg5[%get3A_1155, %get3A_1156] {strides = array<i32>} : memref<8x4000xf32, #tpu.memory_space<vmem>>, vector<1x16xf32>,
        %get3A_1158 = vector.shape_cast %get3A_1157 : vector<1x16xf32> to vector<16xf32>
        %get3A_1159 = arith.constant 7 : i32
        %get3A_1160 = arith.index_cast %get3A_1159 : i32 to index
        %get3A_1161 = arith.index_cast %mul3A_1144 : i32 to index
        %get3A_1162 = tpu.vector_load %arg5[%get3A_1160, %get3A_1161] {strides = array<i32>} : memref<8x4000xf32, #tpu.memory_space<vmem>>, vector<1x16xf32>,
        %get3A_1163 = vector.shape_cast %get3A_1162 : vector<1x16xf32> to vector<16xf32>
        %eq3A = arith.constant 6.000000e+00 : f32
        %eq3A_1164 = vector.broadcast %eq3A : f32 to vector<16xf32>
        %eq3A_1165 = arith.cmpf oeq, %get3A_1163, %eq3A_1164 : vector<16xf32>
        %eq3A_1166 = arith.constant 7.000000e+00 : f32
        %eq3A_1167 = vector.broadcast %eq3A_1166 : f32 to vector<16xf32>
        %eq3A_1168 = arith.cmpf oeq, %get3A_1163, %eq3A_1167 : vector<16xf32>
        %jit3A = arith.constant -3.000000e+38 : f32
        %broadcast_in_dim3A_1169 = vector.broadcast %jit3A : f32 to vector<16xf32>
        %select_n3A = arith.select %eq3A_1165, %get3A_1148, %broadcast_in_dim3A_1169 : vector<16xi1>, vector<16xf32>
        %max3A = arith.maximumf %scan3A_1131, %select_n3A : vector<16xf32>
        %jit3A_1170 = arith.constant -3.000000e+38 : f32
        %broadcast_in_dim3A_1171 = vector.broadcast %jit3A_1170 : f32 to vector<16xf32>
        %select_n3A_1172 = arith.select %eq3A_1165, %get3A_1153, %broadcast_in_dim3A_1171 : vector<16xi1>, vector<16xf32>
        %max3A_1173 = arith.maximumf %scan3A_1132, %select_n3A_1172 : vector<16xf32>
        %jit3A_1174 = arith.constant -3.000000e+38 : f32
        %broadcast_in_dim3A_1175 = vector.broadcast %jit3A_1174 : f32 to vector<16xf32>
        %select_n3A_1176 = arith.select %eq3A_1165, %get3A_1158, %broadcast_in_dim3A_1175 : vector<16xi1>, vector<16xf32>
        %max3A_1177 = arith.maximumf %scan3A_1133, %select_n3A_1176 : vector<16xf32>
        %jit3A_1178 = arith.constant 3.000000e+38 : f32
        %broadcast_in_dim3A_1179 = vector.broadcast %jit3A_1178 : f32 to vector<16xf32>
        %select_n3A_1180 = arith.select %eq3A_1165, %get3A_1148, %broadcast_in_dim3A_1179 : vector<16xi1>, vector<16xf32>
        %min3A = arith.minimumf %scan3A_1134, %select_n3A_1180 : vector<16xf32>
        %jit3A_1181 = arith.constant 3.000000e+38 : f32
        %broadcast_in_dim3A_1182 = vector.broadcast %jit3A_1181 : f32 to vector<16xf32>
        %select_n3A_1183 = arith.select %eq3A_1165, %get3A_1153, %broadcast_in_dim3A_1182 : vector<16xi1>, vector<16xf32>
        %min3A_1184 = arith.minimumf %scan3A_1135, %select_n3A_1183 : vector<16xf32>
        %jit3A_1185 = arith.constant 3.000000e+38 : f32
        %broadcast_in_dim3A_1186 = vector.broadcast %jit3A_1185 : f32 to vector<16xf32>
        %select_n3A_1187 = arith.select %eq3A_1165, %get3A_1158, %broadcast_in_dim3A_1186 : vector<16xi1>, vector<16xf32>
        %min3A_1188 = arith.minimumf %scan3A_1136, %select_n3A_1187 : vector<16xf32>
        %jit3A_1189 = arith.constant -3.000000e+38 : f32
        %broadcast_in_dim3A_1190 = vector.broadcast %jit3A_1189 : f32 to vector<16xf32>
        %select_n3A_1191 = arith.select %eq3A_1168, %get3A_1148, %broadcast_in_dim3A_1190 : vector<16xi1>, vector<16xf32>
        %max3A_1192 = arith.maximumf %scan3A_1137, %select_n3A_1191 : vector<16xf32>
        %jit3A_1193 = arith.constant -3.000000e+38 : f32
        %broadcast_in_dim3A_1194 = vector.broadcast %jit3A_1193 : f32 to vector<16xf32>
        %select_n3A_1195 = arith.select %eq3A_1168, %get3A_1153, %broadcast_in_dim3A_1194 : vector<16xi1>, vector<16xf32>
        %max3A_1196 = arith.maximumf %scan3A_1138, %select_n3A_1195 : vector<16xf32>
        %jit3A_1197 = arith.constant -3.000000e+38 : f32
        %broadcast_in_dim3A_1198 = vector.broadcast %jit3A_1197 : f32 to vector<16xf32>
        %select_n3A_1199 = arith.select %eq3A_1168, %get3A_1158, %broadcast_in_dim3A_1198 : vector<16xi1>, vector<16xf32>
        %max3A_1200 = arith.maximumf %scan3A_1139, %select_n3A_1199 : vector<16xf32>
        %jit3A_1201 = arith.constant 3.000000e+38 : f32
        %broadcast_in_dim3A_1202 = vector.broadcast %jit3A_1201 : f32 to vector<16xf32>
        %select_n3A_1203 = arith.select %eq3A_1168, %get3A_1148, %broadcast_in_dim3A_1202 : vector<16xi1>, vector<16xf32>
        %min3A_1204 = arith.minimumf %scan3A_1140, %select_n3A_1203 : vector<16xf32>
        %jit3A_1205 = arith.constant 3.000000e+38 : f32
        %broadcast_in_dim3A_1206 = vector.broadcast %jit3A_1205 : f32 to vector<16xf32>
        %select_n3A_1207 = arith.select %eq3A_1168, %get3A_1153, %broadcast_in_dim3A_1206 : vector<16xi1>, vector<16xf32>
        %min3A_1208 = arith.minimumf %scan3A_1141, %select_n3A_1207 : vector<16xf32>
        %jit3A_1209 = arith.constant 3.000000e+38 : f32
        %broadcast_in_dim3A_1210 = vector.broadcast %jit3A_1209 : f32 to vector<16xf32>
        %select_n3A_1211 = arith.select %eq3A_1168, %get3A_1158, %broadcast_in_dim3A_1210 : vector<16xi1>, vector<16xf32>
        %min3A_1212 = arith.minimumf %scan3A_1142, %select_n3A_1211 : vector<16xf32>
        scf.yield %max3A, %max3A_1173, %max3A_1177, %min3A, %min3A_1184, %min3A_1188, %max3A_1192, %max3A_1196, %max3A_1200, %min3A_1204, %min3A_1208, %min3A_1212 : vector<16xf32>, vector<16xf32>, vector<16xf32>, vector<16xf32>, vector<16xf32>, vector<16xf32>, vector<16xf32>, vector<16xf32>, vector<16xf32>, vector<16xf32>, vector<16xf32>, vector<16xf32>
      }
      %scan3A_927 = arith.constant 250 : i32
      %swap3A_928 = arith.constant 6 : i32
      %swap3A_929 = arith.constant 0 : i32
      %swap3A_930 = arith.index_cast %swap3A_928 : i32 to index
      %swap3A_931 = arith.index_cast %swap3A_929 : i32 to index
      %swap3A_932 = arith.constant 0 : index
      %swap3A_933 = tpu.vector_load %arg6[%swap3A_930, %swap3A_931, %swap3A_932] {strides = array<i32>} : memref<10x3x16xf32, #tpu.memory_space<vmem>>, vector<1x1x16xf32>,
      %swap3A_934 = vector.shape_cast %swap3A_933 : vector<1x1x16xf32> to vector<16xf32>
      %swap3A_935 = vector.shape_cast %scan3A_926#0 : vector<16xf32> to vector<1x1x16xf32>
      tpu.vector_store %arg6[%swap3A_930, %swap3A_931, %swap3A_932], %swap3A_935 {strides = array<i32>} : memref<10x3x16xf32, #tpu.memory_space<vmem>>, vector<1x1x16xf32>,
      %swap3A_936 = arith.constant 6 : i32
      %swap3A_937 = arith.constant 1 : i32
      %swap3A_938 = arith.index_cast %swap3A_936 : i32 to index
      %swap3A_939 = arith.index_cast %swap3A_937 : i32 to index
      %swap3A_940 = arith.constant 0 : index
      %swap3A_941 = tpu.vector_load %arg6[%swap3A_938, %swap3A_939, %swap3A_940] {strides = array<i32>} : memref<10x3x16xf32, #tpu.memory_space<vmem>>, vector<1x1x16xf32>,
      %swap3A_942 = vector.shape_cast %swap3A_941 : vector<1x1x16xf32> to vector<16xf32>
      %swap3A_943 = vector.shape_cast %scan3A_926#1 : vector<16xf32> to vector<1x1x16xf32>
      tpu.vector_store %arg6[%swap3A_938, %swap3A_939, %swap3A_940], %swap3A_943 {strides = array<i32>} : memref<10x3x16xf32, #tpu.memory_space<vmem>>, vector<1x1x16xf32>,
      %swap3A_944 = arith.constant 6 : i32
      %swap3A_945 = arith.constant 2 : i32
      %swap3A_946 = arith.index_cast %swap3A_944 : i32 to index
      %swap3A_947 = arith.index_cast %swap3A_945 : i32 to index
      %swap3A_948 = arith.constant 0 : index
      %swap3A_949 = tpu.vector_load %arg6[%swap3A_946, %swap3A_947, %swap3A_948] {strides = array<i32>} : memref<10x3x16xf32, #tpu.memory_space<vmem>>, vector<1x1x16xf32>,
      %swap3A_950 = vector.shape_cast %swap3A_949 : vector<1x1x16xf32> to vector<16xf32>
      %swap3A_951 = vector.shape_cast %scan3A_926#2 : vector<16xf32> to vector<1x1x16xf32>
      tpu.vector_store %arg6[%swap3A_946, %swap3A_947, %swap3A_948], %swap3A_951 {strides = array<i32>} : memref<10x3x16xf32, #tpu.memory_space<vmem>>, vector<1x1x16xf32>,
      %swap3A_952 = arith.constant 6 : i32
      %swap3A_953 = arith.constant 0 : i32
      %swap3A_954 = arith.index_cast %swap3A_952 : i32 to index
      %swap3A_955 = arith.index_cast %swap3A_953 : i32 to index
      %swap3A_956 = arith.constant 0 : index
      %swap3A_957 = tpu.vector_load %arg7[%swap3A_954, %swap3A_955, %swap3A_956] {strides = array<i32>} : memref<10x3x16xf32, #tpu.memory_space<vmem>>, vector<1x1x16xf32>,
      %swap3A_958 = vector.shape_cast %swap3A_957 : vector<1x1x16xf32> to vector<16xf32>
      %swap3A_959 = vector.shape_cast %scan3A_926#3 : vector<16xf32> to vector<1x1x16xf32>
      tpu.vector_store %arg7[%swap3A_954, %swap3A_955, %swap3A_956], %swap3A_959 {strides = array<i32>} : memref<10x3x16xf32, #tpu.memory_space<vmem>>, vector<1x1x16xf32>,
      %swap3A_960 = arith.constant 6 : i32
      %swap3A_961 = arith.constant 1 : i32
      %swap3A_962 = arith.index_cast %swap3A_960 : i32 to index
      %swap3A_963 = arith.index_cast %swap3A_961 : i32 to index
      %swap3A_964 = arith.constant 0 : index
      %swap3A_965 = tpu.vector_load %arg7[%swap3A_962, %swap3A_963, %swap3A_964] {strides = array<i32>} : memref<10x3x16xf32, #tpu.memory_space<vmem>>, vector<1x1x16xf32>,
      %swap3A_966 = vector.shape_cast %swap3A_965 : vector<1x1x16xf32> to vector<16xf32>
      %swap3A_967 = vector.shape_cast %scan3A_926#4 : vector<16xf32> to vector<1x1x16xf32>
      tpu.vector_store %arg7[%swap3A_962, %swap3A_963, %swap3A_964], %swap3A_967 {strides = array<i32>} : memref<10x3x16xf32, #tpu.memory_space<vmem>>, vector<1x1x16xf32>,
      %swap3A_968 = arith.constant 6 : i32
      %swap3A_969 = arith.constant 2 : i32
      %swap3A_970 = arith.index_cast %swap3A_968 : i32 to index
      %swap3A_971 = arith.index_cast %swap3A_969 : i32 to index
      %swap3A_972 = arith.constant 0 : index
      %swap3A_973 = tpu.vector_load %arg7[%swap3A_970, %swap3A_971, %swap3A_972] {strides = array<i32>} : memref<10x3x16xf32, #tpu.memory_space<vmem>>, vector<1x1x16xf32>,
      %swap3A_974 = vector.shape_cast %swap3A_973 : vector<1x1x16xf32> to vector<16xf32>
      %swap3A_975 = vector.shape_cast %scan3A_926#5 : vector<16xf32> to vector<1x1x16xf32>
      tpu.vector_store %arg7[%swap3A_970, %swap3A_971, %swap3A_972], %swap3A_975 {strides = array<i32>} : memref<10x3x16xf32, #tpu.memory_space<vmem>>, vector<1x1x16xf32>,
      %swap3A_976 = arith.constant 7 : i32
      %swap3A_977 = arith.constant 0 : i32
      %swap3A_978 = arith.index_cast %swap3A_976 : i32 to index
      %swap3A_979 = arith.index_cast %swap3A_977 : i32 to index
      %swap3A_980 = arith.constant 0 : index
      %swap3A_981 = tpu.vector_load %arg6[%swap3A_978, %swap3A_979, %swap3A_980] {strides = array<i32>} : memref<10x3x16xf32, #tpu.memory_space<vmem>>, vector<1x1x16xf32>,
      %swap3A_982 = vector.shape_cast %swap3A_981 : vector<1x1x16xf32> to vector<16xf32>
      %swap3A_983 = vector.shape_cast %scan3A_926#6 : vector<16xf32> to vector<1x1x16xf32>
      tpu.vector_store %arg6[%swap3A_978, %swap3A_979, %swap3A_980], %swap3A_983 {strides = array<i32>} : memref<10x3x16xf32, #tpu.memory_space<vmem>>, vector<1x1x16xf32>,
      %swap3A_984 = arith.constant 7 : i32
      %swap3A_985 = arith.constant 1 : i32
      %swap3A_986 = arith.index_cast %swap3A_984 : i32 to index
      %swap3A_987 = arith.index_cast %swap3A_985 : i32 to index
      %swap3A_988 = arith.constant 0 : index
      %swap3A_989 = tpu.vector_load %arg6[%swap3A_986, %swap3A_987, %swap3A_988] {strides = array<i32>} : memref<10x3x16xf32, #tpu.memory_space<vmem>>, vector<1x1x16xf32>,
      %swap3A_990 = vector.shape_cast %swap3A_989 : vector<1x1x16xf32> to vector<16xf32>
      %swap3A_991 = vector.shape_cast %scan3A_926#7 : vector<16xf32> to vector<1x1x16xf32>
      tpu.vector_store %arg6[%swap3A_986, %swap3A_987, %swap3A_988], %swap3A_991 {strides = array<i32>} : memref<10x3x16xf32, #tpu.memory_space<vmem>>, vector<1x1x16xf32>,
      %swap3A_992 = arith.constant 7 : i32
      %swap3A_993 = arith.constant 2 : i32
      %swap3A_994 = arith.index_cast %swap3A_992 : i32 to index
      %swap3A_995 = arith.index_cast %swap3A_993 : i32 to index
      %swap3A_996 = arith.constant 0 : index
      %swap3A_997 = tpu.vector_load %arg6[%swap3A_994, %swap3A_995, %swap3A_996] {strides = array<i32>} : memref<10x3x16xf32, #tpu.memory_space<vmem>>, vector<1x1x16xf32>,
      %swap3A_998 = vector.shape_cast %swap3A_997 : vector<1x1x16xf32> to vector<16xf32>
      %swap3A_999 = vector.shape_cast %scan3A_926#8 : vector<16xf32> to vector<1x1x16xf32>
      tpu.vector_store %arg6[%swap3A_994, %swap3A_995, %swap3A_996], %swap3A_999 {strides = array<i32>} : memref<10x3x16xf32, #tpu.memory_space<vmem>>, vector<1x1x16xf32>,
      %swap3A_1000 = arith.constant 7 : i32
      %swap3A_1001 = arith.constant 0 : i32
      %swap3A_1002 = arith.index_cast %swap3A_1000 : i32 to index
      %swap3A_1003 = arith.index_cast %swap3A_1001 : i32 to index
      %swap3A_1004 = arith.constant 0 : index
      %swap3A_1005 = tpu.vector_load %arg7[%swap3A_1002, %swap3A_1003, %swap3A_1004] {strides = array<i32>} : memref<10x3x16xf32, #tpu.memory_space<vmem>>, vector<1x1x16xf32>,
      %swap3A_1006 = vector.shape_cast %swap3A_1005 : vector<1x1x16xf32> to vector<16xf32>
      %swap3A_1007 = vector.shape_cast %scan3A_926#9 : vector<16xf32> to vector<1x1x16xf32>
      tpu.vector_store %arg7[%swap3A_1002, %swap3A_1003, %swap3A_1004], %swap3A_1007 {strides = array<i32>} : memref<10x3x16xf32, #tpu.memory_space<vmem>>, vector<1x1x16xf32>,
      %swap3A_1008 = arith.constant 7 : i32
      %swap3A_1009 = arith.constant 1 : i32
      %swap3A_1010 = arith.index_cast %swap3A_1008 : i32 to index
      %swap3A_1011 = arith.index_cast %swap3A_1009 : i32 to index
      %swap3A_1012 = arith.constant 0 : index
      %swap3A_1013 = tpu.vector_load %arg7[%swap3A_1010, %swap3A_1011, %swap3A_1012] {strides = array<i32>} : memref<10x3x16xf32, #tpu.memory_space<vmem>>, vector<1x1x16xf32>,
      %swap3A_1014 = vector.shape_cast %swap3A_1013 : vector<1x1x16xf32> to vector<16xf32>
      %swap3A_1015 = vector.shape_cast %scan3A_926#10 : vector<16xf32> to vector<1x1x16xf32>
      tpu.vector_store %arg7[%swap3A_1010, %swap3A_1011, %swap3A_1012], %swap3A_1015 {strides = array<i32>} : memref<10x3x16xf32, #tpu.memory_space<vmem>>, vector<1x1x16xf32>,
      %swap3A_1016 = arith.constant 7 : i32
      %swap3A_1017 = arith.constant 2 : i32
      %swap3A_1018 = arith.index_cast %swap3A_1016 : i32 to index
      %swap3A_1019 = arith.index_cast %swap3A_1017 : i32 to index
      %swap3A_1020 = arith.constant 0 : index
      %swap3A_1021 = tpu.vector_load %arg7[%swap3A_1018, %swap3A_1019, %swap3A_1020] {strides = array<i32>} : memref<10x3x16xf32, #tpu.memory_space<vmem>>, vector<1x1x16xf32>,
      %swap3A_1022 = vector.shape_cast %swap3A_1021 : vector<1x1x16xf32> to vector<16xf32>
      %swap3A_1023 = vector.shape_cast %scan3A_926#11 : vector<16xf32> to vector<1x1x16xf32>
      tpu.vector_store %arg7[%swap3A_1018, %swap3A_1019, %swap3A_1020], %swap3A_1023 {strides = array<i32>} : memref<10x3x16xf32, #tpu.memory_space<vmem>>, vector<1x1x16xf32>,
      %broadcast_in_dim3A_1024 = arith.constant -3.000000e+38 : f32
      %broadcast_in_dim3A_1025 = vector.broadcast %broadcast_in_dim3A_1024 : f32 to vector<16xf32>
      %broadcast_in_dim3A_1026 = arith.constant 3.000000e+38 : f32
      %broadcast_in_dim3A_1027 = vector.broadcast %broadcast_in_dim3A_1026 : f32 to vector<16xf32>
      %scan3A_1028 = arith.constant 0 : i32
      %scan3A_1029 = arith.constant 250 : i32
      %scan3A_1030 = arith.addi %scan3A_1028, %scan3A_1029 : i32
      %scan3A_1031 = arith.constant 1 : i32
      %scan3A_1032:12 = scf.for %scan3A_1130 = %scan3A_1028 to %scan3A_1030 step %scan3A_1031 iter_args(%scan3A_1131 = %broadcast_in_dim3A_1025, %scan3A_1132 = %broadcast_in_dim3A_1025, %scan3A_1133 = %broadcast_in_dim3A_1025, %scan3A_1134 = %broadcast_in_dim3A_1027, %scan3A_1135 = %broadcast_in_dim3A_1027, %scan3A_1136 = %broadcast_in_dim3A_1027, %scan3A_1137 = %broadcast_in_dim3A_1025, %scan3A_1138 = %broadcast_in_dim3A_1025, %scan3A_1139 = %broadcast_in_dim3A_1025, %scan3A_1140 = %broadcast_in_dim3A_1027, %scan3A_1141 = %broadcast_in_dim3A_1027, %scan3A_1142 = %broadcast_in_dim3A_1027) -> (vector<16xf32>, vector<16xf32>, vector<16xf32>, vector<16xf32>, vector<16xf32>, vector<16xf32>, vector<16xf32>, vector<16xf32>, vector<16xf32>, vector<16xf32>, vector<16xf32>, vector<16xf32>)  : i32 {
        %mul3A_1143 = arith.constant 16 : i32
        %mul3A_1144 = arith.muli %scan3A_1130, %mul3A_1143 : i32
        %get3A = arith.constant 4 : i32
        %get3A_1145 = arith.index_cast %get3A : i32 to index
        %get3A_1146 = arith.index_cast %mul3A_1144 : i32 to index
        %get3A_1147 = tpu.vector_load %arg5[%get3A_1145, %get3A_1146] {strides = array<i32>} : memref<8x4000xf32, #tpu.memory_space<vmem>>, vector<1x16xf32>,
        %get3A_1148 = vector.shape_cast %get3A_1147 : vector<1x16xf32> to vector<16xf32>
        %get3A_1149 = arith.constant 5 : i32
        %get3A_1150 = arith.index_cast %get3A_1149 : i32 to index
        %get3A_1151 = arith.index_cast %mul3A_1144 : i32 to index
        %get3A_1152 = tpu.vector_load %arg5[%get3A_1150, %get3A_1151] {strides = array<i32>} : memref<8x4000xf32, #tpu.memory_space<vmem>>, vector<1x16xf32>,
        %get3A_1153 = vector.shape_cast %get3A_1152 : vector<1x16xf32> to vector<16xf32>
        %get3A_1154 = arith.constant 6 : i32
        %get3A_1155 = arith.index_cast %get3A_1154 : i32 to index
        %get3A_1156 = arith.index_cast %mul3A_1144 : i32 to index
        %get3A_1157 = tpu.vector_load %arg5[%get3A_1155, %get3A_1156] {strides = array<i32>} : memref<8x4000xf32, #tpu.memory_space<vmem>>, vector<1x16xf32>,
        %get3A_1158 = vector.shape_cast %get3A_1157 : vector<1x16xf32> to vector<16xf32>
        %get3A_1159 = arith.constant 7 : i32
        %get3A_1160 = arith.index_cast %get3A_1159 : i32 to index
        %get3A_1161 = arith.index_cast %mul3A_1144 : i32 to index
        %get3A_1162 = tpu.vector_load %arg5[%get3A_1160, %get3A_1161] {strides = array<i32>} : memref<8x4000xf32, #tpu.memory_space<vmem>>, vector<1x16xf32>,
        %get3A_1163 = vector.shape_cast %get3A_1162 : vector<1x16xf32> to vector<16xf32>
        %eq3A = arith.constant 8.000000e+00 : f32
        %eq3A_1164 = vector.broadcast %eq3A : f32 to vector<16xf32>
        %eq3A_1165 = arith.cmpf oeq, %get3A_1163, %eq3A_1164 : vector<16xf32>
        %eq3A_1166 = arith.constant 9.000000e+00 : f32
        %eq3A_1167 = vector.broadcast %eq3A_1166 : f32 to vector<16xf32>
        %eq3A_1168 = arith.cmpf oeq, %get3A_1163, %eq3A_1167 : vector<16xf32>
        %jit3A = arith.constant -3.000000e+38 : f32
        %broadcast_in_dim3A_1169 = vector.broadcast %jit3A : f32 to vector<16xf32>
        %select_n3A = arith.select %eq3A_1165, %get3A_1148, %broadcast_in_dim3A_1169 : vector<16xi1>, vector<16xf32>
        %max3A = arith.maximumf %scan3A_1131, %select_n3A : vector<16xf32>
        %jit3A_1170 = arith.constant -3.000000e+38 : f32
        %broadcast_in_dim3A_1171 = vector.broadcast %jit3A_1170 : f32 to vector<16xf32>
        %select_n3A_1172 = arith.select %eq3A_1165, %get3A_1153, %broadcast_in_dim3A_1171 : vector<16xi1>, vector<16xf32>
        %max3A_1173 = arith.maximumf %scan3A_1132, %select_n3A_1172 : vector<16xf32>
        %jit3A_1174 = arith.constant -3.000000e+38 : f32
        %broadcast_in_dim3A_1175 = vector.broadcast %jit3A_1174 : f32 to vector<16xf32>
        %select_n3A_1176 = arith.select %eq3A_1165, %get3A_1158, %broadcast_in_dim3A_1175 : vector<16xi1>, vector<16xf32>
        %max3A_1177 = arith.maximumf %scan3A_1133, %select_n3A_1176 : vector<16xf32>
        %jit3A_1178 = arith.constant 3.000000e+38 : f32
        %broadcast_in_dim3A_1179 = vector.broadcast %jit3A_1178 : f32 to vector<16xf32>
        %select_n3A_1180 = arith.select %eq3A_1165, %get3A_1148, %broadcast_in_dim3A_1179 : vector<16xi1>, vector<16xf32>
        %min3A = arith.minimumf %scan3A_1134, %select_n3A_1180 : vector<16xf32>
        %jit3A_1181 = arith.constant 3.000000e+38 : f32
        %broadcast_in_dim3A_1182 = vector.broadcast %jit3A_1181 : f32 to vector<16xf32>
        %select_n3A_1183 = arith.select %eq3A_1165, %get3A_1153, %broadcast_in_dim3A_1182 : vector<16xi1>, vector<16xf32>
        %min3A_1184 = arith.minimumf %scan3A_1135, %select_n3A_1183 : vector<16xf32>
        %jit3A_1185 = arith.constant 3.000000e+38 : f32
        %broadcast_in_dim3A_1186 = vector.broadcast %jit3A_1185 : f32 to vector<16xf32>
        %select_n3A_1187 = arith.select %eq3A_1165, %get3A_1158, %broadcast_in_dim3A_1186 : vector<16xi1>, vector<16xf32>
        %min3A_1188 = arith.minimumf %scan3A_1136, %select_n3A_1187 : vector<16xf32>
        %jit3A_1189 = arith.constant -3.000000e+38 : f32
        %broadcast_in_dim3A_1190 = vector.broadcast %jit3A_1189 : f32 to vector<16xf32>
        %select_n3A_1191 = arith.select %eq3A_1168, %get3A_1148, %broadcast_in_dim3A_1190 : vector<16xi1>, vector<16xf32>
        %max3A_1192 = arith.maximumf %scan3A_1137, %select_n3A_1191 : vector<16xf32>
        %jit3A_1193 = arith.constant -3.000000e+38 : f32
        %broadcast_in_dim3A_1194 = vector.broadcast %jit3A_1193 : f32 to vector<16xf32>
        %select_n3A_1195 = arith.select %eq3A_1168, %get3A_1153, %broadcast_in_dim3A_1194 : vector<16xi1>, vector<16xf32>
        %max3A_1196 = arith.maximumf %scan3A_1138, %select_n3A_1195 : vector<16xf32>
        %jit3A_1197 = arith.constant -3.000000e+38 : f32
        %broadcast_in_dim3A_1198 = vector.broadcast %jit3A_1197 : f32 to vector<16xf32>
        %select_n3A_1199 = arith.select %eq3A_1168, %get3A_1158, %broadcast_in_dim3A_1198 : vector<16xi1>, vector<16xf32>
        %max3A_1200 = arith.maximumf %scan3A_1139, %select_n3A_1199 : vector<16xf32>
        %jit3A_1201 = arith.constant 3.000000e+38 : f32
        %broadcast_in_dim3A_1202 = vector.broadcast %jit3A_1201 : f32 to vector<16xf32>
        %select_n3A_1203 = arith.select %eq3A_1168, %get3A_1148, %broadcast_in_dim3A_1202 : vector<16xi1>, vector<16xf32>
        %min3A_1204 = arith.minimumf %scan3A_1140, %select_n3A_1203 : vector<16xf32>
        %jit3A_1205 = arith.constant 3.000000e+38 : f32
        %broadcast_in_dim3A_1206 = vector.broadcast %jit3A_1205 : f32 to vector<16xf32>
        %select_n3A_1207 = arith.select %eq3A_1168, %get3A_1153, %broadcast_in_dim3A_1206 : vector<16xi1>, vector<16xf32>
        %min3A_1208 = arith.minimumf %scan3A_1141, %select_n3A_1207 : vector<16xf32>
        %jit3A_1209 = arith.constant 3.000000e+38 : f32
        %broadcast_in_dim3A_1210 = vector.broadcast %jit3A_1209 : f32 to vector<16xf32>
        %select_n3A_1211 = arith.select %eq3A_1168, %get3A_1158, %broadcast_in_dim3A_1210 : vector<16xi1>, vector<16xf32>
        %min3A_1212 = arith.minimumf %scan3A_1142, %select_n3A_1211 : vector<16xf32>
        scf.yield %max3A, %max3A_1173, %max3A_1177, %min3A, %min3A_1184, %min3A_1188, %max3A_1192, %max3A_1196, %max3A_1200, %min3A_1204, %min3A_1208, %min3A_1212 : vector<16xf32>, vector<16xf32>, vector<16xf32>, vector<16xf32>, vector<16xf32>, vector<16xf32>, vector<16xf32>, vector<16xf32>, vector<16xf32>, vector<16xf32>, vector<16xf32>, vector<16xf32>
      }
      %scan3A_1033 = arith.constant 250 : i32
      %swap3A_1034 = arith.constant 8 : i32
      %swap3A_1035 = arith.constant 0 : i32
      %swap3A_1036 = arith.index_cast %swap3A_1034 : i32 to index
      %swap3A_1037 = arith.index_cast %swap3A_1035 : i32 to index
      %swap3A_1038 = arith.constant 0 : index
      %swap3A_1039 = tpu.vector_load %arg6[%swap3A_1036, %swap3A_1037, %swap3A_1038] {strides = array<i32>} : memref<10x3x16xf32, #tpu.memory_space<vmem>>, vector<1x1x16xf32>,
      %swap3A_1040 = vector.shape_cast %swap3A_1039 : vector<1x1x16xf32> to vector<16xf32>
      %swap3A_1041 = vector.shape_cast %scan3A_1032#0 : vector<16xf32> to vector<1x1x16xf32>
      tpu.vector_store %arg6[%swap3A_1036, %swap3A_1037, %swap3A_1038], %swap3A_1041 {strides = array<i32>} : memref<10x3x16xf32, #tpu.memory_space<vmem>>, vector<1x1x16xf32>,
      %swap3A_1042 = arith.constant 8 : i32
      %swap3A_1043 = arith.constant 1 : i32
      %swap3A_1044 = arith.index_cast %swap3A_1042 : i32 to index
      %swap3A_1045 = arith.index_cast %swap3A_1043 : i32 to index
      %swap3A_1046 = arith.constant 0 : index
      %swap3A_1047 = tpu.vector_load %arg6[%swap3A_1044, %swap3A_1045, %swap3A_1046] {strides = array<i32>} : memref<10x3x16xf32, #tpu.memory_space<vmem>>, vector<1x1x16xf32>,
      %swap3A_1048 = vector.shape_cast %swap3A_1047 : vector<1x1x16xf32> to vector<16xf32>
      %swap3A_1049 = vector.shape_cast %scan3A_1032#1 : vector<16xf32> to vector<1x1x16xf32>
      tpu.vector_store %arg6[%swap3A_1044, %swap3A_1045, %swap3A_1046], %swap3A_1049 {strides = array<i32>} : memref<10x3x16xf32, #tpu.memory_space<vmem>>, vector<1x1x16xf32>,
      %swap3A_1050 = arith.constant 8 : i32
      %swap3A_1051 = arith.constant 2 : i32
      %swap3A_1052 = arith.index_cast %swap3A_1050 : i32 to index
      %swap3A_1053 = arith.index_cast %swap3A_1051 : i32 to index
      %swap3A_1054 = arith.constant 0 : index
      %swap3A_1055 = tpu.vector_load %arg6[%swap3A_1052, %swap3A_1053, %swap3A_1054] {strides = array<i32>} : memref<10x3x16xf32, #tpu.memory_space<vmem>>, vector<1x1x16xf32>,
      %swap3A_1056 = vector.shape_cast %swap3A_1055 : vector<1x1x16xf32> to vector<16xf32>
      %swap3A_1057 = vector.shape_cast %scan3A_1032#2 : vector<16xf32> to vector<1x1x16xf32>
      tpu.vector_store %arg6[%swap3A_1052, %swap3A_1053, %swap3A_1054], %swap3A_1057 {strides = array<i32>} : memref<10x3x16xf32, #tpu.memory_space<vmem>>, vector<1x1x16xf32>,
      %swap3A_1058 = arith.constant 8 : i32
      %swap3A_1059 = arith.constant 0 : i32
      %swap3A_1060 = arith.index_cast %swap3A_1058 : i32 to index
      %swap3A_1061 = arith.index_cast %swap3A_1059 : i32 to index
      %swap3A_1062 = arith.constant 0 : index
      %swap3A_1063 = tpu.vector_load %arg7[%swap3A_1060, %swap3A_1061, %swap3A_1062] {strides = array<i32>} : memref<10x3x16xf32, #tpu.memory_space<vmem>>, vector<1x1x16xf32>,
      %swap3A_1064 = vector.shape_cast %swap3A_1063 : vector<1x1x16xf32> to vector<16xf32>
      %swap3A_1065 = vector.shape_cast %scan3A_1032#3 : vector<16xf32> to vector<1x1x16xf32>
      tpu.vector_store %arg7[%swap3A_1060, %swap3A_1061, %swap3A_1062], %swap3A_1065 {strides = array<i32>} : memref<10x3x16xf32, #tpu.memory_space<vmem>>, vector<1x1x16xf32>,
      %swap3A_1066 = arith.constant 8 : i32
      %swap3A_1067 = arith.constant 1 : i32
      %swap3A_1068 = arith.index_cast %swap3A_1066 : i32 to index
      %swap3A_1069 = arith.index_cast %swap3A_1067 : i32 to index
      %swap3A_1070 = arith.constant 0 : index
      %swap3A_1071 = tpu.vector_load %arg7[%swap3A_1068, %swap3A_1069, %swap3A_1070] {strides = array<i32>} : memref<10x3x16xf32, #tpu.memory_space<vmem>>, vector<1x1x16xf32>,
      %swap3A_1072 = vector.shape_cast %swap3A_1071 : vector<1x1x16xf32> to vector<16xf32>
      %swap3A_1073 = vector.shape_cast %scan3A_1032#4 : vector<16xf32> to vector<1x1x16xf32>
      tpu.vector_store %arg7[%swap3A_1068, %swap3A_1069, %swap3A_1070], %swap3A_1073 {strides = array<i32>} : memref<10x3x16xf32, #tpu.memory_space<vmem>>, vector<1x1x16xf32>,
      %swap3A_1074 = arith.constant 8 : i32
      %swap3A_1075 = arith.constant 2 : i32
      %swap3A_1076 = arith.index_cast %swap3A_1074 : i32 to index
      %swap3A_1077 = arith.index_cast %swap3A_1075 : i32 to index
      %swap3A_1078 = arith.constant 0 : index
      %swap3A_1079 = tpu.vector_load %arg7[%swap3A_1076, %swap3A_1077, %swap3A_1078] {strides = array<i32>} : memref<10x3x16xf32, #tpu.memory_space<vmem>>, vector<1x1x16xf32>,
      %swap3A_1080 = vector.shape_cast %swap3A_1079 : vector<1x1x16xf32> to vector<16xf32>
      %swap3A_1081 = vector.shape_cast %scan3A_1032#5 : vector<16xf32> to vector<1x1x16xf32>
      tpu.vector_store %arg7[%swap3A_1076, %swap3A_1077, %swap3A_1078], %swap3A_1081 {strides = array<i32>} : memref<10x3x16xf32, #tpu.memory_space<vmem>>, vector<1x1x16xf32>,
      %swap3A_1082 = arith.constant 9 : i32
      %swap3A_1083 = arith.constant 0 : i32
      %swap3A_1084 = arith.index_cast %swap3A_1082 : i32 to index
      %swap3A_1085 = arith.index_cast %swap3A_1083 : i32 to index
      %swap3A_1086 = arith.constant 0 : index
      %swap3A_1087 = tpu.vector_load %arg6[%swap3A_1084, %swap3A_1085, %swap3A_1086] {strides = array<i32>} : memref<10x3x16xf32, #tpu.memory_space<vmem>>, vector<1x1x16xf32>,
      %swap3A_1088 = vector.shape_cast %swap3A_1087 : vector<1x1x16xf32> to vector<16xf32>
      %swap3A_1089 = vector.shape_cast %scan3A_1032#6 : vector<16xf32> to vector<1x1x16xf32>
      tpu.vector_store %arg6[%swap3A_1084, %swap3A_1085, %swap3A_1086], %swap3A_1089 {strides = array<i32>} : memref<10x3x16xf32, #tpu.memory_space<vmem>>, vector<1x1x16xf32>,
      %swap3A_1090 = arith.constant 9 : i32
      %swap3A_1091 = arith.constant 1 : i32
      %swap3A_1092 = arith.index_cast %swap3A_1090 : i32 to index
      %swap3A_1093 = arith.index_cast %swap3A_1091 : i32 to index
      %swap3A_1094 = arith.constant 0 : index
      %swap3A_1095 = tpu.vector_load %arg6[%swap3A_1092, %swap3A_1093, %swap3A_1094] {strides = array<i32>} : memref<10x3x16xf32, #tpu.memory_space<vmem>>, vector<1x1x16xf32>,
      %swap3A_1096 = vector.shape_cast %swap3A_1095 : vector<1x1x16xf32> to vector<16xf32>
      %swap3A_1097 = vector.shape_cast %scan3A_1032#7 : vector<16xf32> to vector<1x1x16xf32>
      tpu.vector_store %arg6[%swap3A_1092, %swap3A_1093, %swap3A_1094], %swap3A_1097 {strides = array<i32>} : memref<10x3x16xf32, #tpu.memory_space<vmem>>, vector<1x1x16xf32>,
      %swap3A_1098 = arith.constant 9 : i32
      %swap3A_1099 = arith.constant 2 : i32
      %swap3A_1100 = arith.index_cast %swap3A_1098 : i32 to index
      %swap3A_1101 = arith.index_cast %swap3A_1099 : i32 to index
      %swap3A_1102 = arith.constant 0 : index
      %swap3A_1103 = tpu.vector_load %arg6[%swap3A_1100, %swap3A_1101, %swap3A_1102] {strides = array<i32>} : memref<10x3x16xf32, #tpu.memory_space<vmem>>, vector<1x1x16xf32>,
      %swap3A_1104 = vector.shape_cast %swap3A_1103 : vector<1x1x16xf32> to vector<16xf32>
      %swap3A_1105 = vector.shape_cast %scan3A_1032#8 : vector<16xf32> to vector<1x1x16xf32>
      tpu.vector_store %arg6[%swap3A_1100, %swap3A_1101, %swap3A_1102], %swap3A_1105 {strides = array<i32>} : memref<10x3x16xf32, #tpu.memory_space<vmem>>, vector<1x1x16xf32>,
      %swap3A_1106 = arith.constant 9 : i32
      %swap3A_1107 = arith.constant 0 : i32
      %swap3A_1108 = arith.index_cast %swap3A_1106 : i32 to index
      %swap3A_1109 = arith.index_cast %swap3A_1107 : i32 to index
      %swap3A_1110 = arith.constant 0 : index
      %swap3A_1111 = tpu.vector_load %arg7[%swap3A_1108, %swap3A_1109, %swap3A_1110] {strides = array<i32>} : memref<10x3x16xf32, #tpu.memory_space<vmem>>, vector<1x1x16xf32>,
      %swap3A_1112 = vector.shape_cast %swap3A_1111 : vector<1x1x16xf32> to vector<16xf32>
      %swap3A_1113 = vector.shape_cast %scan3A_1032#9 : vector<16xf32> to vector<1x1x16xf32>
      tpu.vector_store %arg7[%swap3A_1108, %swap3A_1109, %swap3A_1110], %swap3A_1113 {strides = array<i32>} : memref<10x3x16xf32, #tpu.memory_space<vmem>>, vector<1x1x16xf32>,
      %swap3A_1114 = arith.constant 9 : i32
      %swap3A_1115 = arith.constant 1 : i32
      %swap3A_1116 = arith.index_cast %swap3A_1114 : i32 to index
      %swap3A_1117 = arith.index_cast %swap3A_1115 : i32 to index
      %swap3A_1118 = arith.constant 0 : index
      %swap3A_1119 = tpu.vector_load %arg7[%swap3A_1116, %swap3A_1117, %swap3A_1118] {strides = array<i32>} : memref<10x3x16xf32, #tpu.memory_space<vmem>>, vector<1x1x16xf32>,
      %swap3A_1120 = vector.shape_cast %swap3A_1119 : vector<1x1x16xf32> to vector<16xf32>
      %swap3A_1121 = vector.shape_cast %scan3A_1032#10 : vector<16xf32> to vector<1x1x16xf32>
      tpu.vector_store %arg7[%swap3A_1116, %swap3A_1117, %swap3A_1118], %swap3A_1121 {strides = array<i32>} : memref<10x3x16xf32, #tpu.memory_space<vmem>>, vector<1x1x16xf32>,
      %swap3A_1122 = arith.constant 9 : i32
      %swap3A_1123 = arith.constant 2 : i32
      %swap3A_1124 = arith.index_cast %swap3A_1122 : i32 to index
      %swap3A_1125 = arith.index_cast %swap3A_1123 : i32 to index
      %swap3A_1126 = arith.constant 0 : index
      %swap3A_1127 = tpu.vector_load %arg7[%swap3A_1124, %swap3A_1125, %swap3A_1126] {strides = array<i32>} : memref<10x3x16xf32, #tpu.memory_space<vmem>>, vector<1x1x16xf32>,
      %swap3A_1128 = vector.shape_cast %swap3A_1127 : vector<1x1x16xf32> to vector<16xf32>
      %swap3A_1129 = vector.shape_cast %scan3A_1032#11 : vector<16xf32> to vector<1x1x16xf32>
      tpu.vector_store %arg7[%swap3A_1124, %swap3A_1125, %swap3A_1126], %swap3A_1129 {strides = array<i32>} : memref<10x3x16xf32, #tpu.memory_space<vmem>>, vector<1x1x16xf32>,
    } else {
    }
    "tpu.region"() ({
      %run_scoped3A = tpu.sem_alloc : memref<!tpu.dma_semaphore, #tpu.memory_space<semaphore_mem>>
      %dma_start3A = arith.constant 0 : i32
      %dma_start3A_601 = arith.constant 0 : i32
      %dma_start3A_602 = arith.constant 0 : i32
      %dma_start3A_603 = tpu.memref_slice %arg3[%add3A, %dma_start3A, %dma_start3A_601, %dma_start3A_602] : memref<32x10x3x16xf32, #tpu.memory_space<hbm>> -> memref<1x10x3x16xf32, #tpu.memory_space<hbm>>
      %dma_start3A_604 = tpu.memref_squeeze %dma_start3A_603 : memref<1x10x3x16xf32, #tpu.memory_space<hbm>> -> memref<10x3x16xf32, #tpu.memory_space<hbm>>
      %dma_start3A_605 = arith.constant 0 : i32
      %dma_start3A_606 = arith.constant 0 : i32
      %dma_start3A_607 = arith.constant 0 : i32
      %dma_start3A_608 = tpu.memref_slice %arg3[%add3A, %dma_start3A_605, %dma_start3A_606, %dma_start3A_607] : memref<32x10x3x16xf32, #tpu.memory_space<hbm>> -> memref<1x10x3x16xf32, #tpu.memory_space<hbm>>
      %dma_start3A_609 = tpu.memref_squeeze %dma_start3A_608 : memref<1x10x3x16xf32, #tpu.memory_space<hbm>> -> memref<10x3x16xf32, #tpu.memory_space<hbm>>
      tpu.enqueue_dma source(%arg6 : memref<10x3x16xf32, #tpu.memory_space<vmem>>) target(%dma_start3A_609 : memref<10x3x16xf32, #tpu.memory_space<hbm>>) target_semaphore(%run_scoped3A : memref<!tpu.dma_semaphore, #tpu.memory_space<semaphore_mem>>)
      %dma_wait3A = arith.constant 0 : i32
      %dma_wait3A_610 = arith.constant 0 : i32
      %dma_wait3A_611 = arith.constant 0 : i32
      %dma_wait3A_612 = tpu.memref_slice %arg3[%add3A, %dma_wait3A, %dma_wait3A_610, %dma_wait3A_611] : memref<32x10x3x16xf32, #tpu.memory_space<hbm>> -> memref<1x10x3x16xf32, #tpu.memory_space<hbm>>
      %dma_wait3A_613 = tpu.memref_squeeze %dma_wait3A_612 : memref<1x10x3x16xf32, #tpu.memory_space<hbm>> -> memref<10x3x16xf32, #tpu.memory_space<hbm>>
      %dma_wait3A_614 = arith.constant 0 : i32
      %dma_wait3A_615 = arith.constant 0 : i32
      %dma_wait3A_616 = arith.constant 0 : i32
      %dma_wait3A_617 = tpu.memref_slice %arg3[%add3A, %dma_wait3A_614, %dma_wait3A_615, %dma_wait3A_616] : memref<32x10x3x16xf32, #tpu.memory_space<hbm>> -> memref<1x10x3x16xf32, #tpu.memory_space<hbm>>
      %dma_wait3A_618 = tpu.memref_squeeze %dma_wait3A_617 : memref<1x10x3x16xf32, #tpu.memory_space<hbm>> -> memref<10x3x16xf32, #tpu.memory_space<hbm>>
      tpu.wait_dma2 semaphore(%run_scoped3A : memref<!tpu.dma_semaphore, #tpu.memory_space<semaphore_mem>>) src(%arg6 : memref<10x3x16xf32, #tpu.memory_space<vmem>>) dst(%dma_wait3A_618 : memref<10x3x16xf32, #tpu.memory_space<hbm>>)
      tpu.yield
    }) : () -> ()
    "tpu.region"() ({
      %run_scoped3A = tpu.sem_alloc : memref<!tpu.dma_semaphore, #tpu.memory_space<semaphore_mem>>
      %dma_start3A = arith.constant 0 : i32
      %dma_start3A_601 = arith.constant 0 : i32
      %dma_start3A_602 = arith.constant 0 : i32
      %dma_start3A_603 = tpu.memref_slice %arg4[%add3A, %dma_start3A, %dma_start3A_601, %dma_start3A_602] : memref<32x10x3x16xf32, #tpu.memory_space<hbm>> -> memref<1x10x3x16xf32, #tpu.memory_space<hbm>>
      %dma_start3A_604 = tpu.memref_squeeze %dma_start3A_603 : memref<1x10x3x16xf32, #tpu.memory_space<hbm>> -> memref<10x3x16xf32, #tpu.memory_space<hbm>>
      %dma_start3A_605 = arith.constant 0 : i32
      %dma_start3A_606 = arith.constant 0 : i32
      %dma_start3A_607 = arith.constant 0 : i32
      %dma_start3A_608 = tpu.memref_slice %arg4[%add3A, %dma_start3A_605, %dma_start3A_606, %dma_start3A_607] : memref<32x10x3x16xf32, #tpu.memory_space<hbm>> -> memref<1x10x3x16xf32, #tpu.memory_space<hbm>>
      %dma_start3A_609 = tpu.memref_squeeze %dma_start3A_608 : memref<1x10x3x16xf32, #tpu.memory_space<hbm>> -> memref<10x3x16xf32, #tpu.memory_space<hbm>>
      tpu.enqueue_dma source(%arg7 : memref<10x3x16xf32, #tpu.memory_space<vmem>>) target(%dma_start3A_609 : memref<10x3x16xf32, #tpu.memory_space<hbm>>) target_semaphore(%run_scoped3A : memref<!tpu.dma_semaphore, #tpu.memory_space<semaphore_mem>>)
      %dma_wait3A = arith.constant 0 : i32
      %dma_wait3A_610 = arith.constant 0 : i32
      %dma_wait3A_611 = arith.constant 0 : i32
      %dma_wait3A_612 = tpu.memref_slice %arg4[%add3A, %dma_wait3A, %dma_wait3A_610, %dma_wait3A_611] : memref<32x10x3x16xf32, #tpu.memory_space<hbm>> -> memref<1x10x3x16xf32, #tpu.memory_space<hbm>>
      %dma_wait3A_613 = tpu.memref_squeeze %dma_wait3A_612 : memref<1x10x3x16xf32, #tpu.memory_space<hbm>> -> memref<10x3x16xf32, #tpu.memory_space<hbm>>
      %dma_wait3A_614 = arith.constant 0 : i32
      %dma_wait3A_615 = arith.constant 0 : i32
      %dma_wait3A_616 = arith.constant 0 : i32
      %dma_wait3A_617 = tpu.memref_slice %arg4[%add3A, %dma_wait3A_614, %dma_wait3A_615, %dma_wait3A_616] : memref<32x10x3x16xf32, #tpu.memory_space<hbm>> -> memref<1x10x3x16xf32, #tpu.memory_space<hbm>>
      %dma_wait3A_618 = tpu.memref_squeeze %dma_wait3A_617 : memref<1x10x3x16xf32, #tpu.memory_space<hbm>> -> memref<10x3x16xf32, #tpu.memory_space<hbm>>
      tpu.wait_dma2 semaphore(%run_scoped3A : memref<!tpu.dma_semaphore, #tpu.memory_space<semaphore_mem>>) src(%arg7 : memref<10x3x16xf32, #tpu.memory_space<vmem>>) dst(%dma_wait3A_618 : memref<10x3x16xf32, #tpu.memory_space<hbm>>)
      tpu.yield
    }) : () -> ()
    return
  }
}

module attributes {stable_mosaic.version = 14 : i64} {
  func.func @_stage1_body(%arg0: i32, %arg1: memref<1x3x4000xf32, #tpu.memory_space<vmem>>, %arg2: memref<1x10x4000xf32, #tpu.memory_space<vmem>>, %arg3: memref<128x3xf32, #tpu.memory_space<vmem>>, %arg4: memref<128xf32, #tpu.memory_space<vmem>>, %arg5: memref<128x128xf32, #tpu.memory_space<vmem>>, %arg6: memref<128xf32, #tpu.memory_space<vmem>>, %arg7: memref<4x128xf32, #tpu.memory_space<vmem>>, %arg8: memref<4xf32, #tpu.memory_space<vmem>>, %arg9: memref<1x10x4000xf32, #tpu.memory_space<vmem>>, %arg10: memref<1x8x4000xf32, #tpu.memory_space<vmem>>) attributes {dimension_semantics = [#tpu.dimension_semantics<arbitrary>], iteration_bounds = array<i64: 25>, scalar_prefetch = 0 : i64, scratch_operands = 0 : i64, tpu.core_type = #tpu.core_type<tc>, window_params = [{transform_indices = @transform_0, window_bounds = array<i64: 1, 3, 4000>}, {transform_indices = @transform_1, window_bounds = array<i64: 1, 10, 4000>}, {pipeline_mode = #tpu.pipeline_mode<synchronous>, transform_indices = @transform_2, window_bounds = array<i64: 128, 3>}, {pipeline_mode = #tpu.pipeline_mode<synchronous>, transform_indices = @transform_3, window_bounds = array<i64: 128>}, {pipeline_mode = #tpu.pipeline_mode<synchronous>, transform_indices = @transform_4, window_bounds = array<i64: 128, 128>}, {pipeline_mode = #tpu.pipeline_mode<synchronous>, transform_indices = @transform_5, window_bounds = array<i64: 128>}, {pipeline_mode = #tpu.pipeline_mode<synchronous>, transform_indices = @transform_6, window_bounds = array<i64: 4, 128>}, {pipeline_mode = #tpu.pipeline_mode<synchronous>, transform_indices = @transform_7, window_bounds = array<i64: 4>}, {transform_indices = @transform_8, window_bounds = array<i64: 1, 10, 4000>}, {transform_indices = @transform_9, window_bounds = array<i64: 1, 8, 4000>}]} {
    %get3A = arith.constant 0 : index
    %get3A_0 = arith.constant 0 : index
    %get3A_1 = arith.constant 0 : index
    %get3A_2 = vector.load %arg1[%get3A, %get3A_0, %get3A_1] : memref<1x3x4000xf32, #tpu.memory_space<vmem>>, vector<1x3x4000xf32>
    %get3A_3 = vector.shape_cast %get3A_2 : vector<1x3x4000xf32> to vector<3x4000xf32>
    %get3A_4 = arith.constant 0 : index
    %get3A_5 = arith.constant 0 : index
    %get3A_6 = arith.constant 0 : index
    %get3A_7 = vector.load %arg2[%get3A_4, %get3A_5, %get3A_6] : memref<1x10x4000xf32, #tpu.memory_space<vmem>>, vector<1x10x4000xf32>
    %get3A_8 = vector.shape_cast %get3A_7 : vector<1x10x4000xf32> to vector<10x4000xf32>
    %get3A_9 = arith.constant 0 : index
    %get3A_10 = arith.constant 0 : index
    %get3A_11 = vector.load %arg3[%get3A_9, %get3A_10] : memref<128x3xf32, #tpu.memory_space<vmem>>, vector<128x3xf32>
    %dot_general3A = arith.constant dense<0.000000e+00> : vector<128x4000xf32>
    %dot_general3A_12 = tpu.matmul %get3A_11, %get3A_3, %dot_general3A {dimension_numbers = #tpu.dot_dimension_numbers<[1], [0], [0], [1], [0, 0, 1, 1], [], []>, transpose_lhs_hint = false} : vector<128x3xf32>, vector<3x4000xf32>, vector<128x4000xf32> -> vector<128x4000xf32>
    %get3A_13 = arith.constant 0 : index
    %get3A_14 = vector.load %arg4[%get3A_13] : memref<128xf32, #tpu.memory_space<vmem>>, vector<128xf32>
    %broadcast_in_dim3A = vector.shape_cast %get3A_14 : vector<128xf32> to vector<128x1xf32>
    %add3A = vector.broadcast %broadcast_in_dim3A : vector<128x1xf32> to vector<128x4000xf32>
    %add3A_15 = arith.addf %dot_general3A_12, %add3A : vector<128x4000xf32>
    %max3A = arith.constant 0.000000e+00 : f32
    %max3A_16 = vector.broadcast %max3A : f32 to vector<128x4000xf32>
    %max3A_17 = arith.maximumf %add3A_15, %max3A_16 : vector<128x4000xf32>
    %get3A_18 = arith.constant 0 : index
    %get3A_19 = arith.constant 0 : index
    %get3A_20 = vector.load %arg5[%get3A_18, %get3A_19] : memref<128x128xf32, #tpu.memory_space<vmem>>, vector<128x128xf32>
    %convert_element_type3A = arith.truncf %get3A_20 : vector<128x128xf32> to vector<128x128xbf16>
    %convert_element_type3A_21 = arith.truncf %max3A_17 : vector<128x4000xf32> to vector<128x4000xbf16>
    %dot_general3A_22 = arith.constant dense<0.000000e+00> : vector<128x4000xf32>
    %dot_general3A_23 = tpu.matmul %convert_element_type3A, %convert_element_type3A_21, %dot_general3A_22 {dimension_numbers = #tpu.dot_dimension_numbers<[1], [0], [0], [1], [0, 0, 1, 1], [], []>, transpose_lhs_hint = false} : vector<128x128xbf16>, vector<128x4000xbf16>, vector<128x4000xf32> -> vector<128x4000xf32>
    %get3A_24 = arith.constant 0 : index
    %get3A_25 = vector.load %arg6[%get3A_24] : memref<128xf32, #tpu.memory_space<vmem>>, vector<128xf32>
    %broadcast_in_dim3A_26 = vector.shape_cast %get3A_25 : vector<128xf32> to vector<128x1xf32>
    %add3A_27 = vector.broadcast %broadcast_in_dim3A_26 : vector<128x1xf32> to vector<128x4000xf32>
    %add3A_28 = arith.addf %dot_general3A_23, %add3A_27 : vector<128x4000xf32>
    %max3A_29 = arith.constant 0.000000e+00 : f32
    %max3A_30 = vector.broadcast %max3A_29 : f32 to vector<128x4000xf32>
    %max3A_31 = arith.maximumf %add3A_28, %max3A_30 : vector<128x4000xf32>
    %get3A_32 = arith.constant 0 : index
    %get3A_33 = arith.constant 0 : index
    %get3A_34 = vector.load %arg7[%get3A_32, %get3A_33] : memref<4x128xf32, #tpu.memory_space<vmem>>, vector<4x128xf32>
    %dot_general3A_35 = arith.constant dense<0.000000e+00> : vector<4x4000xf32>
    %dot_general3A_36 = tpu.matmul %get3A_34, %max3A_31, %dot_general3A_35 {dimension_numbers = #tpu.dot_dimension_numbers<[1], [0], [0], [1], [0, 0, 1, 1], [], []>, transpose_lhs_hint = false} : vector<4x128xf32>, vector<128x4000xf32>, vector<4x4000xf32> -> vector<4x4000xf32>
    %get3A_37 = arith.constant 0 : index
    %get3A_38 = vector.load %arg8[%get3A_37] : memref<4xf32, #tpu.memory_space<vmem>>, vector<4xf32>
    %broadcast_in_dim3A_39 = vector.shape_cast %get3A_38 : vector<4xf32> to vector<4x1xf32>
    %add3A_40 = vector.broadcast %broadcast_in_dim3A_39 : vector<4x1xf32> to vector<4x4000xf32>
    %add3A_41 = arith.addf %dot_general3A_36, %add3A_40 : vector<4x4000xf32>
    %reduce_max3A = arith.constant dense<0xFF800000> : vector<4000xf32>
    %reduce_max3A_42 = vector.multi_reduction <maximumf>, %get3A_8, %reduce_max3A [0] : vector<10x4000xf32> to vector<4000xf32>
    %broadcast_in_dim3A_43 = vector.shape_cast %reduce_max3A_42 : vector<4000xf32> to vector<1x4000xf32>
    %sub3A = vector.broadcast %broadcast_in_dim3A_43 : vector<1x4000xf32> to vector<10x4000xf32>
    %sub3A_44 = arith.subf %get3A_8, %sub3A : vector<10x4000xf32>
    %exp3A = math.exp %sub3A_44 : vector<10x4000xf32>
    %reduce_sum3A = arith.constant dense<0.000000e+00> : vector<4000xf32>
    %reduce_sum3A_45 = vector.multi_reduction <add>, %exp3A, %reduce_sum3A [0] : vector<10x4000xf32> to vector<4000xf32>
    %broadcast_in_dim3A_46 = vector.shape_cast %reduce_sum3A_45 : vector<4000xf32> to vector<1x4000xf32>
    %log3A = math.log %broadcast_in_dim3A_46 : vector<1x4000xf32>
    %sub3A_47 = vector.broadcast %log3A : vector<1x4000xf32> to vector<10x4000xf32>
    %sub3A_48 = arith.subf %sub3A_44, %sub3A_47 : vector<10x4000xf32>
    %exp3A_49 = math.exp %sub3A_48 : vector<10x4000xf32>
    %swap3A = arith.constant 0 : index
    %swap3A_50 = arith.constant 0 : index
    %swap3A_51 = arith.constant 0 : index
    %swap3A_52 = vector.load %arg9[%swap3A, %swap3A_50, %swap3A_51] : memref<1x10x4000xf32, #tpu.memory_space<vmem>>, vector<1x10x4000xf32>
    %swap3A_53 = vector.shape_cast %swap3A_52 : vector<1x10x4000xf32> to vector<10x4000xf32>
    %swap3A_54 = vector.shape_cast %exp3A_49 : vector<10x4000xf32> to vector<1x10x4000xf32>
    tpu.vector_store %arg9[%swap3A, %swap3A_50, %swap3A_51], %swap3A_54 {strides = array<i32>} : memref<1x10x4000xf32, #tpu.memory_space<vmem>>, vector<1x10x4000xf32>,
    %iota3A = tpu.iota {dimensions = array<i32: 0>} : vector<10x4000xi32>
    %eq3A = vector.broadcast %broadcast_in_dim3A_43 : vector<1x4000xf32> to vector<10x4000xf32>
    %eq3A_55 = arith.cmpf oeq, %get3A_8, %eq3A : vector<10x4000xf32>
    %jit3A = arith.constant 1073741824 : i32
    %broadcast_in_dim3A_56 = vector.broadcast %jit3A : i32 to vector<10x4000xi32>
    %select_n3A = arith.select %eq3A_55, %iota3A, %broadcast_in_dim3A_56 : vector<10x4000xi1>, vector<10x4000xi32>
    %reduce_min3A = arith.constant dense<2147483647> : vector<4000xi32>
    %reduce_min3A_57 = vector.multi_reduction <minsi>, %select_n3A, %reduce_min3A [0] : vector<10x4000xi32> to vector<4000xi32>
    %broadcast_in_dim3A_58 = vector.shape_cast %reduce_min3A_57 : vector<4000xi32> to vector<1x4000xi32>
    %convert_element_type3A_59 = arith.sitofp %broadcast_in_dim3A_58 : vector<1x4000xi32> to vector<1x4000xf32>
    %concatenate3A = tpu.concatenate %add3A_41, %get3A_3, %convert_element_type3A_59 in 0 : vector<4x4000xf32>, vector<3x4000xf32>, vector<1x4000xf32> -> vector<8x4000xf32>
    %swap3A_60 = arith.constant 0 : index
    %swap3A_61 = arith.constant 0 : index
    %swap3A_62 = arith.constant 0 : index
    %swap3A_63 = vector.load %arg10[%swap3A_60, %swap3A_61, %swap3A_62] : memref<1x8x4000xf32, #tpu.memory_space<vmem>>, vector<1x8x4000xf32>
    %swap3A_64 = vector.shape_cast %swap3A_63 : vector<1x8x4000xf32> to vector<8x4000xf32>
    %swap3A_65 = vector.shape_cast %concatenate3A : vector<8x4000xf32> to vector<1x8x4000xf32>
    tpu.vector_store %arg10[%swap3A_60, %swap3A_61, %swap3A_62], %swap3A_65 {strides = array<i32>} : memref<1x8x4000xf32, #tpu.memory_space<vmem>>, vector<1x8x4000xf32>,
    return
  }
  func.func @transform_0(%arg0: i32) -> (i32, i32, i32) {
    %c0_i32 = arith.constant 0 : i32
    %c0_i32_0 = arith.constant 0 : i32
    %c0_i32_1 = arith.constant 0 : i32
    return %arg0, %c0_i32, %c0_i32_0 : i32, i32, i32
  }
  func.func @transform_1(%arg0: i32) -> (i32, i32, i32) {
    %c0_i32 = arith.constant 0 : i32
    %c0_i32_0 = arith.constant 0 : i32
    %c0_i32_1 = arith.constant 0 : i32
    return %arg0, %c0_i32, %c0_i32_0 : i32, i32, i32
  }
  func.func @transform_2(%arg0: i32) -> (i32, i32) {
    %c0_i32 = arith.constant 0 : i32
    %c0_i32_0 = arith.constant 0 : i32
    %c0_i32_1 = arith.constant 0 : i32
    return %c0_i32, %c0_i32_0 : i32, i32
  }
  func.func @transform_3(%arg0: i32) -> i32 {
    %c0_i32 = arith.constant 0 : i32
    %c0_i32_0 = arith.constant 0 : i32
    return %c0_i32 : i32
  }
  func.func @transform_4(%arg0: i32) -> (i32, i32) {
    %c0_i32 = arith.constant 0 : i32
    %c0_i32_0 = arith.constant 0 : i32
    %c0_i32_1 = arith.constant 0 : i32
    return %c0_i32, %c0_i32_0 : i32, i32
  }
  func.func @transform_5(%arg0: i32) -> i32 {
    %c0_i32 = arith.constant 0 : i32
    %c0_i32_0 = arith.constant 0 : i32
    return %c0_i32 : i32
  }
  func.func @transform_6(%arg0: i32) -> (i32, i32) {
    %c0_i32 = arith.constant 0 : i32
    %c0_i32_0 = arith.constant 0 : i32
    %c0_i32_1 = arith.constant 0 : i32
    return %c0_i32, %c0_i32_0 : i32, i32
  }
  func.func @transform_7(%arg0: i32) -> i32 {
    %c0_i32 = arith.constant 0 : i32
    %c0_i32_0 = arith.constant 0 : i32
    return %c0_i32 : i32
  }
  func.func @transform_8(%arg0: i32) -> (i32, i32, i32) {
    %c0_i32 = arith.constant 0 : i32
    %c0_i32_0 = arith.constant 0 : i32
    %c0_i32_1 = arith.constant 0 : i32
    return %arg0, %c0_i32, %c0_i32_0 : i32, i32, i32
  }
  func.func @transform_9(%arg0: i32) -> (i32, i32, i32) {
    %c0_i32 = arith.constant 0 : i32
    %c0_i32_0 = arith.constant 0 : i32
    %c0_i32_1 = arith.constant 0 : i32
    return %arg0, %c0_i32, %c0_i32_0 : i32, i32, i32
  }
}

module attributes {stable_mosaic.version = 14 : i64} {
  func.func @_stage2_body(%arg0: i32, %arg1: memref<1x8x4000xf32, #tpu.memory_space<vmem>>, %arg2: memref<32x10x3x16xf32, #tpu.memory_space<vmem>>, %arg3: memref<32x10x3x16xf32, #tpu.memory_space<vmem>>, %arg4: memref<1x3x4000xf32, #tpu.memory_space<vmem>>, %arg5: memref<1x3x4000xf32, #tpu.memory_space<vmem>>, %arg6: memref<1x1x4000xf32, #tpu.memory_space<vmem>>, %arg7: memref<10x3xf32, #tpu.memory_space<vmem>>, %arg8: memref<10x3xf32, #tpu.memory_space<vmem>>) attributes {dimension_semantics = [#tpu.dimension_semantics<arbitrary>], iteration_bounds = array<i64: 25>, scalar_prefetch = 0 : i64, scratch_operands = 2 : i64, tpu.core_type = #tpu.core_type<tc>, window_params = [{transform_indices = @transform_0, window_bounds = array<i64: 1, 8, 4000>}, {pipeline_mode = #tpu.pipeline_mode<synchronous>, transform_indices = @transform_1, window_bounds = array<i64: 32, 10, 3, 16>}, {pipeline_mode = #tpu.pipeline_mode<synchronous>, transform_indices = @transform_2, window_bounds = array<i64: 32, 10, 3, 16>}, {transform_indices = @transform_3, window_bounds = array<i64: 1, 3, 4000>}, {transform_indices = @transform_4, window_bounds = array<i64: 1, 3, 4000>}, {transform_indices = @transform_5, window_bounds = array<i64: 1, 1, 4000>}]} {
    %get3A = arith.constant 0 : index
    %get3A_0 = arith.constant 0 : index
    %get3A_1 = arith.constant 0 : index
    %get3A_2 = vector.load %arg1[%get3A, %get3A_0, %get3A_1] : memref<1x8x4000xf32, #tpu.memory_space<vmem>>, vector<1x8x4000xf32>
    %get3A_3 = vector.shape_cast %get3A_2 : vector<1x8x4000xf32> to vector<8x4000xf32>
    %slice3A = vector.extract_strided_slice %get3A_3 {offsets = [3, 0], sizes = [1, 4000], strides = [1, 1]} : vector<8x4000xf32> to vector<1x4000xf32>
    %slice3A_4 = vector.extract_strided_slice %get3A_3 {offsets = [4, 0], sizes = [1, 4000], strides = [1, 1]} : vector<8x4000xf32> to vector<1x4000xf32>
    %slice3A_5 = vector.extract_strided_slice %get3A_3 {offsets = [5, 0], sizes = [1, 4000], strides = [1, 1]} : vector<8x4000xf32> to vector<1x4000xf32>
    %slice3A_6 = vector.extract_strided_slice %get3A_3 {offsets = [6, 0], sizes = [1, 4000], strides = [1, 1]} : vector<8x4000xf32> to vector<1x4000xf32>
    %slice3A_7 = vector.extract_strided_slice %get3A_3 {offsets = [7, 0], sizes = [1, 4000], strides = [1, 1]} : vector<8x4000xf32> to vector<1x4000xf32>
    %eq3A = arith.constant 0 : i32
    %eq3A_8 = arith.cmpi eq, %arg0, %eq3A : i32
    %convert_element_type3A = arith.extui %eq3A_8 : i1 to i32
    %cond3A = arith.constant 0 : i32
    %cond3A_9 = arith.cmpi ne, %convert_element_type3A, %cond3A : i32
    scf.if %cond3A_9 {
      %get3A_588 = arith.constant 0 : index
      %get3A_589 = arith.constant 0 : index
      %get3A_590 = arith.constant 0 : index
      %get3A_591 = arith.constant 0 : index
      %get3A_592 = vector.load %arg2[%get3A_588, %get3A_589, %get3A_590, %get3A_591] : memref<32x10x3x16xf32, #tpu.memory_space<vmem>>, vector<1x10x3x16xf32>
      %get3A_593 = vector.shape_cast %get3A_592 : vector<1x10x3x16xf32> to vector<10x3x16xf32>
      %get3A_594 = arith.constant 0 : index
      %get3A_595 = arith.constant 0 : index
      %get3A_596 = arith.constant 0 : index
      %get3A_597 = arith.constant 0 : index
      %get3A_598 = vector.load %arg3[%get3A_594, %get3A_595, %get3A_596, %get3A_597] : memref<32x10x3x16xf32, #tpu.memory_space<vmem>>, vector<1x10x3x16xf32>
      %get3A_599 = vector.shape_cast %get3A_598 : vector<1x10x3x16xf32> to vector<10x3x16xf32>
      %get3A_600 = arith.constant 1 : index
      %get3A_601 = arith.constant 0 : index
      %get3A_602 = arith.constant 0 : index
      %get3A_603 = arith.constant 0 : index
      %get3A_604 = vector.load %arg2[%get3A_600, %get3A_601, %get3A_602, %get3A_603] : memref<32x10x3x16xf32, #tpu.memory_space<vmem>>, vector<1x10x3x16xf32>
      %get3A_605 = vector.shape_cast %get3A_604 : vector<1x10x3x16xf32> to vector<10x3x16xf32>
      %max3A = arith.maximumf %get3A_593, %get3A_605 : vector<10x3x16xf32>
      %get3A_606 = arith.constant 1 : index
      %get3A_607 = arith.constant 0 : index
      %get3A_608 = arith.constant 0 : index
      %get3A_609 = arith.constant 0 : index
      %get3A_610 = vector.load %arg3[%get3A_606, %get3A_607, %get3A_608, %get3A_609] : memref<32x10x3x16xf32, #tpu.memory_space<vmem>>, vector<1x10x3x16xf32>
      %get3A_611 = vector.shape_cast %get3A_610 : vector<1x10x3x16xf32> to vector<10x3x16xf32>
      %min3A = arith.minimumf %get3A_599, %get3A_611 : vector<10x3x16xf32>
      %get3A_612 = arith.constant 2 : index
      %get3A_613 = arith.constant 0 : index
      %get3A_614 = arith.constant 0 : index
      %get3A_615 = arith.constant 0 : index
      %get3A_616 = vector.load %arg2[%get3A_612, %get3A_613, %get3A_614, %get3A_615] : memref<32x10x3x16xf32, #tpu.memory_space<vmem>>, vector<1x10x3x16xf32>
      %get3A_617 = vector.shape_cast %get3A_616 : vector<1x10x3x16xf32> to vector<10x3x16xf32>
      %max3A_618 = arith.maximumf %max3A, %get3A_617 : vector<10x3x16xf32>
      %get3A_619 = arith.constant 2 : index
      %get3A_620 = arith.constant 0 : index
      %get3A_621 = arith.constant 0 : index
      %get3A_622 = arith.constant 0 : index
      %get3A_623 = vector.load %arg3[%get3A_619, %get3A_620, %get3A_621, %get3A_622] : memref<32x10x3x16xf32, #tpu.memory_space<vmem>>, vector<1x10x3x16xf32>
      %get3A_624 = vector.shape_cast %get3A_623 : vector<1x10x3x16xf32> to vector<10x3x16xf32>
      %min3A_625 = arith.minimumf %min3A, %get3A_624 : vector<10x3x16xf32>
      %get3A_626 = arith.constant 3 : index
      %get3A_627 = arith.constant 0 : index
      %get3A_628 = arith.constant 0 : index
      %get3A_629 = arith.constant 0 : index
      %get3A_630 = vector.load %arg2[%get3A_626, %get3A_627, %get3A_628, %get3A_629] : memref<32x10x3x16xf32, #tpu.memory_space<vmem>>, vector<1x10x3x16xf32>
      %get3A_631 = vector.shape_cast %get3A_630 : vector<1x10x3x16xf32> to vector<10x3x16xf32>
      %max3A_632 = arith.maximumf %max3A_618, %get3A_631 : vector<10x3x16xf32>
      %get3A_633 = arith.constant 3 : index
      %get3A_634 = arith.constant 0 : index
      %get3A_635 = arith.constant 0 : index
      %get3A_636 = arith.constant 0 : index
      %get3A_637 = vector.load %arg3[%get3A_633, %get3A_634, %get3A_635, %get3A_636] : memref<32x10x3x16xf32, #tpu.memory_space<vmem>>, vector<1x10x3x16xf32>
      %get3A_638 = vector.shape_cast %get3A_637 : vector<1x10x3x16xf32> to vector<10x3x16xf32>
      %min3A_639 = arith.minimumf %min3A_625, %get3A_638 : vector<10x3x16xf32>
      %get3A_640 = arith.constant 4 : index
      %get3A_641 = arith.constant 0 : index
      %get3A_642 = arith.constant 0 : index
      %get3A_643 = arith.constant 0 : index
      %get3A_644 = vector.load %arg2[%get3A_640, %get3A_641, %get3A_642, %get3A_643] : memref<32x10x3x16xf32, #tpu.memory_space<vmem>>, vector<1x10x3x16xf32>
      %get3A_645 = vector.shape_cast %get3A_644 : vector<1x10x3x16xf32> to vector<10x3x16xf32>
      %max3A_646 = arith.maximumf %max3A_632, %get3A_645 : vector<10x3x16xf32>
      %get3A_647 = arith.constant 4 : index
      %get3A_648 = arith.constant 0 : index
      %get3A_649 = arith.constant 0 : index
      %get3A_650 = arith.constant 0 : index
      %get3A_651 = vector.load %arg3[%get3A_647, %get3A_648, %get3A_649, %get3A_650] : memref<32x10x3x16xf32, #tpu.memory_space<vmem>>, vector<1x10x3x16xf32>
      %get3A_652 = vector.shape_cast %get3A_651 : vector<1x10x3x16xf32> to vector<10x3x16xf32>
      %min3A_653 = arith.minimumf %min3A_639, %get3A_652 : vector<10x3x16xf32>
      %get3A_654 = arith.constant 5 : index
      %get3A_655 = arith.constant 0 : index
      %get3A_656 = arith.constant 0 : index
      %get3A_657 = arith.constant 0 : index
      %get3A_658 = vector.load %arg2[%get3A_654, %get3A_655, %get3A_656, %get3A_657] : memref<32x10x3x16xf32, #tpu.memory_space<vmem>>, vector<1x10x3x16xf32>
      %get3A_659 = vector.shape_cast %get3A_658 : vector<1x10x3x16xf32> to vector<10x3x16xf32>
      %max3A_660 = arith.maximumf %max3A_646, %get3A_659 : vector<10x3x16xf32>
      %get3A_661 = arith.constant 5 : index
      %get3A_662 = arith.constant 0 : index
      %get3A_663 = arith.constant 0 : index
      %get3A_664 = arith.constant 0 : index
      %get3A_665 = vector.load %arg3[%get3A_661, %get3A_662, %get3A_663, %get3A_664] : memref<32x10x3x16xf32, #tpu.memory_space<vmem>>, vector<1x10x3x16xf32>
      %get3A_666 = vector.shape_cast %get3A_665 : vector<1x10x3x16xf32> to vector<10x3x16xf32>
      %min3A_667 = arith.minimumf %min3A_653, %get3A_666 : vector<10x3x16xf32>
      %get3A_668 = arith.constant 6 : index
      %get3A_669 = arith.constant 0 : index
      %get3A_670 = arith.constant 0 : index
      %get3A_671 = arith.constant 0 : index
      %get3A_672 = vector.load %arg2[%get3A_668, %get3A_669, %get3A_670, %get3A_671] : memref<32x10x3x16xf32, #tpu.memory_space<vmem>>, vector<1x10x3x16xf32>
      %get3A_673 = vector.shape_cast %get3A_672 : vector<1x10x3x16xf32> to vector<10x3x16xf32>
      %max3A_674 = arith.maximumf %max3A_660, %get3A_673 : vector<10x3x16xf32>
      %get3A_675 = arith.constant 6 : index
      %get3A_676 = arith.constant 0 : index
      %get3A_677 = arith.constant 0 : index
      %get3A_678 = arith.constant 0 : index
      %get3A_679 = vector.load %arg3[%get3A_675, %get3A_676, %get3A_677, %get3A_678] : memref<32x10x3x16xf32, #tpu.memory_space<vmem>>, vector<1x10x3x16xf32>
      %get3A_680 = vector.shape_cast %get3A_679 : vector<1x10x3x16xf32> to vector<10x3x16xf32>
      %min3A_681 = arith.minimumf %min3A_667, %get3A_680 : vector<10x3x16xf32>
      %get3A_682 = arith.constant 7 : index
      %get3A_683 = arith.constant 0 : index
      %get3A_684 = arith.constant 0 : index
      %get3A_685 = arith.constant 0 : index
      %get3A_686 = vector.load %arg2[%get3A_682, %get3A_683, %get3A_684, %get3A_685] : memref<32x10x3x16xf32, #tpu.memory_space<vmem>>, vector<1x10x3x16xf32>
      %get3A_687 = vector.shape_cast %get3A_686 : vector<1x10x3x16xf32> to vector<10x3x16xf32>
      %max3A_688 = arith.maximumf %max3A_674, %get3A_687 : vector<10x3x16xf32>
      %get3A_689 = arith.constant 7 : index
      %get3A_690 = arith.constant 0 : index
      %get3A_691 = arith.constant 0 : index
      %get3A_692 = arith.constant 0 : index
      %get3A_693 = vector.load %arg3[%get3A_689, %get3A_690, %get3A_691, %get3A_692] : memref<32x10x3x16xf32, #tpu.memory_space<vmem>>, vector<1x10x3x16xf32>
      %get3A_694 = vector.shape_cast %get3A_693 : vector<1x10x3x16xf32> to vector<10x3x16xf32>
      %min3A_695 = arith.minimumf %min3A_681, %get3A_694 : vector<10x3x16xf32>
      %get3A_696 = arith.constant 8 : index
      %get3A_697 = arith.constant 0 : index
      %get3A_698 = arith.constant 0 : index
      %get3A_699 = arith.constant 0 : index
      %get3A_700 = vector.load %arg2[%get3A_696, %get3A_697, %get3A_698, %get3A_699] : memref<32x10x3x16xf32, #tpu.memory_space<vmem>>, vector<1x10x3x16xf32>
      %get3A_701 = vector.shape_cast %get3A_700 : vector<1x10x3x16xf32> to vector<10x3x16xf32>
      %max3A_702 = arith.maximumf %max3A_688, %get3A_701 : vector<10x3x16xf32>
      %get3A_703 = arith.constant 8 : index
      %get3A_704 = arith.constant 0 : index
      %get3A_705 = arith.constant 0 : index
      %get3A_706 = arith.constant 0 : index
      %get3A_707 = vector.load %arg3[%get3A_703, %get3A_704, %get3A_705, %get3A_706] : memref<32x10x3x16xf32, #tpu.memory_space<vmem>>, vector<1x10x3x16xf32>
      %get3A_708 = vector.shape_cast %get3A_707 : vector<1x10x3x16xf32> to vector<10x3x16xf32>
      %min3A_709 = arith.minimumf %min3A_695, %get3A_708 : vector<10x3x16xf32>
      %get3A_710 = arith.constant 9 : index
      %get3A_711 = arith.constant 0 : index
      %get3A_712 = arith.constant 0 : index
      %get3A_713 = arith.constant 0 : index
      %get3A_714 = vector.load %arg2[%get3A_710, %get3A_711, %get3A_712, %get3A_713] : memref<32x10x3x16xf32, #tpu.memory_space<vmem>>, vector<1x10x3x16xf32>
      %get3A_715 = vector.shape_cast %get3A_714 : vector<1x10x3x16xf32> to vector<10x3x16xf32>
      %max3A_716 = arith.maximumf %max3A_702, %get3A_715 : vector<10x3x16xf32>
      %get3A_717 = arith.constant 9 : index
      %get3A_718 = arith.constant 0 : index
      %get3A_719 = arith.constant 0 : index
      %get3A_720 = arith.constant 0 : index
      %get3A_721 = vector.load %arg3[%get3A_717, %get3A_718, %get3A_719, %get3A_720] : memref<32x10x3x16xf32, #tpu.memory_space<vmem>>, vector<1x10x3x16xf32>
      %get3A_722 = vector.shape_cast %get3A_721 : vector<1x10x3x16xf32> to vector<10x3x16xf32>
      %min3A_723 = arith.minimumf %min3A_709, %get3A_722 : vector<10x3x16xf32>
      %get3A_724 = arith.constant 10 : index
      %get3A_725 = arith.constant 0 : index
      %get3A_726 = arith.constant 0 : index
      %get3A_727 = arith.constant 0 : index
      %get3A_728 = vector.load %arg2[%get3A_724, %get3A_725, %get3A_726, %get3A_727] : memref<32x10x3x16xf32, #tpu.memory_space<vmem>>, vector<1x10x3x16xf32>
      %get3A_729 = vector.shape_cast %get3A_728 : vector<1x10x3x16xf32> to vector<10x3x16xf32>
      %max3A_730 = arith.maximumf %max3A_716, %get3A_729 : vector<10x3x16xf32>
      %get3A_731 = arith.constant 10 : index
      %get3A_732 = arith.constant 0 : index
      %get3A_733 = arith.constant 0 : index
      %get3A_734 = arith.constant 0 : index
      %get3A_735 = vector.load %arg3[%get3A_731, %get3A_732, %get3A_733, %get3A_734] : memref<32x10x3x16xf32, #tpu.memory_space<vmem>>, vector<1x10x3x16xf32>
      %get3A_736 = vector.shape_cast %get3A_735 : vector<1x10x3x16xf32> to vector<10x3x16xf32>
      %min3A_737 = arith.minimumf %min3A_723, %get3A_736 : vector<10x3x16xf32>
      %get3A_738 = arith.constant 11 : index
      %get3A_739 = arith.constant 0 : index
      %get3A_740 = arith.constant 0 : index
      %get3A_741 = arith.constant 0 : index
      %get3A_742 = vector.load %arg2[%get3A_738, %get3A_739, %get3A_740, %get3A_741] : memref<32x10x3x16xf32, #tpu.memory_space<vmem>>, vector<1x10x3x16xf32>
      %get3A_743 = vector.shape_cast %get3A_742 : vector<1x10x3x16xf32> to vector<10x3x16xf32>
      %max3A_744 = arith.maximumf %max3A_730, %get3A_743 : vector<10x3x16xf32>
      %get3A_745 = arith.constant 11 : index
      %get3A_746 = arith.constant 0 : index
      %get3A_747 = arith.constant 0 : index
      %get3A_748 = arith.constant 0 : index
      %get3A_749 = vector.load %arg3[%get3A_745, %get3A_746, %get3A_747, %get3A_748] : memref<32x10x3x16xf32, #tpu.memory_space<vmem>>, vector<1x10x3x16xf32>
      %get3A_750 = vector.shape_cast %get3A_749 : vector<1x10x3x16xf32> to vector<10x3x16xf32>
      %min3A_751 = arith.minimumf %min3A_737, %get3A_750 : vector<10x3x16xf32>
      %get3A_752 = arith.constant 12 : index
      %get3A_753 = arith.constant 0 : index
      %get3A_754 = arith.constant 0 : index
      %get3A_755 = arith.constant 0 : index
      %get3A_756 = vector.load %arg2[%get3A_752, %get3A_753, %get3A_754, %get3A_755] : memref<32x10x3x16xf32, #tpu.memory_space<vmem>>, vector<1x10x3x16xf32>
      %get3A_757 = vector.shape_cast %get3A_756 : vector<1x10x3x16xf32> to vector<10x3x16xf32>
      %max3A_758 = arith.maximumf %max3A_744, %get3A_757 : vector<10x3x16xf32>
      %get3A_759 = arith.constant 12 : index
      %get3A_760 = arith.constant 0 : index
      %get3A_761 = arith.constant 0 : index
      %get3A_762 = arith.constant 0 : index
      %get3A_763 = vector.load %arg3[%get3A_759, %get3A_760, %get3A_761, %get3A_762] : memref<32x10x3x16xf32, #tpu.memory_space<vmem>>, vector<1x10x3x16xf32>
      %get3A_764 = vector.shape_cast %get3A_763 : vector<1x10x3x16xf32> to vector<10x3x16xf32>
      %min3A_765 = arith.minimumf %min3A_751, %get3A_764 : vector<10x3x16xf32>
      %get3A_766 = arith.constant 13 : index
      %get3A_767 = arith.constant 0 : index
      %get3A_768 = arith.constant 0 : index
      %get3A_769 = arith.constant 0 : index
      %get3A_770 = vector.load %arg2[%get3A_766, %get3A_767, %get3A_768, %get3A_769] : memref<32x10x3x16xf32, #tpu.memory_space<vmem>>, vector<1x10x3x16xf32>
      %get3A_771 = vector.shape_cast %get3A_770 : vector<1x10x3x16xf32> to vector<10x3x16xf32>
      %max3A_772 = arith.maximumf %max3A_758, %get3A_771 : vector<10x3x16xf32>
      %get3A_773 = arith.constant 13 : index
      %get3A_774 = arith.constant 0 : index
      %get3A_775 = arith.constant 0 : index
      %get3A_776 = arith.constant 0 : index
      %get3A_777 = vector.load %arg3[%get3A_773, %get3A_774, %get3A_775, %get3A_776] : memref<32x10x3x16xf32, #tpu.memory_space<vmem>>, vector<1x10x3x16xf32>
      %get3A_778 = vector.shape_cast %get3A_777 : vector<1x10x3x16xf32> to vector<10x3x16xf32>
      %min3A_779 = arith.minimumf %min3A_765, %get3A_778 : vector<10x3x16xf32>
      %get3A_780 = arith.constant 14 : index
      %get3A_781 = arith.constant 0 : index
      %get3A_782 = arith.constant 0 : index
      %get3A_783 = arith.constant 0 : index
      %get3A_784 = vector.load %arg2[%get3A_780, %get3A_781, %get3A_782, %get3A_783] : memref<32x10x3x16xf32, #tpu.memory_space<vmem>>, vector<1x10x3x16xf32>
      %get3A_785 = vector.shape_cast %get3A_784 : vector<1x10x3x16xf32> to vector<10x3x16xf32>
      %max3A_786 = arith.maximumf %max3A_772, %get3A_785 : vector<10x3x16xf32>
      %get3A_787 = arith.constant 14 : index
      %get3A_788 = arith.constant 0 : index
      %get3A_789 = arith.constant 0 : index
      %get3A_790 = arith.constant 0 : index
      %get3A_791 = vector.load %arg3[%get3A_787, %get3A_788, %get3A_789, %get3A_790] : memref<32x10x3x16xf32, #tpu.memory_space<vmem>>, vector<1x10x3x16xf32>
      %get3A_792 = vector.shape_cast %get3A_791 : vector<1x10x3x16xf32> to vector<10x3x16xf32>
      %min3A_793 = arith.minimumf %min3A_779, %get3A_792 : vector<10x3x16xf32>
      %get3A_794 = arith.constant 15 : index
      %get3A_795 = arith.constant 0 : index
      %get3A_796 = arith.constant 0 : index
      %get3A_797 = arith.constant 0 : index
      %get3A_798 = vector.load %arg2[%get3A_794, %get3A_795, %get3A_796, %get3A_797] : memref<32x10x3x16xf32, #tpu.memory_space<vmem>>, vector<1x10x3x16xf32>
      %get3A_799 = vector.shape_cast %get3A_798 : vector<1x10x3x16xf32> to vector<10x3x16xf32>
      %max3A_800 = arith.maximumf %max3A_786, %get3A_799 : vector<10x3x16xf32>
      %get3A_801 = arith.constant 15 : index
      %get3A_802 = arith.constant 0 : index
      %get3A_803 = arith.constant 0 : index
      %get3A_804 = arith.constant 0 : index
      %get3A_805 = vector.load %arg3[%get3A_801, %get3A_802, %get3A_803, %get3A_804] : memref<32x10x3x16xf32, #tpu.memory_space<vmem>>, vector<1x10x3x16xf32>
      %get3A_806 = vector.shape_cast %get3A_805 : vector<1x10x3x16xf32> to vector<10x3x16xf32>
      %min3A_807 = arith.minimumf %min3A_793, %get3A_806 : vector<10x3x16xf32>
      %get3A_808 = arith.constant 16 : index
      %get3A_809 = arith.constant 0 : index
      %get3A_810 = arith.constant 0 : index
      %get3A_811 = arith.constant 0 : index
      %get3A_812 = vector.load %arg2[%get3A_808, %get3A_809, %get3A_810, %get3A_811] : memref<32x10x3x16xf32, #tpu.memory_space<vmem>>, vector<1x10x3x16xf32>
      %get3A_813 = vector.shape_cast %get3A_812 : vector<1x10x3x16xf32> to vector<10x3x16xf32>
      %max3A_814 = arith.maximumf %max3A_800, %get3A_813 : vector<10x3x16xf32>
      %get3A_815 = arith.constant 16 : index
      %get3A_816 = arith.constant 0 : index
      %get3A_817 = arith.constant 0 : index
      %get3A_818 = arith.constant 0 : index
      %get3A_819 = vector.load %arg3[%get3A_815, %get3A_816, %get3A_817, %get3A_818] : memref<32x10x3x16xf32, #tpu.memory_space<vmem>>, vector<1x10x3x16xf32>
      %get3A_820 = vector.shape_cast %get3A_819 : vector<1x10x3x16xf32> to vector<10x3x16xf32>
      %min3A_821 = arith.minimumf %min3A_807, %get3A_820 : vector<10x3x16xf32>
      %get3A_822 = arith.constant 17 : index
      %get3A_823 = arith.constant 0 : index
      %get3A_824 = arith.constant 0 : index
      %get3A_825 = arith.constant 0 : index
      %get3A_826 = vector.load %arg2[%get3A_822, %get3A_823, %get3A_824, %get3A_825] : memref<32x10x3x16xf32, #tpu.memory_space<vmem>>, vector<1x10x3x16xf32>
      %get3A_827 = vector.shape_cast %get3A_826 : vector<1x10x3x16xf32> to vector<10x3x16xf32>
      %max3A_828 = arith.maximumf %max3A_814, %get3A_827 : vector<10x3x16xf32>
      %get3A_829 = arith.constant 17 : index
      %get3A_830 = arith.constant 0 : index
      %get3A_831 = arith.constant 0 : index
      %get3A_832 = arith.constant 0 : index
      %get3A_833 = vector.load %arg3[%get3A_829, %get3A_830, %get3A_831, %get3A_832] : memref<32x10x3x16xf32, #tpu.memory_space<vmem>>, vector<1x10x3x16xf32>
      %get3A_834 = vector.shape_cast %get3A_833 : vector<1x10x3x16xf32> to vector<10x3x16xf32>
      %min3A_835 = arith.minimumf %min3A_821, %get3A_834 : vector<10x3x16xf32>
      %get3A_836 = arith.constant 18 : index
      %get3A_837 = arith.constant 0 : index
      %get3A_838 = arith.constant 0 : index
      %get3A_839 = arith.constant 0 : index
      %get3A_840 = vector.load %arg2[%get3A_836, %get3A_837, %get3A_838, %get3A_839] : memref<32x10x3x16xf32, #tpu.memory_space<vmem>>, vector<1x10x3x16xf32>
      %get3A_841 = vector.shape_cast %get3A_840 : vector<1x10x3x16xf32> to vector<10x3x16xf32>
      %max3A_842 = arith.maximumf %max3A_828, %get3A_841 : vector<10x3x16xf32>
      %get3A_843 = arith.constant 18 : index
      %get3A_844 = arith.constant 0 : index
      %get3A_845 = arith.constant 0 : index
      %get3A_846 = arith.constant 0 : index
      %get3A_847 = vector.load %arg3[%get3A_843, %get3A_844, %get3A_845, %get3A_846] : memref<32x10x3x16xf32, #tpu.memory_space<vmem>>, vector<1x10x3x16xf32>
      %get3A_848 = vector.shape_cast %get3A_847 : vector<1x10x3x16xf32> to vector<10x3x16xf32>
      %min3A_849 = arith.minimumf %min3A_835, %get3A_848 : vector<10x3x16xf32>
      %get3A_850 = arith.constant 19 : index
      %get3A_851 = arith.constant 0 : index
      %get3A_852 = arith.constant 0 : index
      %get3A_853 = arith.constant 0 : index
      %get3A_854 = vector.load %arg2[%get3A_850, %get3A_851, %get3A_852, %get3A_853] : memref<32x10x3x16xf32, #tpu.memory_space<vmem>>, vector<1x10x3x16xf32>
      %get3A_855 = vector.shape_cast %get3A_854 : vector<1x10x3x16xf32> to vector<10x3x16xf32>
      %max3A_856 = arith.maximumf %max3A_842, %get3A_855 : vector<10x3x16xf32>
      %get3A_857 = arith.constant 19 : index
      %get3A_858 = arith.constant 0 : index
      %get3A_859 = arith.constant 0 : index
      %get3A_860 = arith.constant 0 : index
      %get3A_861 = vector.load %arg3[%get3A_857, %get3A_858, %get3A_859, %get3A_860] : memref<32x10x3x16xf32, #tpu.memory_space<vmem>>, vector<1x10x3x16xf32>
      %get3A_862 = vector.shape_cast %get3A_861 : vector<1x10x3x16xf32> to vector<10x3x16xf32>
      %min3A_863 = arith.minimumf %min3A_849, %get3A_862 : vector<10x3x16xf32>
      %get3A_864 = arith.constant 20 : index
      %get3A_865 = arith.constant 0 : index
      %get3A_866 = arith.constant 0 : index
      %get3A_867 = arith.constant 0 : index
      %get3A_868 = vector.load %arg2[%get3A_864, %get3A_865, %get3A_866, %get3A_867] : memref<32x10x3x16xf32, #tpu.memory_space<vmem>>, vector<1x10x3x16xf32>
      %get3A_869 = vector.shape_cast %get3A_868 : vector<1x10x3x16xf32> to vector<10x3x16xf32>
      %max3A_870 = arith.maximumf %max3A_856, %get3A_869 : vector<10x3x16xf32>
      %get3A_871 = arith.constant 20 : index
      %get3A_872 = arith.constant 0 : index
      %get3A_873 = arith.constant 0 : index
      %get3A_874 = arith.constant 0 : index
      %get3A_875 = vector.load %arg3[%get3A_871, %get3A_872, %get3A_873, %get3A_874] : memref<32x10x3x16xf32, #tpu.memory_space<vmem>>, vector<1x10x3x16xf32>
      %get3A_876 = vector.shape_cast %get3A_875 : vector<1x10x3x16xf32> to vector<10x3x16xf32>
      %min3A_877 = arith.minimumf %min3A_863, %get3A_876 : vector<10x3x16xf32>
      %get3A_878 = arith.constant 21 : index
      %get3A_879 = arith.constant 0 : index
      %get3A_880 = arith.constant 0 : index
      %get3A_881 = arith.constant 0 : index
      %get3A_882 = vector.load %arg2[%get3A_878, %get3A_879, %get3A_880, %get3A_881] : memref<32x10x3x16xf32, #tpu.memory_space<vmem>>, vector<1x10x3x16xf32>
      %get3A_883 = vector.shape_cast %get3A_882 : vector<1x10x3x16xf32> to vector<10x3x16xf32>
      %max3A_884 = arith.maximumf %max3A_870, %get3A_883 : vector<10x3x16xf32>
      %get3A_885 = arith.constant 21 : index
      %get3A_886 = arith.constant 0 : index
      %get3A_887 = arith.constant 0 : index
      %get3A_888 = arith.constant 0 : index
      %get3A_889 = vector.load %arg3[%get3A_885, %get3A_886, %get3A_887, %get3A_888] : memref<32x10x3x16xf32, #tpu.memory_space<vmem>>, vector<1x10x3x16xf32>
      %get3A_890 = vector.shape_cast %get3A_889 : vector<1x10x3x16xf32> to vector<10x3x16xf32>
      %min3A_891 = arith.minimumf %min3A_877, %get3A_890 : vector<10x3x16xf32>
      %get3A_892 = arith.constant 22 : index
      %get3A_893 = arith.constant 0 : index
      %get3A_894 = arith.constant 0 : index
      %get3A_895 = arith.constant 0 : index
      %get3A_896 = vector.load %arg2[%get3A_892, %get3A_893, %get3A_894, %get3A_895] : memref<32x10x3x16xf32, #tpu.memory_space<vmem>>, vector<1x10x3x16xf32>
      %get3A_897 = vector.shape_cast %get3A_896 : vector<1x10x3x16xf32> to vector<10x3x16xf32>
      %max3A_898 = arith.maximumf %max3A_884, %get3A_897 : vector<10x3x16xf32>
      %get3A_899 = arith.constant 22 : index
      %get3A_900 = arith.constant 0 : index
      %get3A_901 = arith.constant 0 : index
      %get3A_902 = arith.constant 0 : index
      %get3A_903 = vector.load %arg3[%get3A_899, %get3A_900, %get3A_901, %get3A_902] : memref<32x10x3x16xf32, #tpu.memory_space<vmem>>, vector<1x10x3x16xf32>
      %get3A_904 = vector.shape_cast %get3A_903 : vector<1x10x3x16xf32> to vector<10x3x16xf32>
      %min3A_905 = arith.minimumf %min3A_891, %get3A_904 : vector<10x3x16xf32>
      %get3A_906 = arith.constant 23 : index
      %get3A_907 = arith.constant 0 : index
      %get3A_908 = arith.constant 0 : index
      %get3A_909 = arith.constant 0 : index
      %get3A_910 = vector.load %arg2[%get3A_906, %get3A_907, %get3A_908, %get3A_909] : memref<32x10x3x16xf32, #tpu.memory_space<vmem>>, vector<1x10x3x16xf32>
      %get3A_911 = vector.shape_cast %get3A_910 : vector<1x10x3x16xf32> to vector<10x3x16xf32>
      %max3A_912 = arith.maximumf %max3A_898, %get3A_911 : vector<10x3x16xf32>
      %get3A_913 = arith.constant 23 : index
      %get3A_914 = arith.constant 0 : index
      %get3A_915 = arith.constant 0 : index
      %get3A_916 = arith.constant 0 : index
      %get3A_917 = vector.load %arg3[%get3A_913, %get3A_914, %get3A_915, %get3A_916] : memref<32x10x3x16xf32, #tpu.memory_space<vmem>>, vector<1x10x3x16xf32>
      %get3A_918 = vector.shape_cast %get3A_917 : vector<1x10x3x16xf32> to vector<10x3x16xf32>
      %min3A_919 = arith.minimumf %min3A_905, %get3A_918 : vector<10x3x16xf32>
      %get3A_920 = arith.constant 24 : index
      %get3A_921 = arith.constant 0 : index
      %get3A_922 = arith.constant 0 : index
      %get3A_923 = arith.constant 0 : index
      %get3A_924 = vector.load %arg2[%get3A_920, %get3A_921, %get3A_922, %get3A_923] : memref<32x10x3x16xf32, #tpu.memory_space<vmem>>, vector<1x10x3x16xf32>
      %get3A_925 = vector.shape_cast %get3A_924 : vector<1x10x3x16xf32> to vector<10x3x16xf32>
      %max3A_926 = arith.maximumf %max3A_912, %get3A_925 : vector<10x3x16xf32>
      %get3A_927 = arith.constant 24 : index
      %get3A_928 = arith.constant 0 : index
      %get3A_929 = arith.constant 0 : index
      %get3A_930 = arith.constant 0 : index
      %get3A_931 = vector.load %arg3[%get3A_927, %get3A_928, %get3A_929, %get3A_930] : memref<32x10x3x16xf32, #tpu.memory_space<vmem>>, vector<1x10x3x16xf32>
      %get3A_932 = vector.shape_cast %get3A_931 : vector<1x10x3x16xf32> to vector<10x3x16xf32>
      %min3A_933 = arith.minimumf %min3A_919, %get3A_932 : vector<10x3x16xf32>
      %get3A_934 = arith.constant 25 : index
      %get3A_935 = arith.constant 0 : index
      %get3A_936 = arith.constant 0 : index
      %get3A_937 = arith.constant 0 : index
      %get3A_938 = vector.load %arg2[%get3A_934, %get3A_935, %get3A_936, %get3A_937] : memref<32x10x3x16xf32, #tpu.memory_space<vmem>>, vector<1x10x3x16xf32>
      %get3A_939 = vector.shape_cast %get3A_938 : vector<1x10x3x16xf32> to vector<10x3x16xf32>
      %max3A_940 = arith.maximumf %max3A_926, %get3A_939 : vector<10x3x16xf32>
      %get3A_941 = arith.constant 25 : index
      %get3A_942 = arith.constant 0 : index
      %get3A_943 = arith.constant 0 : index
      %get3A_944 = arith.constant 0 : index
      %get3A_945 = vector.load %arg3[%get3A_941, %get3A_942, %get3A_943, %get3A_944] : memref<32x10x3x16xf32, #tpu.memory_space<vmem>>, vector<1x10x3x16xf32>
      %get3A_946 = vector.shape_cast %get3A_945 : vector<1x10x3x16xf32> to vector<10x3x16xf32>
      %min3A_947 = arith.minimumf %min3A_933, %get3A_946 : vector<10x3x16xf32>
      %get3A_948 = arith.constant 26 : index
      %get3A_949 = arith.constant 0 : index
      %get3A_950 = arith.constant 0 : index
      %get3A_951 = arith.constant 0 : index
      %get3A_952 = vector.load %arg2[%get3A_948, %get3A_949, %get3A_950, %get3A_951] : memref<32x10x3x16xf32, #tpu.memory_space<vmem>>, vector<1x10x3x16xf32>
      %get3A_953 = vector.shape_cast %get3A_952 : vector<1x10x3x16xf32> to vector<10x3x16xf32>
      %max3A_954 = arith.maximumf %max3A_940, %get3A_953 : vector<10x3x16xf32>
      %get3A_955 = arith.constant 26 : index
      %get3A_956 = arith.constant 0 : index
      %get3A_957 = arith.constant 0 : index
      %get3A_958 = arith.constant 0 : index
      %get3A_959 = vector.load %arg3[%get3A_955, %get3A_956, %get3A_957, %get3A_958] : memref<32x10x3x16xf32, #tpu.memory_space<vmem>>, vector<1x10x3x16xf32>
      %get3A_960 = vector.shape_cast %get3A_959 : vector<1x10x3x16xf32> to vector<10x3x16xf32>
      %min3A_961 = arith.minimumf %min3A_947, %get3A_960 : vector<10x3x16xf32>
      %get3A_962 = arith.constant 27 : index
      %get3A_963 = arith.constant 0 : index
      %get3A_964 = arith.constant 0 : index
      %get3A_965 = arith.constant 0 : index
      %get3A_966 = vector.load %arg2[%get3A_962, %get3A_963, %get3A_964, %get3A_965] : memref<32x10x3x16xf32, #tpu.memory_space<vmem>>, vector<1x10x3x16xf32>
      %get3A_967 = vector.shape_cast %get3A_966 : vector<1x10x3x16xf32> to vector<10x3x16xf32>
      %max3A_968 = arith.maximumf %max3A_954, %get3A_967 : vector<10x3x16xf32>
      %get3A_969 = arith.constant 27 : index
      %get3A_970 = arith.constant 0 : index
      %get3A_971 = arith.constant 0 : index
      %get3A_972 = arith.constant 0 : index
      %get3A_973 = vector.load %arg3[%get3A_969, %get3A_970, %get3A_971, %get3A_972] : memref<32x10x3x16xf32, #tpu.memory_space<vmem>>, vector<1x10x3x16xf32>
      %get3A_974 = vector.shape_cast %get3A_973 : vector<1x10x3x16xf32> to vector<10x3x16xf32>
      %min3A_975 = arith.minimumf %min3A_961, %get3A_974 : vector<10x3x16xf32>
      %get3A_976 = arith.constant 28 : index
      %get3A_977 = arith.constant 0 : index
      %get3A_978 = arith.constant 0 : index
      %get3A_979 = arith.constant 0 : index
      %get3A_980 = vector.load %arg2[%get3A_976, %get3A_977, %get3A_978, %get3A_979] : memref<32x10x3x16xf32, #tpu.memory_space<vmem>>, vector<1x10x3x16xf32>
      %get3A_981 = vector.shape_cast %get3A_980 : vector<1x10x3x16xf32> to vector<10x3x16xf32>
      %max3A_982 = arith.maximumf %max3A_968, %get3A_981 : vector<10x3x16xf32>
      %get3A_983 = arith.constant 28 : index
      %get3A_984 = arith.constant 0 : index
      %get3A_985 = arith.constant 0 : index
      %get3A_986 = arith.constant 0 : index
      %get3A_987 = vector.load %arg3[%get3A_983, %get3A_984, %get3A_985, %get3A_986] : memref<32x10x3x16xf32, #tpu.memory_space<vmem>>, vector<1x10x3x16xf32>
      %get3A_988 = vector.shape_cast %get3A_987 : vector<1x10x3x16xf32> to vector<10x3x16xf32>
      %min3A_989 = arith.minimumf %min3A_975, %get3A_988 : vector<10x3x16xf32>
      %get3A_990 = arith.constant 29 : index
      %get3A_991 = arith.constant 0 : index
      %get3A_992 = arith.constant 0 : index
      %get3A_993 = arith.constant 0 : index
      %get3A_994 = vector.load %arg2[%get3A_990, %get3A_991, %get3A_992, %get3A_993] : memref<32x10x3x16xf32, #tpu.memory_space<vmem>>, vector<1x10x3x16xf32>
      %get3A_995 = vector.shape_cast %get3A_994 : vector<1x10x3x16xf32> to vector<10x3x16xf32>
      %max3A_996 = arith.maximumf %max3A_982, %get3A_995 : vector<10x3x16xf32>
      %get3A_997 = arith.constant 29 : index
      %get3A_998 = arith.constant 0 : index
      %get3A_999 = arith.constant 0 : index
      %get3A_1000 = arith.constant 0 : index
      %get3A_1001 = vector.load %arg3[%get3A_997, %get3A_998, %get3A_999, %get3A_1000] : memref<32x10x3x16xf32, #tpu.memory_space<vmem>>, vector<1x10x3x16xf32>
      %get3A_1002 = vector.shape_cast %get3A_1001 : vector<1x10x3x16xf32> to vector<10x3x16xf32>
      %min3A_1003 = arith.minimumf %min3A_989, %get3A_1002 : vector<10x3x16xf32>
      %get3A_1004 = arith.constant 30 : index
      %get3A_1005 = arith.constant 0 : index
      %get3A_1006 = arith.constant 0 : index
      %get3A_1007 = arith.constant 0 : index
      %get3A_1008 = vector.load %arg2[%get3A_1004, %get3A_1005, %get3A_1006, %get3A_1007] : memref<32x10x3x16xf32, #tpu.memory_space<vmem>>, vector<1x10x3x16xf32>
      %get3A_1009 = vector.shape_cast %get3A_1008 : vector<1x10x3x16xf32> to vector<10x3x16xf32>
      %max3A_1010 = arith.maximumf %max3A_996, %get3A_1009 : vector<10x3x16xf32>
      %get3A_1011 = arith.constant 30 : index
      %get3A_1012 = arith.constant 0 : index
      %get3A_1013 = arith.constant 0 : index
      %get3A_1014 = arith.constant 0 : index
      %get3A_1015 = vector.load %arg3[%get3A_1011, %get3A_1012, %get3A_1013, %get3A_1014] : memref<32x10x3x16xf32, #tpu.memory_space<vmem>>, vector<1x10x3x16xf32>
      %get3A_1016 = vector.shape_cast %get3A_1015 : vector<1x10x3x16xf32> to vector<10x3x16xf32>
      %min3A_1017 = arith.minimumf %min3A_1003, %get3A_1016 : vector<10x3x16xf32>
      %get3A_1018 = arith.constant 31 : index
      %get3A_1019 = arith.constant 0 : index
      %get3A_1020 = arith.constant 0 : index
      %get3A_1021 = arith.constant 0 : index
      %get3A_1022 = vector.load %arg2[%get3A_1018, %get3A_1019, %get3A_1020, %get3A_1021] : memref<32x10x3x16xf32, #tpu.memory_space<vmem>>, vector<1x10x3x16xf32>
      %get3A_1023 = vector.shape_cast %get3A_1022 : vector<1x10x3x16xf32> to vector<10x3x16xf32>
      %max3A_1024 = arith.maximumf %max3A_1010, %get3A_1023 : vector<10x3x16xf32>
      %get3A_1025 = arith.constant 31 : index
      %get3A_1026 = arith.constant 0 : index
      %get3A_1027 = arith.constant 0 : index
      %get3A_1028 = arith.constant 0 : index
      %get3A_1029 = vector.load %arg3[%get3A_1025, %get3A_1026, %get3A_1027, %get3A_1028] : memref<32x10x3x16xf32, #tpu.memory_space<vmem>>, vector<1x10x3x16xf32>
      %get3A_1030 = vector.shape_cast %get3A_1029 : vector<1x10x3x16xf32> to vector<10x3x16xf32>
      %min3A_1031 = arith.minimumf %min3A_1017, %get3A_1030 : vector<10x3x16xf32>
      %reduce_max3A = arith.constant dense<0xFF800000> : vector<10x3xf32>
      %reduce_max3A_1032 = vector.multi_reduction <maximumf>, %max3A_1024, %reduce_max3A [2] : vector<10x3x16xf32> to vector<10x3xf32>
      %swap3A_1033 = arith.constant 0 : index
      %swap3A_1034 = arith.constant 0 : index
      %swap3A_1035 = vector.load %arg7[%swap3A_1033, %swap3A_1034] : memref<10x3xf32, #tpu.memory_space<vmem>>, vector<10x3xf32>
      tpu.vector_store %arg7[%swap3A_1033, %swap3A_1034], %reduce_max3A_1032 {strides = array<i32>} : memref<10x3xf32, #tpu.memory_space<vmem>>, vector<10x3xf32>,
      %reduce_min3A = arith.constant dense<0x7F800000> : vector<10x3xf32>
      %reduce_min3A_1036 = vector.multi_reduction <minimumf>, %min3A_1031, %reduce_min3A [2] : vector<10x3x16xf32> to vector<10x3xf32>
      %swap3A_1037 = arith.constant 0 : index
      %swap3A_1038 = arith.constant 0 : index
      %swap3A_1039 = vector.load %arg8[%swap3A_1037, %swap3A_1038] : memref<10x3xf32, #tpu.memory_space<vmem>>, vector<10x3xf32>
      tpu.vector_store %arg8[%swap3A_1037, %swap3A_1038], %reduce_min3A_1036 {strides = array<i32>} : memref<10x3xf32, #tpu.memory_space<vmem>>, vector<10x3xf32>,
    } else {
    }
    %broadcast_in_dim3A = arith.constant 0.000000e+00 : f32
    %broadcast_in_dim3A_10 = vector.broadcast %broadcast_in_dim3A : f32 to vector<1x4000xf32>
    %eq3A_11 = arith.constant 0.000000e+00 : f32
    %eq3A_12 = vector.broadcast %eq3A_11 : f32 to vector<1x4000xf32>
    %eq3A_13 = arith.cmpf oeq, %slice3A_7, %eq3A_12 : vector<1x4000xf32>
    %get3A_14 = arith.constant 0 : index
    %get3A_15 = arith.constant 0 : index
    %get3A_16 = vector.load %arg7[%get3A_14, %get3A_15] : memref<10x3xf32, #tpu.memory_space<vmem>>, vector<1x1xf32>
    %get3A_17 = vector.extract %get3A_16[0, 0] : f32 from vector<1x1xf32>
    %get3A_18 = arith.constant 0 : index
    %get3A_19 = arith.constant 0 : index
    %get3A_20 = vector.load %arg8[%get3A_18, %get3A_19] : memref<10x3xf32, #tpu.memory_space<vmem>>, vector<1x1xf32>
    %get3A_21 = vector.extract %get3A_20[0, 0] : f32 from vector<1x1xf32>
    %ge3A = arith.cmpf oge, %get3A_17, %get3A_21 : f32
    %add3A = arith.addf %get3A_17, %get3A_21 : f32
    %mul3A = arith.constant 5.000000e-01 : f32
    %mul3A_22 = arith.mulf %add3A, %mul3A : f32
    %jit3A = arith.constant 0.000000e+00 : f32
    %select_n3A = arith.select %ge3A, %mul3A_22, %jit3A : f32
    %broadcast_in_dim3A_23 = vector.broadcast %select_n3A : f32 to vector<1x4000xf32>
    %select_n3A_24 = arith.select %eq3A_13, %broadcast_in_dim3A_23, %broadcast_in_dim3A_10 : vector<1x4000xi1>, vector<1x4000xf32>
    %get3A_25 = arith.constant 0 : index
    %get3A_26 = arith.constant 1 : index
    %get3A_27 = vector.load %arg7[%get3A_25, %get3A_26] : memref<10x3xf32, #tpu.memory_space<vmem>>, vector<1x1xf32>
    %get3A_28 = vector.extract %get3A_27[0, 0] : f32 from vector<1x1xf32>
    %get3A_29 = arith.constant 0 : index
    %get3A_30 = arith.constant 1 : index
    %get3A_31 = vector.load %arg8[%get3A_29, %get3A_30] : memref<10x3xf32, #tpu.memory_space<vmem>>, vector<1x1xf32>
    %get3A_32 = vector.extract %get3A_31[0, 0] : f32 from vector<1x1xf32>
    %ge3A_33 = arith.cmpf oge, %get3A_28, %get3A_32 : f32
    %add3A_34 = arith.addf %get3A_28, %get3A_32 : f32
    %mul3A_35 = arith.constant 5.000000e-01 : f32
    %mul3A_36 = arith.mulf %add3A_34, %mul3A_35 : f32
    %jit3A_37 = arith.constant 0.000000e+00 : f32
    %select_n3A_38 = arith.select %ge3A_33, %mul3A_36, %jit3A_37 : f32
    %broadcast_in_dim3A_39 = vector.broadcast %select_n3A_38 : f32 to vector<1x4000xf32>
    %select_n3A_40 = arith.select %eq3A_13, %broadcast_in_dim3A_39, %broadcast_in_dim3A_10 : vector<1x4000xi1>, vector<1x4000xf32>
    %get3A_41 = arith.constant 0 : index
    %get3A_42 = arith.constant 2 : index
    %get3A_43 = vector.load %arg7[%get3A_41, %get3A_42] : memref<10x3xf32, #tpu.memory_space<vmem>>, vector<1x1xf32>
    %get3A_44 = vector.extract %get3A_43[0, 0] : f32 from vector<1x1xf32>
    %get3A_45 = arith.constant 0 : index
    %get3A_46 = arith.constant 2 : index
    %get3A_47 = vector.load %arg8[%get3A_45, %get3A_46] : memref<10x3xf32, #tpu.memory_space<vmem>>, vector<1x1xf32>
    %get3A_48 = vector.extract %get3A_47[0, 0] : f32 from vector<1x1xf32>
    %ge3A_49 = arith.cmpf oge, %get3A_44, %get3A_48 : f32
    %add3A_50 = arith.addf %get3A_44, %get3A_48 : f32
    %mul3A_51 = arith.constant 5.000000e-01 : f32
    %mul3A_52 = arith.mulf %add3A_50, %mul3A_51 : f32
    %jit3A_53 = arith.constant 0.000000e+00 : f32
    %select_n3A_54 = arith.select %ge3A_49, %mul3A_52, %jit3A_53 : f32
    %broadcast_in_dim3A_55 = vector.broadcast %select_n3A_54 : f32 to vector<1x4000xf32>
    %select_n3A_56 = arith.select %eq3A_13, %broadcast_in_dim3A_55, %broadcast_in_dim3A_10 : vector<1x4000xi1>, vector<1x4000xf32>
    %eq3A_57 = arith.constant 1.000000e+00 : f32
    %eq3A_58 = vector.broadcast %eq3A_57 : f32 to vector<1x4000xf32>
    %eq3A_59 = arith.cmpf oeq, %slice3A_7, %eq3A_58 : vector<1x4000xf32>
    %get3A_60 = arith.constant 1 : index
    %get3A_61 = arith.constant 0 : index
    %get3A_62 = vector.load %arg7[%get3A_60, %get3A_61] : memref<10x3xf32, #tpu.memory_space<vmem>>, vector<1x1xf32>
    %get3A_63 = vector.extract %get3A_62[0, 0] : f32 from vector<1x1xf32>
    %get3A_64 = arith.constant 1 : index
    %get3A_65 = arith.constant 0 : index
    %get3A_66 = vector.load %arg8[%get3A_64, %get3A_65] : memref<10x3xf32, #tpu.memory_space<vmem>>, vector<1x1xf32>
    %get3A_67 = vector.extract %get3A_66[0, 0] : f32 from vector<1x1xf32>
    %ge3A_68 = arith.cmpf oge, %get3A_63, %get3A_67 : f32
    %add3A_69 = arith.addf %get3A_63, %get3A_67 : f32
    %mul3A_70 = arith.constant 5.000000e-01 : f32
    %mul3A_71 = arith.mulf %add3A_69, %mul3A_70 : f32
    %jit3A_72 = arith.constant 0.000000e+00 : f32
    %select_n3A_73 = arith.select %ge3A_68, %mul3A_71, %jit3A_72 : f32
    %broadcast_in_dim3A_74 = vector.broadcast %select_n3A_73 : f32 to vector<1x4000xf32>
    %select_n3A_75 = arith.select %eq3A_59, %broadcast_in_dim3A_74, %select_n3A_24 : vector<1x4000xi1>, vector<1x4000xf32>
    %get3A_76 = arith.constant 1 : index
    %get3A_77 = arith.constant 1 : index
    %get3A_78 = vector.load %arg7[%get3A_76, %get3A_77] : memref<10x3xf32, #tpu.memory_space<vmem>>, vector<1x1xf32>
    %get3A_79 = vector.extract %get3A_78[0, 0] : f32 from vector<1x1xf32>
    %get3A_80 = arith.constant 1 : index
    %get3A_81 = arith.constant 1 : index
    %get3A_82 = vector.load %arg8[%get3A_80, %get3A_81] : memref<10x3xf32, #tpu.memory_space<vmem>>, vector<1x1xf32>
    %get3A_83 = vector.extract %get3A_82[0, 0] : f32 from vector<1x1xf32>
    %ge3A_84 = arith.cmpf oge, %get3A_79, %get3A_83 : f32
    %add3A_85 = arith.addf %get3A_79, %get3A_83 : f32
    %mul3A_86 = arith.constant 5.000000e-01 : f32
    %mul3A_87 = arith.mulf %add3A_85, %mul3A_86 : f32
    %jit3A_88 = arith.constant 0.000000e+00 : f32
    %select_n3A_89 = arith.select %ge3A_84, %mul3A_87, %jit3A_88 : f32
    %broadcast_in_dim3A_90 = vector.broadcast %select_n3A_89 : f32 to vector<1x4000xf32>
    %select_n3A_91 = arith.select %eq3A_59, %broadcast_in_dim3A_90, %select_n3A_40 : vector<1x4000xi1>, vector<1x4000xf32>
    %get3A_92 = arith.constant 1 : index
    %get3A_93 = arith.constant 2 : index
    %get3A_94 = vector.load %arg7[%get3A_92, %get3A_93] : memref<10x3xf32, #tpu.memory_space<vmem>>, vector<1x1xf32>
    %get3A_95 = vector.extract %get3A_94[0, 0] : f32 from vector<1x1xf32>
    %get3A_96 = arith.constant 1 : index
    %get3A_97 = arith.constant 2 : index
    %get3A_98 = vector.load %arg8[%get3A_96, %get3A_97] : memref<10x3xf32, #tpu.memory_space<vmem>>, vector<1x1xf32>
    %get3A_99 = vector.extract %get3A_98[0, 0] : f32 from vector<1x1xf32>
    %ge3A_100 = arith.cmpf oge, %get3A_95, %get3A_99 : f32
    %add3A_101 = arith.addf %get3A_95, %get3A_99 : f32
    %mul3A_102 = arith.constant 5.000000e-01 : f32
    %mul3A_103 = arith.mulf %add3A_101, %mul3A_102 : f32
    %jit3A_104 = arith.constant 0.000000e+00 : f32
    %select_n3A_105 = arith.select %ge3A_100, %mul3A_103, %jit3A_104 : f32
    %broadcast_in_dim3A_106 = vector.broadcast %select_n3A_105 : f32 to vector<1x4000xf32>
    %select_n3A_107 = arith.select %eq3A_59, %broadcast_in_dim3A_106, %select_n3A_56 : vector<1x4000xi1>, vector<1x4000xf32>
    %eq3A_108 = arith.constant 2.000000e+00 : f32
    %eq3A_109 = vector.broadcast %eq3A_108 : f32 to vector<1x4000xf32>
    %eq3A_110 = arith.cmpf oeq, %slice3A_7, %eq3A_109 : vector<1x4000xf32>
    %get3A_111 = arith.constant 2 : index
    %get3A_112 = arith.constant 0 : index
    %get3A_113 = vector.load %arg7[%get3A_111, %get3A_112] : memref<10x3xf32, #tpu.memory_space<vmem>>, vector<1x1xf32>
    %get3A_114 = vector.extract %get3A_113[0, 0] : f32 from vector<1x1xf32>
    %get3A_115 = arith.constant 2 : index
    %get3A_116 = arith.constant 0 : index
    %get3A_117 = vector.load %arg8[%get3A_115, %get3A_116] : memref<10x3xf32, #tpu.memory_space<vmem>>, vector<1x1xf32>
    %get3A_118 = vector.extract %get3A_117[0, 0] : f32 from vector<1x1xf32>
    %ge3A_119 = arith.cmpf oge, %get3A_114, %get3A_118 : f32
    %add3A_120 = arith.addf %get3A_114, %get3A_118 : f32
    %mul3A_121 = arith.constant 5.000000e-01 : f32
    %mul3A_122 = arith.mulf %add3A_120, %mul3A_121 : f32
    %jit3A_123 = arith.constant 0.000000e+00 : f32
    %select_n3A_124 = arith.select %ge3A_119, %mul3A_122, %jit3A_123 : f32
    %broadcast_in_dim3A_125 = vector.broadcast %select_n3A_124 : f32 to vector<1x4000xf32>
    %select_n3A_126 = arith.select %eq3A_110, %broadcast_in_dim3A_125, %select_n3A_75 : vector<1x4000xi1>, vector<1x4000xf32>
    %get3A_127 = arith.constant 2 : index
    %get3A_128 = arith.constant 1 : index
    %get3A_129 = vector.load %arg7[%get3A_127, %get3A_128] : memref<10x3xf32, #tpu.memory_space<vmem>>, vector<1x1xf32>
    %get3A_130 = vector.extract %get3A_129[0, 0] : f32 from vector<1x1xf32>
    %get3A_131 = arith.constant 2 : index
    %get3A_132 = arith.constant 1 : index
    %get3A_133 = vector.load %arg8[%get3A_131, %get3A_132] : memref<10x3xf32, #tpu.memory_space<vmem>>, vector<1x1xf32>
    %get3A_134 = vector.extract %get3A_133[0, 0] : f32 from vector<1x1xf32>
    %ge3A_135 = arith.cmpf oge, %get3A_130, %get3A_134 : f32
    %add3A_136 = arith.addf %get3A_130, %get3A_134 : f32
    %mul3A_137 = arith.constant 5.000000e-01 : f32
    %mul3A_138 = arith.mulf %add3A_136, %mul3A_137 : f32
    %jit3A_139 = arith.constant 0.000000e+00 : f32
    %select_n3A_140 = arith.select %ge3A_135, %mul3A_138, %jit3A_139 : f32
    %broadcast_in_dim3A_141 = vector.broadcast %select_n3A_140 : f32 to vector<1x4000xf32>
    %select_n3A_142 = arith.select %eq3A_110, %broadcast_in_dim3A_141, %select_n3A_91 : vector<1x4000xi1>, vector<1x4000xf32>
    %get3A_143 = arith.constant 2 : index
    %get3A_144 = arith.constant 2 : index
    %get3A_145 = vector.load %arg7[%get3A_143, %get3A_144] : memref<10x3xf32, #tpu.memory_space<vmem>>, vector<1x1xf32>
    %get3A_146 = vector.extract %get3A_145[0, 0] : f32 from vector<1x1xf32>
    %get3A_147 = arith.constant 2 : index
    %get3A_148 = arith.constant 2 : index
    %get3A_149 = vector.load %arg8[%get3A_147, %get3A_148] : memref<10x3xf32, #tpu.memory_space<vmem>>, vector<1x1xf32>
    %get3A_150 = vector.extract %get3A_149[0, 0] : f32 from vector<1x1xf32>
    %ge3A_151 = arith.cmpf oge, %get3A_146, %get3A_150 : f32
    %add3A_152 = arith.addf %get3A_146, %get3A_150 : f32
    %mul3A_153 = arith.constant 5.000000e-01 : f32
    %mul3A_154 = arith.mulf %add3A_152, %mul3A_153 : f32
    %jit3A_155 = arith.constant 0.000000e+00 : f32
    %select_n3A_156 = arith.select %ge3A_151, %mul3A_154, %jit3A_155 : f32
    %broadcast_in_dim3A_157 = vector.broadcast %select_n3A_156 : f32 to vector<1x4000xf32>
    %select_n3A_158 = arith.select %eq3A_110, %broadcast_in_dim3A_157, %select_n3A_107 : vector<1x4000xi1>, vector<1x4000xf32>
    %eq3A_159 = arith.constant 3.000000e+00 : f32
    %eq3A_160 = vector.broadcast %eq3A_159 : f32 to vector<1x4000xf32>
    %eq3A_161 = arith.cmpf oeq, %slice3A_7, %eq3A_160 : vector<1x4000xf32>
    %get3A_162 = arith.constant 3 : index
    %get3A_163 = arith.constant 0 : index
    %get3A_164 = vector.load %arg7[%get3A_162, %get3A_163] : memref<10x3xf32, #tpu.memory_space<vmem>>, vector<1x1xf32>
    %get3A_165 = vector.extract %get3A_164[0, 0] : f32 from vector<1x1xf32>
    %get3A_166 = arith.constant 3 : index
    %get3A_167 = arith.constant 0 : index
    %get3A_168 = vector.load %arg8[%get3A_166, %get3A_167] : memref<10x3xf32, #tpu.memory_space<vmem>>, vector<1x1xf32>
    %get3A_169 = vector.extract %get3A_168[0, 0] : f32 from vector<1x1xf32>
    %ge3A_170 = arith.cmpf oge, %get3A_165, %get3A_169 : f32
    %add3A_171 = arith.addf %get3A_165, %get3A_169 : f32
    %mul3A_172 = arith.constant 5.000000e-01 : f32
    %mul3A_173 = arith.mulf %add3A_171, %mul3A_172 : f32
    %jit3A_174 = arith.constant 0.000000e+00 : f32
    %select_n3A_175 = arith.select %ge3A_170, %mul3A_173, %jit3A_174 : f32
    %broadcast_in_dim3A_176 = vector.broadcast %select_n3A_175 : f32 to vector<1x4000xf32>
    %select_n3A_177 = arith.select %eq3A_161, %broadcast_in_dim3A_176, %select_n3A_126 : vector<1x4000xi1>, vector<1x4000xf32>
    %get3A_178 = arith.constant 3 : index
    %get3A_179 = arith.constant 1 : index
    %get3A_180 = vector.load %arg7[%get3A_178, %get3A_179] : memref<10x3xf32, #tpu.memory_space<vmem>>, vector<1x1xf32>
    %get3A_181 = vector.extract %get3A_180[0, 0] : f32 from vector<1x1xf32>
    %get3A_182 = arith.constant 3 : index
    %get3A_183 = arith.constant 1 : index
    %get3A_184 = vector.load %arg8[%get3A_182, %get3A_183] : memref<10x3xf32, #tpu.memory_space<vmem>>, vector<1x1xf32>
    %get3A_185 = vector.extract %get3A_184[0, 0] : f32 from vector<1x1xf32>
    %ge3A_186 = arith.cmpf oge, %get3A_181, %get3A_185 : f32
    %add3A_187 = arith.addf %get3A_181, %get3A_185 : f32
    %mul3A_188 = arith.constant 5.000000e-01 : f32
    %mul3A_189 = arith.mulf %add3A_187, %mul3A_188 : f32
    %jit3A_190 = arith.constant 0.000000e+00 : f32
    %select_n3A_191 = arith.select %ge3A_186, %mul3A_189, %jit3A_190 : f32
    %broadcast_in_dim3A_192 = vector.broadcast %select_n3A_191 : f32 to vector<1x4000xf32>
    %select_n3A_193 = arith.select %eq3A_161, %broadcast_in_dim3A_192, %select_n3A_142 : vector<1x4000xi1>, vector<1x4000xf32>
    %get3A_194 = arith.constant 3 : index
    %get3A_195 = arith.constant 2 : index
    %get3A_196 = vector.load %arg7[%get3A_194, %get3A_195] : memref<10x3xf32, #tpu.memory_space<vmem>>, vector<1x1xf32>
    %get3A_197 = vector.extract %get3A_196[0, 0] : f32 from vector<1x1xf32>
    %get3A_198 = arith.constant 3 : index
    %get3A_199 = arith.constant 2 : index
    %get3A_200 = vector.load %arg8[%get3A_198, %get3A_199] : memref<10x3xf32, #tpu.memory_space<vmem>>, vector<1x1xf32>
    %get3A_201 = vector.extract %get3A_200[0, 0] : f32 from vector<1x1xf32>
    %ge3A_202 = arith.cmpf oge, %get3A_197, %get3A_201 : f32
    %add3A_203 = arith.addf %get3A_197, %get3A_201 : f32
    %mul3A_204 = arith.constant 5.000000e-01 : f32
    %mul3A_205 = arith.mulf %add3A_203, %mul3A_204 : f32
    %jit3A_206 = arith.constant 0.000000e+00 : f32
    %select_n3A_207 = arith.select %ge3A_202, %mul3A_205, %jit3A_206 : f32
    %broadcast_in_dim3A_208 = vector.broadcast %select_n3A_207 : f32 to vector<1x4000xf32>
    %select_n3A_209 = arith.select %eq3A_161, %broadcast_in_dim3A_208, %select_n3A_158 : vector<1x4000xi1>, vector<1x4000xf32>
    %eq3A_210 = arith.constant 4.000000e+00 : f32
    %eq3A_211 = vector.broadcast %eq3A_210 : f32 to vector<1x4000xf32>
    %eq3A_212 = arith.cmpf oeq, %slice3A_7, %eq3A_211 : vector<1x4000xf32>
    %get3A_213 = arith.constant 4 : index
    %get3A_214 = arith.constant 0 : index
    %get3A_215 = vector.load %arg7[%get3A_213, %get3A_214] : memref<10x3xf32, #tpu.memory_space<vmem>>, vector<1x1xf32>
    %get3A_216 = vector.extract %get3A_215[0, 0] : f32 from vector<1x1xf32>
    %get3A_217 = arith.constant 4 : index
    %get3A_218 = arith.constant 0 : index
    %get3A_219 = vector.load %arg8[%get3A_217, %get3A_218] : memref<10x3xf32, #tpu.memory_space<vmem>>, vector<1x1xf32>
    %get3A_220 = vector.extract %get3A_219[0, 0] : f32 from vector<1x1xf32>
    %ge3A_221 = arith.cmpf oge, %get3A_216, %get3A_220 : f32
    %add3A_222 = arith.addf %get3A_216, %get3A_220 : f32
    %mul3A_223 = arith.constant 5.000000e-01 : f32
    %mul3A_224 = arith.mulf %add3A_222, %mul3A_223 : f32
    %jit3A_225 = arith.constant 0.000000e+00 : f32
    %select_n3A_226 = arith.select %ge3A_221, %mul3A_224, %jit3A_225 : f32
    %broadcast_in_dim3A_227 = vector.broadcast %select_n3A_226 : f32 to vector<1x4000xf32>
    %select_n3A_228 = arith.select %eq3A_212, %broadcast_in_dim3A_227, %select_n3A_177 : vector<1x4000xi1>, vector<1x4000xf32>
    %get3A_229 = arith.constant 4 : index
    %get3A_230 = arith.constant 1 : index
    %get3A_231 = vector.load %arg7[%get3A_229, %get3A_230] : memref<10x3xf32, #tpu.memory_space<vmem>>, vector<1x1xf32>
    %get3A_232 = vector.extract %get3A_231[0, 0] : f32 from vector<1x1xf32>
    %get3A_233 = arith.constant 4 : index
    %get3A_234 = arith.constant 1 : index
    %get3A_235 = vector.load %arg8[%get3A_233, %get3A_234] : memref<10x3xf32, #tpu.memory_space<vmem>>, vector<1x1xf32>
    %get3A_236 = vector.extract %get3A_235[0, 0] : f32 from vector<1x1xf32>
    %ge3A_237 = arith.cmpf oge, %get3A_232, %get3A_236 : f32
    %add3A_238 = arith.addf %get3A_232, %get3A_236 : f32
    %mul3A_239 = arith.constant 5.000000e-01 : f32
    %mul3A_240 = arith.mulf %add3A_238, %mul3A_239 : f32
    %jit3A_241 = arith.constant 0.000000e+00 : f32
    %select_n3A_242 = arith.select %ge3A_237, %mul3A_240, %jit3A_241 : f32
    %broadcast_in_dim3A_243 = vector.broadcast %select_n3A_242 : f32 to vector<1x4000xf32>
    %select_n3A_244 = arith.select %eq3A_212, %broadcast_in_dim3A_243, %select_n3A_193 : vector<1x4000xi1>, vector<1x4000xf32>
    %get3A_245 = arith.constant 4 : index
    %get3A_246 = arith.constant 2 : index
    %get3A_247 = vector.load %arg7[%get3A_245, %get3A_246] : memref<10x3xf32, #tpu.memory_space<vmem>>, vector<1x1xf32>
    %get3A_248 = vector.extract %get3A_247[0, 0] : f32 from vector<1x1xf32>
    %get3A_249 = arith.constant 4 : index
    %get3A_250 = arith.constant 2 : index
    %get3A_251 = vector.load %arg8[%get3A_249, %get3A_250] : memref<10x3xf32, #tpu.memory_space<vmem>>, vector<1x1xf32>
    %get3A_252 = vector.extract %get3A_251[0, 0] : f32 from vector<1x1xf32>
    %ge3A_253 = arith.cmpf oge, %get3A_248, %get3A_252 : f32
    %add3A_254 = arith.addf %get3A_248, %get3A_252 : f32
    %mul3A_255 = arith.constant 5.000000e-01 : f32
    %mul3A_256 = arith.mulf %add3A_254, %mul3A_255 : f32
    %jit3A_257 = arith.constant 0.000000e+00 : f32
    %select_n3A_258 = arith.select %ge3A_253, %mul3A_256, %jit3A_257 : f32
    %broadcast_in_dim3A_259 = vector.broadcast %select_n3A_258 : f32 to vector<1x4000xf32>
    %select_n3A_260 = arith.select %eq3A_212, %broadcast_in_dim3A_259, %select_n3A_209 : vector<1x4000xi1>, vector<1x4000xf32>
    %eq3A_261 = arith.constant 5.000000e+00 : f32
    %eq3A_262 = vector.broadcast %eq3A_261 : f32 to vector<1x4000xf32>
    %eq3A_263 = arith.cmpf oeq, %slice3A_7, %eq3A_262 : vector<1x4000xf32>
    %get3A_264 = arith.constant 5 : index
    %get3A_265 = arith.constant 0 : index
    %get3A_266 = vector.load %arg7[%get3A_264, %get3A_265] : memref<10x3xf32, #tpu.memory_space<vmem>>, vector<1x1xf32>
    %get3A_267 = vector.extract %get3A_266[0, 0] : f32 from vector<1x1xf32>
    %get3A_268 = arith.constant 5 : index
    %get3A_269 = arith.constant 0 : index
    %get3A_270 = vector.load %arg8[%get3A_268, %get3A_269] : memref<10x3xf32, #tpu.memory_space<vmem>>, vector<1x1xf32>
    %get3A_271 = vector.extract %get3A_270[0, 0] : f32 from vector<1x1xf32>
    %ge3A_272 = arith.cmpf oge, %get3A_267, %get3A_271 : f32
    %add3A_273 = arith.addf %get3A_267, %get3A_271 : f32
    %mul3A_274 = arith.constant 5.000000e-01 : f32
    %mul3A_275 = arith.mulf %add3A_273, %mul3A_274 : f32
    %jit3A_276 = arith.constant 0.000000e+00 : f32
    %select_n3A_277 = arith.select %ge3A_272, %mul3A_275, %jit3A_276 : f32
    %broadcast_in_dim3A_278 = vector.broadcast %select_n3A_277 : f32 to vector<1x4000xf32>
    %select_n3A_279 = arith.select %eq3A_263, %broadcast_in_dim3A_278, %select_n3A_228 : vector<1x4000xi1>, vector<1x4000xf32>
    %get3A_280 = arith.constant 5 : index
    %get3A_281 = arith.constant 1 : index
    %get3A_282 = vector.load %arg7[%get3A_280, %get3A_281] : memref<10x3xf32, #tpu.memory_space<vmem>>, vector<1x1xf32>
    %get3A_283 = vector.extract %get3A_282[0, 0] : f32 from vector<1x1xf32>
    %get3A_284 = arith.constant 5 : index
    %get3A_285 = arith.constant 1 : index
    %get3A_286 = vector.load %arg8[%get3A_284, %get3A_285] : memref<10x3xf32, #tpu.memory_space<vmem>>, vector<1x1xf32>
    %get3A_287 = vector.extract %get3A_286[0, 0] : f32 from vector<1x1xf32>
    %ge3A_288 = arith.cmpf oge, %get3A_283, %get3A_287 : f32
    %add3A_289 = arith.addf %get3A_283, %get3A_287 : f32
    %mul3A_290 = arith.constant 5.000000e-01 : f32
    %mul3A_291 = arith.mulf %add3A_289, %mul3A_290 : f32
    %jit3A_292 = arith.constant 0.000000e+00 : f32
    %select_n3A_293 = arith.select %ge3A_288, %mul3A_291, %jit3A_292 : f32
    %broadcast_in_dim3A_294 = vector.broadcast %select_n3A_293 : f32 to vector<1x4000xf32>
    %select_n3A_295 = arith.select %eq3A_263, %broadcast_in_dim3A_294, %select_n3A_244 : vector<1x4000xi1>, vector<1x4000xf32>
    %get3A_296 = arith.constant 5 : index
    %get3A_297 = arith.constant 2 : index
    %get3A_298 = vector.load %arg7[%get3A_296, %get3A_297] : memref<10x3xf32, #tpu.memory_space<vmem>>, vector<1x1xf32>
    %get3A_299 = vector.extract %get3A_298[0, 0] : f32 from vector<1x1xf32>
    %get3A_300 = arith.constant 5 : index
    %get3A_301 = arith.constant 2 : index
    %get3A_302 = vector.load %arg8[%get3A_300, %get3A_301] : memref<10x3xf32, #tpu.memory_space<vmem>>, vector<1x1xf32>
    %get3A_303 = vector.extract %get3A_302[0, 0] : f32 from vector<1x1xf32>
    %ge3A_304 = arith.cmpf oge, %get3A_299, %get3A_303 : f32
    %add3A_305 = arith.addf %get3A_299, %get3A_303 : f32
    %mul3A_306 = arith.constant 5.000000e-01 : f32
    %mul3A_307 = arith.mulf %add3A_305, %mul3A_306 : f32
    %jit3A_308 = arith.constant 0.000000e+00 : f32
    %select_n3A_309 = arith.select %ge3A_304, %mul3A_307, %jit3A_308 : f32
    %broadcast_in_dim3A_310 = vector.broadcast %select_n3A_309 : f32 to vector<1x4000xf32>
    %select_n3A_311 = arith.select %eq3A_263, %broadcast_in_dim3A_310, %select_n3A_260 : vector<1x4000xi1>, vector<1x4000xf32>
    %eq3A_312 = arith.constant 6.000000e+00 : f32
    %eq3A_313 = vector.broadcast %eq3A_312 : f32 to vector<1x4000xf32>
    %eq3A_314 = arith.cmpf oeq, %slice3A_7, %eq3A_313 : vector<1x4000xf32>
    %get3A_315 = arith.constant 6 : index
    %get3A_316 = arith.constant 0 : index
    %get3A_317 = vector.load %arg7[%get3A_315, %get3A_316] : memref<10x3xf32, #tpu.memory_space<vmem>>, vector<1x1xf32>
    %get3A_318 = vector.extract %get3A_317[0, 0] : f32 from vector<1x1xf32>
    %get3A_319 = arith.constant 6 : index
    %get3A_320 = arith.constant 0 : index
    %get3A_321 = vector.load %arg8[%get3A_319, %get3A_320] : memref<10x3xf32, #tpu.memory_space<vmem>>, vector<1x1xf32>
    %get3A_322 = vector.extract %get3A_321[0, 0] : f32 from vector<1x1xf32>
    %ge3A_323 = arith.cmpf oge, %get3A_318, %get3A_322 : f32
    %add3A_324 = arith.addf %get3A_318, %get3A_322 : f32
    %mul3A_325 = arith.constant 5.000000e-01 : f32
    %mul3A_326 = arith.mulf %add3A_324, %mul3A_325 : f32
    %jit3A_327 = arith.constant 0.000000e+00 : f32
    %select_n3A_328 = arith.select %ge3A_323, %mul3A_326, %jit3A_327 : f32
    %broadcast_in_dim3A_329 = vector.broadcast %select_n3A_328 : f32 to vector<1x4000xf32>
    %select_n3A_330 = arith.select %eq3A_314, %broadcast_in_dim3A_329, %select_n3A_279 : vector<1x4000xi1>, vector<1x4000xf32>
    %get3A_331 = arith.constant 6 : index
    %get3A_332 = arith.constant 1 : index
    %get3A_333 = vector.load %arg7[%get3A_331, %get3A_332] : memref<10x3xf32, #tpu.memory_space<vmem>>, vector<1x1xf32>
    %get3A_334 = vector.extract %get3A_333[0, 0] : f32 from vector<1x1xf32>
    %get3A_335 = arith.constant 6 : index
    %get3A_336 = arith.constant 1 : index
    %get3A_337 = vector.load %arg8[%get3A_335, %get3A_336] : memref<10x3xf32, #tpu.memory_space<vmem>>, vector<1x1xf32>
    %get3A_338 = vector.extract %get3A_337[0, 0] : f32 from vector<1x1xf32>
    %ge3A_339 = arith.cmpf oge, %get3A_334, %get3A_338 : f32
    %add3A_340 = arith.addf %get3A_334, %get3A_338 : f32
    %mul3A_341 = arith.constant 5.000000e-01 : f32
    %mul3A_342 = arith.mulf %add3A_340, %mul3A_341 : f32
    %jit3A_343 = arith.constant 0.000000e+00 : f32
    %select_n3A_344 = arith.select %ge3A_339, %mul3A_342, %jit3A_343 : f32
    %broadcast_in_dim3A_345 = vector.broadcast %select_n3A_344 : f32 to vector<1x4000xf32>
    %select_n3A_346 = arith.select %eq3A_314, %broadcast_in_dim3A_345, %select_n3A_295 : vector<1x4000xi1>, vector<1x4000xf32>
    %get3A_347 = arith.constant 6 : index
    %get3A_348 = arith.constant 2 : index
    %get3A_349 = vector.load %arg7[%get3A_347, %get3A_348] : memref<10x3xf32, #tpu.memory_space<vmem>>, vector<1x1xf32>
    %get3A_350 = vector.extract %get3A_349[0, 0] : f32 from vector<1x1xf32>
    %get3A_351 = arith.constant 6 : index
    %get3A_352 = arith.constant 2 : index
    %get3A_353 = vector.load %arg8[%get3A_351, %get3A_352] : memref<10x3xf32, #tpu.memory_space<vmem>>, vector<1x1xf32>
    %get3A_354 = vector.extract %get3A_353[0, 0] : f32 from vector<1x1xf32>
    %ge3A_355 = arith.cmpf oge, %get3A_350, %get3A_354 : f32
    %add3A_356 = arith.addf %get3A_350, %get3A_354 : f32
    %mul3A_357 = arith.constant 5.000000e-01 : f32
    %mul3A_358 = arith.mulf %add3A_356, %mul3A_357 : f32
    %jit3A_359 = arith.constant 0.000000e+00 : f32
    %select_n3A_360 = arith.select %ge3A_355, %mul3A_358, %jit3A_359 : f32
    %broadcast_in_dim3A_361 = vector.broadcast %select_n3A_360 : f32 to vector<1x4000xf32>
    %select_n3A_362 = arith.select %eq3A_314, %broadcast_in_dim3A_361, %select_n3A_311 : vector<1x4000xi1>, vector<1x4000xf32>
    %eq3A_363 = arith.constant 7.000000e+00 : f32
    %eq3A_364 = vector.broadcast %eq3A_363 : f32 to vector<1x4000xf32>
    %eq3A_365 = arith.cmpf oeq, %slice3A_7, %eq3A_364 : vector<1x4000xf32>
    %get3A_366 = arith.constant 7 : index
    %get3A_367 = arith.constant 0 : index
    %get3A_368 = vector.load %arg7[%get3A_366, %get3A_367] : memref<10x3xf32, #tpu.memory_space<vmem>>, vector<1x1xf32>
    %get3A_369 = vector.extract %get3A_368[0, 0] : f32 from vector<1x1xf32>
    %get3A_370 = arith.constant 7 : index
    %get3A_371 = arith.constant 0 : index
    %get3A_372 = vector.load %arg8[%get3A_370, %get3A_371] : memref<10x3xf32, #tpu.memory_space<vmem>>, vector<1x1xf32>
    %get3A_373 = vector.extract %get3A_372[0, 0] : f32 from vector<1x1xf32>
    %ge3A_374 = arith.cmpf oge, %get3A_369, %get3A_373 : f32
    %add3A_375 = arith.addf %get3A_369, %get3A_373 : f32
    %mul3A_376 = arith.constant 5.000000e-01 : f32
    %mul3A_377 = arith.mulf %add3A_375, %mul3A_376 : f32
    %jit3A_378 = arith.constant 0.000000e+00 : f32
    %select_n3A_379 = arith.select %ge3A_374, %mul3A_377, %jit3A_378 : f32
    %broadcast_in_dim3A_380 = vector.broadcast %select_n3A_379 : f32 to vector<1x4000xf32>
    %select_n3A_381 = arith.select %eq3A_365, %broadcast_in_dim3A_380, %select_n3A_330 : vector<1x4000xi1>, vector<1x4000xf32>
    %get3A_382 = arith.constant 7 : index
    %get3A_383 = arith.constant 1 : index
    %get3A_384 = vector.load %arg7[%get3A_382, %get3A_383] : memref<10x3xf32, #tpu.memory_space<vmem>>, vector<1x1xf32>
    %get3A_385 = vector.extract %get3A_384[0, 0] : f32 from vector<1x1xf32>
    %get3A_386 = arith.constant 7 : index
    %get3A_387 = arith.constant 1 : index
    %get3A_388 = vector.load %arg8[%get3A_386, %get3A_387] : memref<10x3xf32, #tpu.memory_space<vmem>>, vector<1x1xf32>
    %get3A_389 = vector.extract %get3A_388[0, 0] : f32 from vector<1x1xf32>
    %ge3A_390 = arith.cmpf oge, %get3A_385, %get3A_389 : f32
    %add3A_391 = arith.addf %get3A_385, %get3A_389 : f32
    %mul3A_392 = arith.constant 5.000000e-01 : f32
    %mul3A_393 = arith.mulf %add3A_391, %mul3A_392 : f32
    %jit3A_394 = arith.constant 0.000000e+00 : f32
    %select_n3A_395 = arith.select %ge3A_390, %mul3A_393, %jit3A_394 : f32
    %broadcast_in_dim3A_396 = vector.broadcast %select_n3A_395 : f32 to vector<1x4000xf32>
    %select_n3A_397 = arith.select %eq3A_365, %broadcast_in_dim3A_396, %select_n3A_346 : vector<1x4000xi1>, vector<1x4000xf32>
    %get3A_398 = arith.constant 7 : index
    %get3A_399 = arith.constant 2 : index
    %get3A_400 = vector.load %arg7[%get3A_398, %get3A_399] : memref<10x3xf32, #tpu.memory_space<vmem>>, vector<1x1xf32>
    %get3A_401 = vector.extract %get3A_400[0, 0] : f32 from vector<1x1xf32>
    %get3A_402 = arith.constant 7 : index
    %get3A_403 = arith.constant 2 : index
    %get3A_404 = vector.load %arg8[%get3A_402, %get3A_403] : memref<10x3xf32, #tpu.memory_space<vmem>>, vector<1x1xf32>
    %get3A_405 = vector.extract %get3A_404[0, 0] : f32 from vector<1x1xf32>
    %ge3A_406 = arith.cmpf oge, %get3A_401, %get3A_405 : f32
    %add3A_407 = arith.addf %get3A_401, %get3A_405 : f32
    %mul3A_408 = arith.constant 5.000000e-01 : f32
    %mul3A_409 = arith.mulf %add3A_407, %mul3A_408 : f32
    %jit3A_410 = arith.constant 0.000000e+00 : f32
    %select_n3A_411 = arith.select %ge3A_406, %mul3A_409, %jit3A_410 : f32
    %broadcast_in_dim3A_412 = vector.broadcast %select_n3A_411 : f32 to vector<1x4000xf32>
    %select_n3A_413 = arith.select %eq3A_365, %broadcast_in_dim3A_412, %select_n3A_362 : vector<1x4000xi1>, vector<1x4000xf32>
    %eq3A_414 = arith.constant 8.000000e+00 : f32
    %eq3A_415 = vector.broadcast %eq3A_414 : f32 to vector<1x4000xf32>
    %eq3A_416 = arith.cmpf oeq, %slice3A_7, %eq3A_415 : vector<1x4000xf32>
    %get3A_417 = arith.constant 8 : index
    %get3A_418 = arith.constant 0 : index
    %get3A_419 = vector.load %arg7[%get3A_417, %get3A_418] : memref<10x3xf32, #tpu.memory_space<vmem>>, vector<1x1xf32>
    %get3A_420 = vector.extract %get3A_419[0, 0] : f32 from vector<1x1xf32>
    %get3A_421 = arith.constant 8 : index
    %get3A_422 = arith.constant 0 : index
    %get3A_423 = vector.load %arg8[%get3A_421, %get3A_422] : memref<10x3xf32, #tpu.memory_space<vmem>>, vector<1x1xf32>
    %get3A_424 = vector.extract %get3A_423[0, 0] : f32 from vector<1x1xf32>
    %ge3A_425 = arith.cmpf oge, %get3A_420, %get3A_424 : f32
    %add3A_426 = arith.addf %get3A_420, %get3A_424 : f32
    %mul3A_427 = arith.constant 5.000000e-01 : f32
    %mul3A_428 = arith.mulf %add3A_426, %mul3A_427 : f32
    %jit3A_429 = arith.constant 0.000000e+00 : f32
    %select_n3A_430 = arith.select %ge3A_425, %mul3A_428, %jit3A_429 : f32
    %broadcast_in_dim3A_431 = vector.broadcast %select_n3A_430 : f32 to vector<1x4000xf32>
    %select_n3A_432 = arith.select %eq3A_416, %broadcast_in_dim3A_431, %select_n3A_381 : vector<1x4000xi1>, vector<1x4000xf32>
    %get3A_433 = arith.constant 8 : index
    %get3A_434 = arith.constant 1 : index
    %get3A_435 = vector.load %arg7[%get3A_433, %get3A_434] : memref<10x3xf32, #tpu.memory_space<vmem>>, vector<1x1xf32>
    %get3A_436 = vector.extract %get3A_435[0, 0] : f32 from vector<1x1xf32>
    %get3A_437 = arith.constant 8 : index
    %get3A_438 = arith.constant 1 : index
    %get3A_439 = vector.load %arg8[%get3A_437, %get3A_438] : memref<10x3xf32, #tpu.memory_space<vmem>>, vector<1x1xf32>
    %get3A_440 = vector.extract %get3A_439[0, 0] : f32 from vector<1x1xf32>
    %ge3A_441 = arith.cmpf oge, %get3A_436, %get3A_440 : f32
    %add3A_442 = arith.addf %get3A_436, %get3A_440 : f32
    %mul3A_443 = arith.constant 5.000000e-01 : f32
    %mul3A_444 = arith.mulf %add3A_442, %mul3A_443 : f32
    %jit3A_445 = arith.constant 0.000000e+00 : f32
    %select_n3A_446 = arith.select %ge3A_441, %mul3A_444, %jit3A_445 : f32
    %broadcast_in_dim3A_447 = vector.broadcast %select_n3A_446 : f32 to vector<1x4000xf32>
    %select_n3A_448 = arith.select %eq3A_416, %broadcast_in_dim3A_447, %select_n3A_397 : vector<1x4000xi1>, vector<1x4000xf32>
    %get3A_449 = arith.constant 8 : index
    %get3A_450 = arith.constant 2 : index
    %get3A_451 = vector.load %arg7[%get3A_449, %get3A_450] : memref<10x3xf32, #tpu.memory_space<vmem>>, vector<1x1xf32>
    %get3A_452 = vector.extract %get3A_451[0, 0] : f32 from vector<1x1xf32>
    %get3A_453 = arith.constant 8 : index
    %get3A_454 = arith.constant 2 : index
    %get3A_455 = vector.load %arg8[%get3A_453, %get3A_454] : memref<10x3xf32, #tpu.memory_space<vmem>>, vector<1x1xf32>
    %get3A_456 = vector.extract %get3A_455[0, 0] : f32 from vector<1x1xf32>
    %ge3A_457 = arith.cmpf oge, %get3A_452, %get3A_456 : f32
    %add3A_458 = arith.addf %get3A_452, %get3A_456 : f32
    %mul3A_459 = arith.constant 5.000000e-01 : f32
    %mul3A_460 = arith.mulf %add3A_458, %mul3A_459 : f32
    %jit3A_461 = arith.constant 0.000000e+00 : f32
    %select_n3A_462 = arith.select %ge3A_457, %mul3A_460, %jit3A_461 : f32
    %broadcast_in_dim3A_463 = vector.broadcast %select_n3A_462 : f32 to vector<1x4000xf32>
    %select_n3A_464 = arith.select %eq3A_416, %broadcast_in_dim3A_463, %select_n3A_413 : vector<1x4000xi1>, vector<1x4000xf32>
    %eq3A_465 = arith.constant 9.000000e+00 : f32
    %eq3A_466 = vector.broadcast %eq3A_465 : f32 to vector<1x4000xf32>
    %eq3A_467 = arith.cmpf oeq, %slice3A_7, %eq3A_466 : vector<1x4000xf32>
    %get3A_468 = arith.constant 9 : index
    %get3A_469 = arith.constant 0 : index
    %get3A_470 = vector.load %arg7[%get3A_468, %get3A_469] : memref<10x3xf32, #tpu.memory_space<vmem>>, vector<1x1xf32>
    %get3A_471 = vector.extract %get3A_470[0, 0] : f32 from vector<1x1xf32>
    %get3A_472 = arith.constant 9 : index
    %get3A_473 = arith.constant 0 : index
    %get3A_474 = vector.load %arg8[%get3A_472, %get3A_473] : memref<10x3xf32, #tpu.memory_space<vmem>>, vector<1x1xf32>
    %get3A_475 = vector.extract %get3A_474[0, 0] : f32 from vector<1x1xf32>
    %ge3A_476 = arith.cmpf oge, %get3A_471, %get3A_475 : f32
    %add3A_477 = arith.addf %get3A_471, %get3A_475 : f32
    %mul3A_478 = arith.constant 5.000000e-01 : f32
    %mul3A_479 = arith.mulf %add3A_477, %mul3A_478 : f32
    %jit3A_480 = arith.constant 0.000000e+00 : f32
    %select_n3A_481 = arith.select %ge3A_476, %mul3A_479, %jit3A_480 : f32
    %broadcast_in_dim3A_482 = vector.broadcast %select_n3A_481 : f32 to vector<1x4000xf32>
    %select_n3A_483 = arith.select %eq3A_467, %broadcast_in_dim3A_482, %select_n3A_432 : vector<1x4000xi1>, vector<1x4000xf32>
    %get3A_484 = arith.constant 9 : index
    %get3A_485 = arith.constant 1 : index
    %get3A_486 = vector.load %arg7[%get3A_484, %get3A_485] : memref<10x3xf32, #tpu.memory_space<vmem>>, vector<1x1xf32>
    %get3A_487 = vector.extract %get3A_486[0, 0] : f32 from vector<1x1xf32>
    %get3A_488 = arith.constant 9 : index
    %get3A_489 = arith.constant 1 : index
    %get3A_490 = vector.load %arg8[%get3A_488, %get3A_489] : memref<10x3xf32, #tpu.memory_space<vmem>>, vector<1x1xf32>
    %get3A_491 = vector.extract %get3A_490[0, 0] : f32 from vector<1x1xf32>
    %ge3A_492 = arith.cmpf oge, %get3A_487, %get3A_491 : f32
    %add3A_493 = arith.addf %get3A_487, %get3A_491 : f32
    %mul3A_494 = arith.constant 5.000000e-01 : f32
    %mul3A_495 = arith.mulf %add3A_493, %mul3A_494 : f32
    %jit3A_496 = arith.constant 0.000000e+00 : f32
    %select_n3A_497 = arith.select %ge3A_492, %mul3A_495, %jit3A_496 : f32
    %broadcast_in_dim3A_498 = vector.broadcast %select_n3A_497 : f32 to vector<1x4000xf32>
    %select_n3A_499 = arith.select %eq3A_467, %broadcast_in_dim3A_498, %select_n3A_448 : vector<1x4000xi1>, vector<1x4000xf32>
    %get3A_500 = arith.constant 9 : index
    %get3A_501 = arith.constant 2 : index
    %get3A_502 = vector.load %arg7[%get3A_500, %get3A_501] : memref<10x3xf32, #tpu.memory_space<vmem>>, vector<1x1xf32>
    %get3A_503 = vector.extract %get3A_502[0, 0] : f32 from vector<1x1xf32>
    %get3A_504 = arith.constant 9 : index
    %get3A_505 = arith.constant 2 : index
    %get3A_506 = vector.load %arg8[%get3A_504, %get3A_505] : memref<10x3xf32, #tpu.memory_space<vmem>>, vector<1x1xf32>
    %get3A_507 = vector.extract %get3A_506[0, 0] : f32 from vector<1x1xf32>
    %ge3A_508 = arith.cmpf oge, %get3A_503, %get3A_507 : f32
    %add3A_509 = arith.addf %get3A_503, %get3A_507 : f32
    %mul3A_510 = arith.constant 5.000000e-01 : f32
    %mul3A_511 = arith.mulf %add3A_509, %mul3A_510 : f32
    %jit3A_512 = arith.constant 0.000000e+00 : f32
    %select_n3A_513 = arith.select %ge3A_508, %mul3A_511, %jit3A_512 : f32
    %broadcast_in_dim3A_514 = vector.broadcast %select_n3A_513 : f32 to vector<1x4000xf32>
    %select_n3A_515 = arith.select %eq3A_467, %broadcast_in_dim3A_514, %select_n3A_464 : vector<1x4000xi1>, vector<1x4000xf32>
    %sub3A = arith.subf %slice3A_4, %select_n3A_483 : vector<1x4000xf32>
    %sub3A_516 = arith.subf %slice3A_5, %select_n3A_499 : vector<1x4000xf32>
    %sub3A_517 = arith.subf %slice3A_6, %select_n3A_515 : vector<1x4000xf32>
    %mul3A_518 = arith.mulf %slice3A, %slice3A : vector<1x4000xf32>
    %add3A_519 = arith.constant 9.99999996E-13 : f32
    %add3A_520 = vector.broadcast %add3A_519 : f32 to vector<1x4000xf32>
    %add3A_521 = arith.addf %mul3A_518, %add3A_520 : vector<1x4000xf32>
    %sqrt3A = math.sqrt %add3A_521 : vector<1x4000xf32>
    %lt3A = arith.constant 9.99999974E-5 : f32
    %lt3A_522 = vector.broadcast %lt3A : f32 to vector<1x4000xf32>
    %lt3A_523 = arith.cmpf olt, %sqrt3A, %lt3A_522 : vector<1x4000xf32>
    %jit3A_524 = arith.constant 1.000000e+00 : f32
    %broadcast_in_dim3A_525 = vector.broadcast %jit3A_524 : f32 to vector<1x4000xf32>
    %select_n3A_526 = arith.select %lt3A_523, %broadcast_in_dim3A_525, %sqrt3A : vector<1x4000xi1>, vector<1x4000xf32>
    %div3A = arith.constant 6.000000e+00 : f32
    %div3A_527 = vector.broadcast %div3A : f32 to vector<1x4000xf32>
    %div3A_528 = arith.divf %mul3A_518, %div3A_527 : vector<1x4000xf32>
    %sub3A_529 = arith.constant 1.000000e+00 : f32
    %sub3A_530 = vector.broadcast %sub3A_529 : f32 to vector<1x4000xf32>
    %sub3A_531 = arith.subf %sub3A_530, %div3A_528 : vector<1x4000xf32>
    %sin3A = math.sin %select_n3A_526 : vector<1x4000xf32>
    %div3A_532 = arith.divf %sin3A, %select_n3A_526 : vector<1x4000xf32>
    %select_n3A_533 = arith.select %lt3A_523, %sub3A_531, %div3A_532 : vector<1x4000xi1>, vector<1x4000xf32>
    %div3A_534 = arith.constant 2.400000e+01 : f32
    %div3A_535 = vector.broadcast %div3A_534 : f32 to vector<1x4000xf32>
    %div3A_536 = arith.divf %mul3A_518, %div3A_535 : vector<1x4000xf32>
    %sub3A_537 = arith.constant 5.000000e-01 : f32
    %sub3A_538 = vector.broadcast %sub3A_537 : f32 to vector<1x4000xf32>
    %sub3A_539 = arith.subf %sub3A_538, %div3A_536 : vector<1x4000xf32>
    %cos3A = math.cos %select_n3A_526 : vector<1x4000xf32>
    %sub3A_540 = arith.constant 1.000000e+00 : f32
    %sub3A_541 = vector.broadcast %sub3A_540 : f32 to vector<1x4000xf32>
    %sub3A_542 = arith.subf %sub3A_541, %cos3A : vector<1x4000xf32>
    %mul3A_543 = arith.mulf %select_n3A_526, %select_n3A_526 : vector<1x4000xf32>
    %div3A_544 = arith.divf %sub3A_542, %mul3A_543 : vector<1x4000xf32>
    %select_n3A_545 = arith.select %lt3A_523, %sub3A_539, %div3A_544 : vector<1x4000xi1>, vector<1x4000xf32>
    %mul3A_546 = arith.mulf %select_n3A_533, %slice3A : vector<1x4000xf32>
    %mul3A_547 = arith.mulf %select_n3A_545, %mul3A_518 : vector<1x4000xf32>
    %sub3A_548 = arith.constant 1.000000e+00 : f32
    %sub3A_549 = vector.broadcast %sub3A_548 : f32 to vector<1x4000xf32>
    %sub3A_550 = arith.subf %sub3A_549, %mul3A_547 : vector<1x4000xf32>
    %mul3A_551 = arith.mulf %sub3A_550, %sub3A : vector<1x4000xf32>
    %mul3A_552 = arith.mulf %mul3A_546, %sub3A_516 : vector<1x4000xf32>
    %sub3A_553 = arith.subf %mul3A_551, %mul3A_552 : vector<1x4000xf32>
    %mul3A_554 = arith.mulf %mul3A_546, %sub3A : vector<1x4000xf32>
    %mul3A_555 = arith.mulf %sub3A_550, %sub3A_516 : vector<1x4000xf32>
    %add3A_556 = arith.addf %mul3A_554, %mul3A_555 : vector<1x4000xf32>
    %add3A_557 = arith.addf %sub3A_553, %select_n3A_483 : vector<1x4000xf32>
    %slice3A_558 = vector.extract_strided_slice %get3A_3 {offsets = [0, 0], sizes = [1, 4000], strides = [1, 1]} : vector<8x4000xf32> to vector<1x4000xf32>
    %add3A_559 = arith.addf %add3A_557, %slice3A_558 : vector<1x4000xf32>
    %sub3A_560 = arith.subf %add3A_559, %slice3A_4 : vector<1x4000xf32>
    %add3A_561 = arith.addf %add3A_556, %select_n3A_499 : vector<1x4000xf32>
    %slice3A_562 = vector.extract_strided_slice %get3A_3 {offsets = [1, 0], sizes = [1, 4000], strides = [1, 1]} : vector<8x4000xf32> to vector<1x4000xf32>
    %add3A_563 = arith.addf %add3A_561, %slice3A_562 : vector<1x4000xf32>
    %sub3A_564 = arith.subf %add3A_563, %slice3A_5 : vector<1x4000xf32>
    %add3A_565 = arith.addf %sub3A_517, %select_n3A_515 : vector<1x4000xf32>
    %slice3A_566 = vector.extract_strided_slice %get3A_3 {offsets = [2, 0], sizes = [1, 4000], strides = [1, 1]} : vector<8x4000xf32> to vector<1x4000xf32>
    %add3A_567 = arith.addf %add3A_565, %slice3A_566 : vector<1x4000xf32>
    %sub3A_568 = arith.subf %add3A_567, %slice3A_6 : vector<1x4000xf32>
    %concatenate3A = tpu.concatenate %sub3A_560, %sub3A_564, %sub3A_568 in 0 : vector<1x4000xf32>, vector<1x4000xf32>, vector<1x4000xf32> -> vector<3x4000xf32>
    %swap3A = arith.constant 0 : index
    %swap3A_569 = arith.constant 0 : index
    %swap3A_570 = arith.constant 0 : index
    %swap3A_571 = vector.load %arg4[%swap3A, %swap3A_569, %swap3A_570] : memref<1x3x4000xf32, #tpu.memory_space<vmem>>, vector<1x3x4000xf32>
    %swap3A_572 = vector.shape_cast %swap3A_571 : vector<1x3x4000xf32> to vector<3x4000xf32>
    %swap3A_573 = vector.shape_cast %concatenate3A : vector<3x4000xf32> to vector<1x3x4000xf32>
    tpu.vector_store %arg4[%swap3A, %swap3A_569, %swap3A_570], %swap3A_573 {strides = array<i32>} : memref<1x3x4000xf32, #tpu.memory_space<vmem>>, vector<1x3x4000xf32>,
    %slice3A_574 = vector.extract_strided_slice %get3A_3 {offsets = [0, 0], sizes = [3, 4000], strides = [1, 1]} : vector<8x4000xf32> to vector<3x4000xf32>
    %swap3A_575 = arith.constant 0 : index
    %swap3A_576 = arith.constant 0 : index
    %swap3A_577 = arith.constant 0 : index
    %swap3A_578 = vector.load %arg5[%swap3A_575, %swap3A_576, %swap3A_577] : memref<1x3x4000xf32, #tpu.memory_space<vmem>>, vector<1x3x4000xf32>
    %swap3A_579 = vector.shape_cast %swap3A_578 : vector<1x3x4000xf32> to vector<3x4000xf32>
    %swap3A_580 = vector.shape_cast %slice3A_574 : vector<3x4000xf32> to vector<1x3x4000xf32>
    tpu.vector_store %arg5[%swap3A_575, %swap3A_576, %swap3A_577], %swap3A_580 {strides = array<i32>} : memref<1x3x4000xf32, #tpu.memory_space<vmem>>, vector<1x3x4000xf32>,
    %slice3A_581 = vector.extract_strided_slice %get3A_3 {offsets = [3, 0], sizes = [1, 4000], strides = [1, 1]} : vector<8x4000xf32> to vector<1x4000xf32>
    %swap3A_582 = arith.constant 0 : index
    %swap3A_583 = arith.constant 0 : index
    %swap3A_584 = arith.constant 0 : index
    %swap3A_585 = vector.load %arg6[%swap3A_582, %swap3A_583, %swap3A_584] : memref<1x1x4000xf32, #tpu.memory_space<vmem>>, vector<1x1x4000xf32>
    %swap3A_586 = vector.shape_cast %swap3A_585 : vector<1x1x4000xf32> to vector<1x4000xf32>
    %swap3A_587 = vector.shape_cast %slice3A_581 : vector<1x4000xf32> to vector<1x1x4000xf32>
    tpu.vector_store %arg6[%swap3A_582, %swap3A_583, %swap3A_584], %swap3A_587 {strides = array<i32>} : memref<1x1x4000xf32, #tpu.memory_space<vmem>>, vector<1x1x4000xf32>,
    return
  }
  func.func @transform_0(%arg0: i32) -> (i32, i32, i32) {
    %c0_i32 = arith.constant 0 : i32
    %c0_i32_0 = arith.constant 0 : i32
    %c0_i32_1 = arith.constant 0 : i32
    return %arg0, %c0_i32, %c0_i32_0 : i32, i32, i32
  }
  func.func @transform_1(%arg0: i32) -> (i32, i32, i32, i32) {
    %c0_i32 = arith.constant 0 : i32
    %c0_i32_0 = arith.constant 0 : i32
    %c0_i32_1 = arith.constant 0 : i32
    %c0_i32_2 = arith.constant 0 : i32
    %c0_i32_3 = arith.constant 0 : i32
    return %c0_i32, %c0_i32_0, %c0_i32_1, %c0_i32_2 : i32, i32, i32, i32
  }
  func.func @transform_2(%arg0: i32) -> (i32, i32, i32, i32) {
    %c0_i32 = arith.constant 0 : i32
    %c0_i32_0 = arith.constant 0 : i32
    %c0_i32_1 = arith.constant 0 : i32
    %c0_i32_2 = arith.constant 0 : i32
    %c0_i32_3 = arith.constant 0 : i32
    return %c0_i32, %c0_i32_0, %c0_i32_1, %c0_i32_2 : i32, i32, i32, i32
  }
  func.func @transform_3(%arg0: i32) -> (i32, i32, i32) {
    %c0_i32 = arith.constant 0 : i32
    %c0_i32_0 = arith.constant 0 : i32
    %c0_i32_1 = arith.constant 0 : i32
    return %arg0, %c0_i32, %c0_i32_0 : i32, i32, i32
  }
  func.func @transform_4(%arg0: i32) -> (i32, i32, i32) {
    %c0_i32 = arith.constant 0 : i32
    %c0_i32_0 = arith.constant 0 : i32
    %c0_i32_1 = arith.constant 0 : i32
    return %arg0, %c0_i32, %c0_i32_0 : i32, i32, i32
  }
  func.func @transform_5(%arg0: i32) -> (i32, i32, i32) {
    %c0_i32 = arith.constant 0 : i32
    %c0_i32_0 = arith.constant 0 : i32
    %c0_i32_1 = arith.constant 0 : i32
    return %arg0, %c0_i32, %c0_i32_0 : i32, i32, i32
  }
}

</mosaic_0001>

<sc_bundles>
// kernel: kernel.5.cloned.1.call-start
scs
__scs_entry_jumppad:
0x0: {  	(pc) =	sbr.rel $0x88, $3  }
0x1: {  	(tag) =	ssettag $0x0;
	lr =	simm.s32 $0x1  }
0x2: {  	[smem:$0x3F99] =	sst lr;
	_ =	strace $0xD0000000  }
0x3: {  	_ = 	snop  }
0x4: {  	_ = 	snop  }
0x5: {  	_ = 	snop  }
0x6: {  	_ = 	snop  }
0x7: {  	_ = 	snop  }
__scs_overlays_trampoline_lowered:
0x8: {  	[smem:$0x3FA8] =	sst s0  }
0x9: {  	[smem:$0x3FA9] =	sst s1  }
0xa: {  	[smem:$0x3FAA] =	sst s2  }
0xb: {  	[smem:$0x3FAB] =	sst s3  }
0xc: {  	[smem:$0x3FAC] =	sst s4  }
0xd: {  	[smem:$0x3FAD] =	sst s5  }
0xe: {  	[smem:$0x3FAE] =	sst s6  }
0xf: {  	[smem:$0x3FAF] =	sst s7  }
0x10: {  	[smem:$0x3FB0] =	sst s8  }
0x11: {  	[smem:$0x3FB1] =	sst s9;
	s0 =	simm.s32 @!p0 $0x0  }
0x12: {  	s1 =	sld [smem:$0x3F97];
	s0 =	simm.s32 @p0 $0x1  }
0x13: {  	[smem:$0x3FB2] =	sst s0;
	s0 =	simm.s32 @!p1 $0x0  }
0x14: {  	s2 =	sld [smem:$0x3F96];
	s0 =	simm.s32 @p1 $0x1  }
0x15: {  	[smem:$0x3FB3] =	sst s0;
	s0 =	simm.s32 @!p2 $0x0  }
0x16: {  	s3 =	sld [smem:$0x3FDB];
	s0 =	simm.s32 @p2 $0x1  }
0x17: {  	s4 =	simm.s32 $0x1BF5;
	[smem:$0x3FB5] =	sst s0  }
0x18: {  	s0 =	sld [smem:$0x3F98];
	_ =	swait.ge [sflag:s4], $0x0  }
0x19: {  	s7 =	sld [smem:$0x3F99]  }
0x1a: {  	s8 =	sadd.s32 $0xFFFFE003, lr  }
0x1b: {  	s9 =	sadd.s32 $0xFFFFFEF7, lr;
	s5 =	simm.s32 $0xFFFFFFFF;
	p2 =	slt.u32 s8, $0xFFFFF086  }
0x1c: {  	p1 =	slt.u32 s9, $0xF7A;
	s5 =	simm.s32 @!p2 $0x0  }
0x1d: {  	s5 =	simm.s32 @p1 $0x1;
	p0 =	seq.s32 s7, s2  }
0x1e: {  	s7 =	smul.u32 @!p0 $0xF7A, s2;
	p2 =	seq.s32 @!p0 s5, $0x0  }
0x1f: {  	s9 =	smul.u32 $0xF7A, s1;
	s8 =	simm.s32 @!p0 $0x1BF5;
	p2 =	por !p2, p0  }
0x20: {  	[sflag:s8] =	ssyncset.s32 @!p0 $0xFFFFF086;
	s6 =	sadd.s32 @!p0 s3, s7;
	s7 =	simm.s32 @!p0 $0x108  }
0x21: {  	s3 =	sadd.s32 s3, s9;
	s6 =	sadd.s32 @!p0 $0x88, s6;
	s7 =	simm.s32 @p2 $0x1082  }
0x22: {  	[simem:s7], [sflag:s8] =	dma.local @!p0 [hbm:s6], $0xF7A  }
0x23: {  	s9 =	sor.u32 $0xD0000000, s2;
	s6 =	simm.s32 $0x108;
	_ =	swait.ge @!p0 [sflag:s8], $0x0  }
0x24: {  	s3 =	sadd.s32 $0x88, s3;
	s6 =	simm.s32 @!p1 $0x1082;
	[sflag:s4] =	ssyncset.s32 $0xFFFFF086  }
0x25: {  	[simem:s6], [sflag:s4] =	dma.local [hbm:s3], $0xF7A  }
0x26: {  	[smem:$0x3F99] =	sst s1;
	(tag) =	ssettag s2;
	_ =	strace s9  }
0x27: {  	s1 =	sld [smem:$0x3FA9]  }
0x28: {  	s2 =	sld [smem:$0x3FAA]  }
0x29: {  	s4 =	sld [smem:$0x3FAC]  }
0x2a: {  	p0 =	seq.s32 s5, $0x0;
	s5 =	sld [smem:$0x3FAD]  }
0x2b: {  	s6 =	sld [smem:$0x3FAE]  }
0x2c: {  	s7 =	sld [smem:$0x3FAF]  }
0x2d: {  	s3 =	simm.s32 $0x108;
	s8 =	sld [smem:$0x3FB0]  }
0x2e: {  	s3 =	simm.s32 @!p0 $0x1082;
	s9 =	sld [smem:$0x3FB1]  }
0x2f: {  	lr =	sadd.s32 s0, s3;
	s0 =	sld [smem:$0x3FA8]  }
0x30: {  	s3 =	sld [smem:$0x3FAB]  }
0x31: {  	[smem:$0x3FB4] =	sst s10  }
0x32: {  	s10 =	sld [smem:$0x3FB2];
	_ =	sdelay $0x3  }
0x33: {  	p0 =	seq.s32 s10, $0x1;
	s10 =	sld [smem:$0x3FB4];
	_ =	sdelay $0x3  }
0x34: {  	[smem:$0x3FB4] =	sst s10  }
0x35: {  	s10 =	sld [smem:$0x3FB3];
	_ =	sdelay $0x3  }
0x36: {  	p1 =	seq.s32 s10, $0x1;
	s10 =	sld [smem:$0x3FB4];
	_ =	sdelay $0x3  }
0x37: {  	[smem:$0x3FB4] =	sst s10  }
0x38: {  	s10 =	sld [smem:$0x3FB5]  }
0x39: {  	_ = 	snop;
	(pc) =	sbr.ind lr, $3  }
0x3a: {  	_ = 	snop  }
0x3b: {  	_ = 	snop  }
0x3c: {  	p2 =	seq.s32 s10, $0x1;
	s10 =	sld [smem:$0x3FB4]  }
0x3d: {  	_ =	shalt  }
0x3e: {  	_ =	shalt  }
0x3f: {  	_ =	shalt  }
0x40: {  	_ =	shalt  }
0x41: {  	_ =	shalt  }
0x42: {  	_ =	shalt  }
0x43: {  	_ =	shalt  }
0x44: {  	_ =	shalt  }
0x45: {  	_ =	shalt  }
0x46: {  	_ =	shalt  }
0x47: {  	_ =	shalt  }
0x48: {  	_ =	shalt  }
0x49: {  	_ =	shalt  }
0x4a: {  	_ =	shalt  }
0x4b: {  	_ =	shalt  }
0x4c: {  	_ =	shalt  }
0x4d: {  	_ =	shalt  }
0x4e: {  	_ =	shalt  }
0x4f: {  	_ =	shalt  }
0x50: {  	_ =	shalt  }
0x51: {  	_ =	shalt  }
0x52: {  	_ =	shalt  }
0x53: {  	_ =	shalt  }
0x54: {  	_ =	shalt  }
0x55: {  	_ =	shalt  }
0x56: {  	_ =	shalt  }
0x57: {  	_ =	shalt  }
0x58: {  	_ =	shalt  }
0x59: {  	_ =	shalt  }
0x5a: {  	_ =	shalt  }
0x5b: {  	_ =	shalt  }
0x5c: {  	_ =	shalt  }
0x5d: {  	_ =	shalt  }
0x5e: {  	_ =	shalt  }
0x5f: {  	_ =	shalt  }
0x60: {  	_ =	shalt  }
0x61: {  	_ =	shalt  }
0x62: {  	_ =	shalt  }
0x63: {  	_ =	shalt  }
0x64: {  	_ =	shalt  }
0x65: {  	_ =	shalt  }
0x66: {  	_ =	shalt  }
0x67: {  	_ =	shalt  }
0x68: {  	_ =	shalt  }
0x69: {  	_ =	shalt  }
0x6a: {  	_ =	shalt  }
0x6b: {  	_ =	shalt  }
0x6c: {  	_ =	shalt  }
0x6d: {  	_ =	shalt  }
0x6e: {  	_ =	shalt  }
0x6f: {  	_ =	shalt  }
0x70: {  	_ =	shalt  }
0x71: {  	_ =	shalt  }
0x72: {  	_ =	shalt  }
0x73: {  	_ =	shalt  }
0x74: {  	_ =	shalt  }
0x75: {  	_ =	shalt  }
0x76: {  	_ =	shalt  }
0x77: {  	_ =	shalt  }
0x78: {  	_ =	shalt  }
0x79: {  	_ =	shalt  }
0x7a: {  	_ =	shalt  }
0x7b: {  	_ =	shalt  }
0x7c: {  	_ =	shalt  }
0x7d: {  	_ =	shalt  }
0x7e: {  	_ =	shalt  }
0x7f: {  	_ =	shalt  }
0x80: {  	_ =	shalt  }
0x81: {  	_ =	shalt  }
0x82: {  	_ =	shalt  }
0x83: {  	_ =	shalt  }
0x84: {  	_ =	shalt  }
0x85: {  	_ =	shalt  }
0x86: {  	_ =	shalt  }
0x87: {  	_ =	shalt  }
.Lfunc_end0:
.L_simem_size_0:
called_computation_lowered:
.L_overlay_start_0:
0x88: {  	s2 =	sld [smem:$0x3FD9]  }
0x89: {  	s3 =	sld [smem:$0x3FFE];
	_ =	sdelay $0x1  }
0x8a: {  	s1 =	srdreg.scid  }
0x8b: {  	s0 =	sand.u32 $0x1, s1  }
0x8c: {  	s14 =	sshll.u32 s0, $0xA;
	s2 =	sadd.s32 s3, s2  }
0x8d: {  	s2 =	sadd.s32 s2, s14  }
0x8e: {  	[smem:$0x3FC0] =	sst s2  }
0x8f: {  	_ = 	snop  }
0x90: {  	s2 =	sld [smem:$0x3FD0];
	_ =	sdelay $0x2  }
0x91: {  	s15 =	simm.s32 $0xA;
	s4 =	simm.s32 $0x10  }
0x92: {  	[smem:s4], [sflag:s15] =	dma.local [hbm:s2], $0x1  }
0x93: {  	_ =	swait.eq [sflag:s15], $0x1  }
0x94: {  	[sflag:s15] =	ssyncset.done $0x0  }
0x95: {  	s16 =	sld [smem:$0x10];
	[sflag:s15] =	ssyncadd.s32 $0xFFFFFFFF  }
0x96: {  	s17 =	sld [smem:$0x12];
	(tm) =	ssettm $0x1  }
0x97: {  	s18 =	sld [smem:$0x3FFB];
	_ =	sdelay $0x3  }
0x98: {  	_ =	strace s18  }
0x99: {  	s4 =	sld [smem:$0x3FFC];
	_ =	sdelay $0x3  }
0x9a: {  	_ =	strace s4  }
0x9b: {  	s4 =	sld [smem:$0x3FFD];
	_ =	sdelay $0x3  }
0x9c: {  	_ =	strace s4  }
0x9d: {  	_ =	strace $0x8FFFFFFF  }
0x9e: {  	s19 =	sld [smem:$0x3FDB];
	_ =	sdelay $0x1  }
0x9f: {  	s5 =	simm.s32 $_scs_section_size  }
0xa0: {  	s6 =	simm.s32 $_size__tile_overlayer_lowered;
	s7 =	simm.s32 $_tile_overlayer_lowered  }
0xa1: {  	s22 =	simm.s32 $0x1BFF;
	s21 =	sshll.u32 s7, $0x1;
	s4 =	sadd.s32 s5, s19  }
0xa2: {  	s8 =	simm.s32 $0x0;
	s20 =	sshll.u32 s6, $0x1;
	s6 =	sadd.s32 s21, s4  }
0xa3: {  	[timem:s8], [sflag:s22] =	dma.local [hbm:s6], s20  }
0xa4: {  	_ =	swait.ge [sflag:s22], s20  }
0xa5: {  	s5 =	ssub.s32 $0x0, s20;
	[sflag:s22] =	ssyncset.done $0x0  }
0xa6: {  	[sflag:s22] =	ssyncadd.s32 s5;
	_ =	sdelay $0x1  }
0xa7: {  	s23 =	simm.s32 $0x1B8B  }
0xa8: {  	_ =	swait.ge [sflag:s23], $0x1  }
0xa9: {  	[sflag:s23] =	ssyncset.done $0x0  }
0xaa: {  	s25 =	simm.s32 $0x1B8E;
	s24 =	sld [smem:$0x3FFE];
	[sflag:s23] =	ssyncadd.s32 $0xFFFFFFFF  }
0xab: {  	s26 =	simm.s32 $execute0_lowered;
	[smem:$0x3FD2] =	sst s25  }
0xac: {  	s6 =	sshll.u32 s26, $0x1;
	_ =	strace $0x80000046;
	[dreg:$0x1] =	wrdreg $0xFFFFFFFF  }
0xad: {  	s28 =	simm.s32 $_size_execute0_lowered;
	s4 =	sadd.s32 s4, s6;
	[dreg:$0x0] =	wrdreg $0x0  }
0xae: {  	s6 =	sshll.u32 s28, $0x1;
	[dreg:$0x2] =	wrdreg s4  }
0xaf: {  	[dreg:$0x3] =	wrdreg s6  }
0xb0: {  	[dreg:$0x4] =	wrdreg $0xC0  }
0xb1: {  	_ =	task [dreg:s8], $0x5FFFF  }
0xb2: {  	[dreg:$0x1] =	wrdreg $0xFFFFFFFF  }
0xb3: {  	[dreg:$0x0] =	wrdreg $0x60  }
0xb4: {  	[dreg:$0x2] =	wrdreg s24  }
0xb5: {  	[dreg:$0x3] =	wrdreg s17  }
0xb6: {  	[dreg:$0x4] =	wrdreg s16  }
0xb7: {  	[dreg:$0x5] =	wrdreg $0x9  }
0xb8: {  	_ =	task.clear_ibuf [dreg:s8], $0x6FFFF;
	_ =	strace $0x90000046  }
0xb9: {  	s29 =	simm.s32 $0x9;
	_ =	strace $0x80000048  }
0xba: {  	_ =	swait.ge [sflag:s29], $0x1  }
0xbb: {  	[sflag:s29] =	ssyncadd.s32 $0xFFFFFFFF  }
0xbc: {  	_ =	strace $0x90000048  }
0xbd: {  	_ =	sfence  }
0xbe: {  	s30 =	sld [smem:$0x0];
	_ =	sdelay $0x2  }
0xbf: {  	s31 =	sshll.u32 s1, $0xD;
	s1 =	sshrl.u32 s1, $0x2  }
0xc0: {  	s3 =	sand.u32 $0x4000, s31;
	s1 =	sadd.s32 s1, s30  }
0xc1: {  	s0 =	sor.u32 s3, s0;
	s1 =	sshll.u32 s1, $0x11  }
0xc2: {  	s0 =	sor.u32 s1, s0  }
0xc3: {  	s0 =	sadd.s32 $0x8F2B, s0  }
0xc4: {  	[sflag:s0] =	ssyncadd.remote.s32 $0x1  }
0xc5: {  	_ =	sfence.sel $0xFFFF  }
0xc6: {  	[dreg:$0x0] =	wrdreg $0xFFFFFFFF;
	(pc) =	sbr.abs _section_cstart, $3  }
0xc7: {  	[dreg:$0x1] =	wrdreg $0xFFFFFFFF  }
0xc8: {  	_ =	task.clear_ibuf [dreg:s8], $0x2FFFF;
	_ =	strace $0x9FFFFFFF  }
0xc9: {  	(tm) =	ssettm $0x7FFFFFFF  }
tec
execute0_lowered:
.L_overlay_start_1:
0x0: {  	(tag) =	ssettag $0x1  }
0x1: {  	s0 =	rddreg [dreg:$0x0]  }
0x2: {  	s1 =	rddreg [dreg:$0x1]  }
0x3: {  	s5 =	rddreg [dreg:$0x2]  }
0x4: {  	s3 =	srdreg.scid;
	s4 =	stileid.u32;
	s2 =	simm.s32 $0x0  }
0x5: {  	s10 =	simm.s32 $0x8400;
	s11 =	simm.s32 $0x8600;
	s12 =	simm.s32 $0x8800  }
0x6: {  	s13 =	simm.s32 $0x8A00;
	s14 =	simm.s32 $0x8C00;
	s15 =	simm.s32 $0x8E00  }
0x7: {  	s16 =	simm.s32 $0x9000;
	s17 =	simm.s32 $0x9200;
	s18 =	simm.s32 $0x9400  }
0x8: {  	s19 =	simm.s32 $0x9600;
	s20 =	simm.s32 $0x9800;
	s21 =	simm.s32 $0x9A00  }
0x9: {  	s22 =	simm.s32 $0x9C00;
	s23 =	simm.s32 $0x9E00;
	s24 =	simm.s32 $0xA000  }
0xa: {  	s25 =	simm.s32 $0xA200;
	s26 =	simm.s32 $0xA400;
	s28 =	simm.s32 $0xA600  }
0xb: {  	s29 =	simm.s32 $0x0;
	s3 =	sand.u32 $0x1, s3;
	s4 =	sshll.u32 s4, $0x1  }
0xc: {  	[smem:$0x7FF] =	sst s2;
	s7 =	sor.u32 s3, s4;
	s3 =	ssub.s32 $0x2, s3  }
.Ltmp0:
0xd: {  	_ =	strace $0x80000047;
	s4 =	sshll.u32 s7, $0xC;
	(pc) =	sbr.rel .LBB2_1-.Ltmp0, $4  }
0xe: {  	s6 =	sshrl.u32 s3, $0x1;
	s8 =	smul.u32 $0x280, s7;
	p0 =	sgt.u32 s7, $0x18  }
0xf: {  	s7 =	simm.s32 $0x1;
	s0 =	sadd.s32 s4, s0;
	s6 =	ssub.s32 s3, s6  }
0x10: {  	s3 =	sadd.s32 $0xE00, s0;
	s4 =	sadd.s32 s1, s8;
	s5 =	sadd.s32 s5, s8  }
0x11: {  	v0 =	vimm.f32 $-3.000000010e+38;
	v1 =	vimm.f32 $3.000000010e+38;
	s6 =	smax.u32 s6, $0x1;
	s1 =	simm.s32 $0x8000;
	s8 =	simm.s32 $0x8200  }
.LBB2_12:
0x12: {  	s0 =	sshll.u32 s8, $0x4;
	s31 =	sadd.s32 $0x80, s30  }
0x13: {  	s0 =	sadd.s32 s0, s31  }
0x14: {  	s1 =	sand.u32 $0x70, s1;
	s8 =	sand.u32 $0x7C00, s31;
	s0 =	sor.u32 $0x380, s0  }
0x15: {  	s1 =	sor.u32 s1, s8;
	v17 =	vld [tilespmem:s0+$0x0]  }
0x16: {  	v18 =	vnsel vm1, $0xFF61B1E6, v12;
	v19 =	vld [tilespmem:s1+$0x200]  }
0x17: {  	v20 =	vnsel vm1, $0x7F61B1E6, v12;
	v21 =	vnsel vm0, $0x7F61B1E6, v12;
	v22 =	vnsel vm1, $0xFF61B1E6, v15;
	v23 =	vld [tilespmem:s1+$0x280]  }
0x18: {  	v24 =	vnsel vm1, $0x7F61B1E6, v15;
	v25 =	vnsel vm1, $0xFF61B1E6, v16;
	v46 =	vnsel vm0, $0xFF61B1E6, v15;
	v26 =	vld [tilespmem:s1+$0x300]  }
0x19: {  	v47 =	vnsel vm0, $0xFF61B1E6, v16;
	v48 =	vnsel vm1, $0x7F61B1E6, v16;
	v49 =	vnsel vm0, $0xFF61B1E6, v12  }
0x1a: {  	v51 =	vnsel vm0, $0x7F61B1E6, v15;
	v53 =	vnsel vm0, $0x7F61B1E6, v16;
	vm14 =	veq.f32 v17, $8.000000000e+00  }
0x1b: {  	v10 =	vmax.f32 v10, v22;
	v13 =	vmax.f32 v13, v25;
	v50 =	vnsel vm14, $0xFF61B1E6, v19  }
0x1c: {  	v14 =	vmax.f32 v14, v18;
	v52 =	vnsel vm14, $0xFF61B1E6, v23;
	v10 =	vmax.f32 v10, v50  }
0x1d: {  	v9 =	vmin.f32 v9, v48;
	v54 =	vnsel vm14, $0xFF61B1E6, v26;
	v13 =	vmax.f32 v13, v52;
	[tilespmem:$0x9000] =	vst v10  }
0x1e: {  	v8 =	vmin.f32 v8, v20;
	v56 =	vnsel vm14, $0x7F61B1E6, v23;
	v14 =	vmax.f32 v14, v54;
	[tilespmem:$0x9080] =	vst v13  }
0x1f: {  	vm15 =	veq.f32 v17, $9.000000000e+00;
	v57 =	vnsel vm14, $0x7F61B1E6, v26;
	v9 =	vmin.f32 v9, v56;
	[tilespmem:$0x9100] =	vst v14  }
0x20: {  	v7 =	vmax.f32 v7, v46;
	v58 =	vnsel vm15, $0xFF61B1E6, v19;
	v8 =	vmin.f32 v8, v57;
	[tilespmem:$0xA480] =	vst v9  }
0x21: {  	v5 =	vmax.f32 v5, v47;
	v59 =	vnsel vm15, $0xFF61B1E6, v23;
	v7 =	vmax.f32 v7, v58;
	[tilespmem:$0xA500] =	vst v8  }
0x22: {  	v6 =	vmax.f32 v6, v49;
	v60 =	vnsel vm15, $0xFF61B1E6, v26;
	v5 =	vmax.f32 v5, v59;
	[tilespmem:$0x9200] =	vst v7  }
0x23: {  	v4 =	vmin.f32 v4, v51;
	v61 =	vnsel vm15, $0x7F61B1E6, v19;
	v6 =	vmax.f32 v6, v60;
	[tilespmem:$0x9280] =	vst v5  }
0x24: {  	v3 =	vmin.f32 v3, v53;
	v62 =	vnsel vm15, $0x7F61B1E6, v23;
	v4 =	vmin.f32 v4, v61;
	[tilespmem:$0x9300] =	vst v6  }
0x25: {  	v2 =	vmin.f32 v2, v21;
	v63 =	vnsel vm15, $0x7F61B1E6, v26;
	v3 =	vmin.f32 v3, v62;
	[tilespmem:$0xA600] =	vst v4  }
0x26: {  	v11 =	vmin.f32 v11, v24;
	v55 =	vnsel vm14, $0x7F61B1E6, v19;
	v2 =	vmin.f32 v2, v63;
	[tilespmem:$0xA680] =	vst v3  }
0x27: {  	v10 =	vmin.f32 v11, v55;
	[tilespmem:$0xA700] =	vst v2  }
0x28: {  	s8 =	simm.s32 $0x8200;
	s1 =	simm.s32 $0x8000;
	[tilespmem:$0xA400] =	vst v10  }
.LBB2_13:
0x29: {  	[hbm4b:s4+s2] =	stream.linear.scatter [tilespmem:s1], [sflag:$0x1], $0x180, $0x38;
	[tilespmem:$0xA800] =	vst v63  }
0x2a: {  	s0 =	sadd.s32 $0x40, s4  }
0x2b: {  	[hbm4b:s0+s2] =	stream.linear.scatter [tilespmem:s8], [sflag:$0x1], $0x180, $0x38;
	[tilespmem:$0xA800] =	vst v63  }
0x2c: {  	s30 =	sadd.s32 $0x80, s4  }
0x2d: {  	[hbm4b:s30+s2] =	stream.linear.scatter [tilespmem:s10], [sflag:$0x1], $0x180, $0x38;
	[tilespmem:$0xA800] =	vst v63  }
0x2e: {  	s31 =	sadd.s32 $0xC0, s4  }
0x2f: {  	[hbm4b:s31+s2] =	stream.linear.scatter [tilespmem:s11], [sflag:$0x1], $0x180, $0x38;
	[tilespmem:$0xA800] =	vst v63  }
0x30: {  	s9 =	sadd.s32 $0x100, s4  }
0x31: {  	[hbm4b:s9+s2] =	stream.linear.scatter [tilespmem:s12], [sflag:$0x1], $0x180, $0x38;
	[tilespmem:$0xA800] =	vst v63  }
0x32: {  	s30 =	sadd.s32 $0x140, s4  }
0x33: {  	[hbm4b:s30+s2] =	stream.linear.scatter [tilespmem:s13], [sflag:$0x1], $0x180, $0x38;
	[tilespmem:$0xA800] =	vst v63  }
0x34: {  	s31 =	sadd.s32 $0x180, s4  }
0x35: {  	[hbm4b:s31+s2] =	stream.linear.scatter [tilespmem:s14], [sflag:$0x1], $0x180, $0x38;
	[tilespmem:$0xA800] =	vst v63  }
0x36: {  	s9 =	sadd.s32 $0x1C0, s4  }
0x37: {  	[hbm4b:s9+s2] =	stream.linear.scatter [tilespmem:s15], [sflag:$0x1], $0x180, $0x38;
	[tilespmem:$0xA800] =	vst v63  }
0x38: {  	s30 =	sadd.s32 $0x200, s4  }
0x39: {  	[hbm4b:s30+s2] =	stream.linear.scatter [tilespmem:s16], [sflag:$0x1], $0x180, $0x38;
	[tilespmem:$0xA800] =	vst v63  }
0x3a: {  	s31 =	sadd.s32 $0x240, s4  }
0x3b: {  	[hbm4b:s31+s2] =	stream.linear.scatter [tilespmem:s17], [sflag:$0x1], $0x180, $0x38;
	[tilespmem:$0xA800] =	vst v63  }
0x3c: {  	_ =	swait.ge [sflag:s7], $0xF00  }
0x3d: {  	[sflag:s7] =	ssyncset.done $0x0  }
0x3e: {  	[sflag:s7] =	ssyncadd.s32 $0xFFFFF100  }
0x3f: {  	[hbm4b:s5+s2] =	stream.linear.scatter [tilespmem:s18], [sflag:$0x1], $0x180, $0x38;
	[tilespmem:$0xA800] =	vst v63  }
0x40: {  	s9 =	sadd.s32 $0x40, s5  }
0x41: {  	[hbm4b:s9+s2] =	stream.linear.scatter [tilespmem:s19], [sflag:$0x1], $0x180, $0x38;
	[tilespmem:$0xA800] =	vst v63  }
0x42: {  	s30 =	sadd.s32 $0x80, s5  }
0x43: {  	[hbm4b:s30+s2] =	stream.linear.scatter [tilespmem:s20], [sflag:$0x1], $0x180, $0x38;
	[tilespmem:$0xA800] =	vst v63  }
0x44: {  	s31 =	sadd.s32 $0xC0, s5  }
0x45: {  	[hbm4b:s31+s2] =	stream.linear.scatter [tilespmem:s21], [sflag:$0x1], $0x180, $0x38;
	[tilespmem:$0xA800] =	vst v63  }
0x46: {  	s9 =	sadd.s32 $0x100, s5  }
0x47: {  	[hbm4b:s9+s2] =	stream.linear.scatter [tilespmem:s22], [sflag:$0x1], $0x180, $0x38;
	[tilespmem:$0xA800] =	vst v63  }
0x48: {  	s30 =	sadd.s32 $0x140, s5  }
0x49: {  	[hbm4b:s30+s2] =	stream.linear.scatter [tilespmem:s23], [sflag:$0x1], $0x180, $0x38;
	[tilespmem:$0xA800] =	vst v63  }
0x4a: {  	s31 =	sadd.s32 $0x180, s5  }
0x4b: {  	[hbm4b:s31+s2] =	stream.linear.scatter [tilespmem:s24], [sflag:$0x1], $0x180, $0x38;
	[tilespmem:$0xA800] =	vst v63  }
0x4c: {  	s29 =	sadd.s32 $0x1, s29;
	s9 =	sadd.s32 $0x1C0, s5  }
0x4d: {  	[hbm4b:s9+s2] =	stream.linear.scatter [tilespmem:s25], [sflag:$0x1], $0x180, $0x38;
	[tilespmem:$0xA800] =	vst v63  }
0x4e: {  	p1 =	sne.s32 s29, s6;
	s30 =	sadd.s32 $0x200, s5  }
0x4f: {  	[hbm4b:s30+s2] =	stream.linear.scatter [tilespmem:s26], [sflag:$0x1], $0x180, $0x38;
	[tilespmem:$0xA800] =	vst v63  }
.Ltmp1:
0x50: {  	s31 =	sadd.s32 $0x240, s5;
	(pc) =	sbr.rel @!p1 .LBB2_14-.Ltmp1, $4  }
0x51: {  	[hbm4b:s31+s2] =	stream.linear.scatter [tilespmem:s28], [sflag:$0x1], $0x180, $0x38;
	[tilespmem:$0xA800] =	vst v63  }
0x52: {  	_ =	swait.ge [sflag:s7], $0xF00  }
0x53: {  	[sflag:s7] =	ssyncset.done $0x0  }
0x54: {  	[sflag:s7] =	ssyncadd.s32 $0xFFFFF100  }
.LBB2_1:
0x55: {  	[tilespmem:$0x8000] =	vst v0  }
0x56: {  	[tilespmem:$0x9400] =	vst v1  }
0x57: {  	[tilespmem:$0x8080] =	vst v0  }
0x58: {  	[tilespmem:$0x9480] =	vst v1  }
0x59: {  	[tilespmem:$0x8100] =	vst v0  }
0x5a: {  	[tilespmem:$0x9500] =	vst v1  }
0x5b: {  	[tilespmem:$0x8200] =	vst v0  }
0x5c: {  	[tilespmem:$0x9600] =	vst v1  }
0x5d: {  	[tilespmem:$0x8280] =	vst v0  }
0x5e: {  	[tilespmem:$0x9680] =	vst v1  }
0x5f: {  	[tilespmem:$0x8300] =	vst v0  }
0x60: {  	[tilespmem:$0x9700] =	vst v1  }
0x61: {  	[tilespmem:$0x8400] =	vst v0  }
0x62: {  	[tilespmem:$0x9800] =	vst v1  }
0x63: {  	[tilespmem:$0x8480] =	vst v0  }
0x64: {  	[tilespmem:$0x9880] =	vst v1  }
0x65: {  	[tilespmem:$0x8500] =	vst v0  }
0x66: {  	[tilespmem:$0x9900] =	vst v1  }
0x67: {  	[tilespmem:$0x8600] =	vst v0  }
0x68: {  	[tilespmem:$0x9A00] =	vst v1  }
0x69: {  	[tilespmem:$0x8680] =	vst v0  }
0x6a: {  	[tilespmem:$0x9A80] =	vst v1  }
0x6b: {  	[tilespmem:$0x8700] =	vst v0  }
0x6c: {  	[tilespmem:$0x9B00] =	vst v1  }
0x6d: {  	[tilespmem:$0x8800] =	vst v0  }
0x6e: {  	[tilespmem:$0x9C00] =	vst v1  }
0x6f: {  	[tilespmem:$0x8880] =	vst v0  }
0x70: {  	[tilespmem:$0x9C80] =	vst v1  }
0x71: {  	[tilespmem:$0x8900] =	vst v0  }
0x72: {  	[tilespmem:$0x9D00] =	vst v1  }
0x73: {  	[tilespmem:$0x8A00] =	vst v0  }
0x74: {  	[tilespmem:$0x9E00] =	vst v1  }
0x75: {  	[tilespmem:$0x8A80] =	vst v0  }
0x76: {  	[tilespmem:$0x9E80] =	vst v1  }
0x77: {  	[tilespmem:$0x8B00] =	vst v0  }
0x78: {  	[tilespmem:$0x9F00] =	vst v1  }
0x79: {  	[tilespmem:$0x8C00] =	vst v0  }
0x7a: {  	[tilespmem:$0xA000] =	vst v1  }
0x7b: {  	[tilespmem:$0x8C80] =	vst v0  }
0x7c: {  	[tilespmem:$0xA080] =	vst v1  }
0x7d: {  	[tilespmem:$0x8D00] =	vst v0  }
0x7e: {  	[tilespmem:$0xA100] =	vst v1  }
0x7f: {  	[tilespmem:$0x8E00] =	vst v0  }
0x80: {  	[tilespmem:$0xA200] =	vst v1  }
0x81: {  	[tilespmem:$0x8E80] =	vst v0  }
0x82: {  	[tilespmem:$0xA280] =	vst v1  }
0x83: {  	[tilespmem:$0x8F00] =	vst v0  }
0x84: {  	[tilespmem:$0xA300] =	vst v1  }
0x85: {  	[tilespmem:$0x9000] =	vst v0  }
0x86: {  	[tilespmem:$0xA400] =	vst v1  }
0x87: {  	[tilespmem:$0x9080] =	vst v0  }
0x88: {  	[tilespmem:$0xA480] =	vst v1  }
0x89: {  	[tilespmem:$0x9100] =	vst v0  }
0x8a: {  	[tilespmem:$0xA500] =	vst v1  }
0x8b: {  	[tilespmem:$0x9200] =	vst v0  }
.Ltmp2:
0x8c: {  	[tilespmem:$0xA600] =	vst v1;
	(pc) =	sbr.rel @p0 .LBB2_13-.Ltmp2, $4  }
0x8d: {  	[tilespmem:$0x9280] =	vst v0  }
0x8e: {  	[tilespmem:$0xA680] =	vst v1  }
0x8f: {  	[tilespmem:$0x9300] =	vst v0  }
0x90: {  	[tilespmem:$0xA700] =	vst v1  }
0x91: {  	s30 =	simm.s32 $0x0  }
0x92: {  	[tilespmem:s30], [sflag:$0x1] =	stream.linear.gather [hbm4b:s3+s30], $0x8000, $0x38;
	[tilespmem:$0xA800] =	vst v63  }
0x93: {  	s0 =	sand.u32 $0x7, s30  }
0x94: {  	_ =	swait.ge [sflag:s7], $0x8000;
	s0 =	sshll.u32 s0, $0x4  }
0x95: {  	s9 =	sand.u32 $0x70, s30;
	[sflag:s7] =	ssyncset.done $0x0;
	s0 =	sadd.s32 $0x0, s0  }
0x96: {  	s1 =	sand.u32 $0x7C00, s30;
	[sflag:s7] =	ssyncadd.s32 $0xFFFF8000;
	s0 =	sor.u32 $0x380, s0  }
0x97: {  	v3 =	vld [tilespmem:s0+$0x0];
	s0 =	sor.u32 s9, s1  }
0x98: {  	v10 =	vimm.f32 $-3.000000010e+38;
	v2 =	vimm.f32 $3.000000010e+38;
	v12 =	vld [tilespmem:s0+$0x300]  }
0x99: {  	v13 =	vimm.f32 $-3.000000010e+38;
	v14 =	vimm.f32 $-3.000000010e+38;
	v11 =	vimm.f32 $3.000000010e+38;
	v15 =	vld [tilespmem:s0+$0x200]  }
0x9a: {  	v9 =	vimm.f32 $3.000000010e+38;
	v8 =	vimm.f32 $3.000000010e+38;
	v7 =	vimm.f32 $-3.000000010e+38;
	v16 =	vld [tilespmem:s0+$0x280]  }
0x9b: {  	s31 =	simm.s32 $0x1;
	v5 =	vimm.f32 $-3.000000010e+38;
	v6 =	vimm.f32 $-3.000000010e+38;
	v4 =	vimm.f32 $3.000000010e+38  }
0x9c: {  	s8 =	sand.u32 $0x7, s31;
	s1 =	simm.s32 $0x10;
	s0 =	simm.s32 $0x20;
	vm1 =	veq.f32 v3, $0.0e+00;
	vm0 =	veq.f32 v3, $1.000000000e+00;
	v3 =	vimm.f32 $3.000000010e+38  }
.LBB2_3:
0x9d: {  	p1 =	sne.s32 s0, $0xF90;
	s8 =	sshll.u32 s8, $0x4;
	v17 =	vnsel vm1, $0xFF61B1E6, v12;
	v18 =	vnsel vm1, $0x7F61B1E6, v12;
	v19 =	vnsel vm0, $0x7F61B1E6, v12;
	s30 =	sadd.s32 $0x80, s30  }
0x9e: {  	s8 =	sadd.s32 s8, s30;
	v20 =	vnsel vm1, $0xFF61B1E6, v15;
	v21 =	vnsel vm1, $0x7F61B1E6, v15;
	v2 =	vmin.f32 v2, v19  }
0x9f: {  	s1 =	sand.u32 $0x70, s1;
	s9 =	sand.u32 $0x7C00, s30;
	v22 =	vnsel vm0, $0xFF61B1E6, v15;
	s8 =	sor.u32 $0x380, s8;
	v19 =	vnsel vm1, $0xFF61B1E6, v16;
	v23 =	vnsel vm0, $0xFF61B1E6, v16  }
0xa0: {  	v26 =	vnsel vm0, $0xFF61B1E6, v12;
	v27 =	vnsel vm0, $0x7F61B1E6, v15;
	s9 =	sor.u32 s1, s9;
	v25 =	vnsel vm1, $0x7F61B1E6, v16;
	s1 =	smov.u32 s0;
	v24 =	vld [tilespmem:s8+$0x0]  }
.Ltmp3:
0xa1: {  	v10 =	vmax.f32 v10, v20;
	v13 =	vmax.f32 v13, v19;
	v19 =	vnsel vm0, $0x7F61B1E6, v16;
	v12 =	vld [tilespmem:s9+$0x300];
	(pc) =	sbr.rel @p1 .LBB2_3-.Ltmp3, $4  }
0xa2: {  	v14 =	vmax.f32 v14, v17;
	v11 =	vmin.f32 v11, v21;
	v9 =	vmin.f32 v9, v25;
	v15 =	vld [tilespmem:s9+$0x200]  }
0xa3: {  	v8 =	vmin.f32 v8, v18;
	v7 =	vmax.f32 v7, v22;
	v5 =	vmax.f32 v5, v23;
	v16 =	vld [tilespmem:s9+$0x280]  }
0xa4: {  	s31 =	sadd.s32 $0x1, s31;
	v6 =	vmax.f32 v6, v26;
	v4 =	vmin.f32 v4, v27;
	v3 =	vmin.f32 v3, v19  }
0xa5: {  	s0 =	sadd.s32 $0x10, s0;
	s8 =	sand.u32 $0x7, s31;
	vm1 =	veq.f32 v24, $0.0e+00;
	vm0 =	veq.f32 v24, $1.000000000e+00  }
0xa6: {  	s0 =	sshll.u32 s8, $0x4;
	s9 =	sadd.s32 $0x80, s30  }
0xa7: {  	s0 =	sadd.s32 s0, s9  }
0xa8: {  	s1 =	sand.u32 $0x70, s1;
	s8 =	sand.u32 $0x7C00, s9;
	s0 =	sor.u32 $0x380, s0  }
0xa9: {  	s1 =	sor.u32 s1, s8;
	v17 =	vld [tilespmem:s0+$0x0]  }
0xaa: {  	v18 =	vnsel vm1, $0xFF61B1E6, v12;
	v19 =	vld [tilespmem:s1+$0x200]  }
0xab: {  	v20 =	vnsel vm1, $0x7F61B1E6, v12;
	v21 =	vnsel vm0, $0x7F61B1E6, v12;
	v12 =	vnsel vm0, $0xFF61B1E6, v12;
	v23 =	vld [tilespmem:s1+$0x280]  }
0xac: {  	v22 =	vnsel vm1, $0xFF61B1E6, v15;
	v24 =	vnsel vm1, $0x7F61B1E6, v15;
	v59 =	vnsel vm0, $0xFF61B1E6, v15;
	v26 =	vld [tilespmem:s1+$0x300]  }
0xad: {  	v14 =	vmax.f32 v14, v18;
	v15 =	vnsel vm0, $0x7F61B1E6, v15;
	v8 =	vmin.f32 v8, v20  }
0xae: {  	v25 =	vnsel vm1, $0xFF61B1E6, v16;
	v18 =	vnsel vm1, $0x7F61B1E6, v16;
	vm1 =	veq.f32 v17, $0.0e+00  }
0xaf: {  	v10 =	vmax.f32 v10, v22;
	v60 =	vnsel vm0, $0xFF61B1E6, v16;
	v61 =	vnsel vm1, $0xFF61B1E6, v19  }
0xb0: {  	v13 =	vmax.f32 v13, v25;
	v62 =	vnsel vm1, $0xFF61B1E6, v23;
	v10 =	vmax.f32 v10, v61  }
0xb1: {  	v11 =	vmin.f32 v11, v24;
	v63 =	vnsel vm1, $0xFF61B1E6, v26;
	v13 =	vmax.f32 v13, v62;
	[tilespmem:$0x8000] =	vst v10  }
0xb2: {  	v16 =	vnsel vm0, $0x7F61B1E6, v16;
	v14 =	vmax.f32 v14, v63;
	v10 =	vnsel vm1, $0x7F61B1E6, v19;
	[tilespmem:$0x8080] =	vst v13  }
0xb3: {  	v9 =	vmin.f32 v9, v18;
	v13 =	vnsel vm1, $0x7F61B1E6, v23;
	[tilespmem:$0x8100] =	vst v14;
	v10 =	vmin.f32 v11, v10  }
0xb4: {  	vm0 =	veq.f32 v17, $1.000000000e+00;
	v11 =	vnsel vm1, $0x7F61B1E6, v26;
	v9 =	vmin.f32 v9, v13;
	[tilespmem:$0x9400] =	vst v10  }
0xb5: {  	v7 =	vmax.f32 v7, v59;
	v10 =	vnsel vm0, $0xFF61B1E6, v19;
	v8 =	vmin.f32 v8, v11;
	[tilespmem:$0x9480] =	vst v9  }
0xb6: {  	v5 =	vmax.f32 v5, v60;
	v9 =	vnsel vm0, $0xFF61B1E6, v23;
	v7 =	vmax.f32 v7, v10;
	[tilespmem:$0x9500] =	vst v8  }
0xb7: {  	v6 =	vmax.f32 v6, v12;
	v8 =	vnsel vm0, $0xFF61B1E6, v26;
	v5 =	vmax.f32 v5, v9;
	[tilespmem:$0x8200] =	vst v7  }
0xb8: {  	s30 =	simm.s32 $0x0;
	v4 =	vmin.f32 v4, v15;
	v7 =	vnsel vm0, $0x7F61B1E6, v19;
	v6 =	vmax.f32 v6, v8;
	[tilespmem:$0x8280] =	vst v5  }
0xb9: {  	v3 =	vmin.f32 v3, v16;
	s1 =	sand.u32 $0x7, s30;
	v5 =	vnsel vm0, $0x7F61B1E6, v23;
	v4 =	vmin.f32 v4, v7;
	[tilespmem:$0x8300] =	vst v6  }
0xba: {  	v2 =	vmin.f32 v2, v21;
	s0 =	sshll.u32 s1, $0x4;
	v6 =	vnsel vm0, $0x7F61B1E6, v26;
	v3 =	vmin.f32 v3, v5;
	[tilespmem:$0x9600] =	vst v4  }
0xbb: {  	s0 =	sadd.s32 $0x0, s0;
	v2 =	vmin.f32 v2, v6;
	[tilespmem:$0x9680] =	vst v3  }
0xbc: {  	s9 =	sand.u32 $0x7C00, s30;
	s8 =	sand.u32 $0x70, s30;
	s0 =	sor.u32 $0x380, s0;
	[tilespmem:$0x9700] =	vst v2  }
0xbd: {  	v3 =	vld [tilespmem:s0+$0x0];
	s0 =	sor.u32 s8, s9  }
0xbe: {  	v14 =	vimm.f32 $-3.000000010e+38;
	v13 =	vimm.f32 $-3.000000010e+38;
	v12 =	vld [tilespmem:s0+$0x300]  }
0xbf: {  	v11 =	vimm.f32 $3.000000010e+38;
	v10 =	vimm.f32 $-3.000000010e+38;
	v9 =	vimm.f32 $3.000000010e+38;
	v15 =	vld [tilespmem:s0+$0x200]  }
0xc0: {  	v8 =	vimm.f32 $3.000000010e+38;
	v7 =	vimm.f32 $-3.000000010e+38;
	v5 =	vimm.f32 $-3.000000010e+38;
	v16 =	vld [tilespmem:s0+$0x280]  }
0xc1: {  	s31 =	simm.s32 $0x1;
	v6 =	vimm.f32 $-3.000000010e+38;
	v4 =	vimm.f32 $3.000000010e+38;
	v2 =	vimm.f32 $3.000000010e+38  }
0xc2: {  	s1 =	simm.s32 $0x10;
	s8 =	sand.u32 $0x7, s31;
	s0 =	simm.s32 $0x20;
	vm1 =	veq.f32 v3, $2.000000000e+00;
	vm0 =	veq.f32 v3, $3.000000000e+00;
	v3 =	vimm.f32 $3.000000010e+38  }
.LBB2_5:
0xc3: {  	p1 =	sne.s32 s0, $0xF90;
	s8 =	sshll.u32 s8, $0x4;
	v17 =	vnsel vm1, $0xFF61B1E6, v12;
	v18 =	vnsel vm1, $0x7F61B1E6, v12;
	v19 =	vnsel vm0, $0x7F61B1E6, v12;
	s30 =	sadd.s32 $0x80, s30  }
0xc4: {  	s8 =	sadd.s32 s8, s30;
	v20 =	vnsel vm1, $0xFF61B1E6, v15;
	v21 =	vnsel vm1, $0x7F61B1E6, v15;
	v2 =	vmin.f32 v2, v19  }
0xc5: {  	s1 =	sand.u32 $0x70, s1;
	s9 =	sand.u32 $0x7C00, s30;
	v22 =	vnsel vm0, $0xFF61B1E6, v15;
	s8 =	sor.u32 $0x380, s8;
	v19 =	vnsel vm1, $0xFF61B1E6, v16;
	v23 =	vnsel vm0, $0xFF61B1E6, v16  }
0xc6: {  	v26 =	vnsel vm0, $0xFF61B1E6, v12;
	v27 =	vnsel vm0, $0x7F61B1E6, v15;
	s9 =	sor.u32 s1, s9;
	v25 =	vnsel vm1, $0x7F61B1E6, v16;
	s1 =	smov.u32 s0;
	v24 =	vld [tilespmem:s8+$0x0]  }
.Ltmp4:
0xc7: {  	v10 =	vmax.f32 v10, v20;
	v13 =	vmax.f32 v13, v19;
	v19 =	vnsel vm0, $0x7F61B1E6, v16;
	v12 =	vld [tilespmem:s9+$0x300];
	(pc) =	sbr.rel @p1 .LBB2_5-.Ltmp4, $4  }
0xc8: {  	v14 =	vmax.f32 v14, v17;
	v11 =	vmin.f32 v11, v21;
	v9 =	vmin.f32 v9, v25;
	v15 =	vld [tilespmem:s9+$0x200]  }
0xc9: {  	v8 =	vmin.f32 v8, v18;
	v7 =	vmax.f32 v7, v22;
	v5 =	vmax.f32 v5, v23;
	v16 =	vld [tilespmem:s9+$0x280]  }
0xca: {  	s31 =	sadd.s32 $0x1, s31;
	v6 =	vmax.f32 v6, v26;
	v4 =	vmin.f32 v4, v27;
	v3 =	vmin.f32 v3, v19  }
0xcb: {  	s0 =	sadd.s32 $0x10, s0;
	s8 =	sand.u32 $0x7, s31;
	vm1 =	veq.f32 v24, $2.000000000e+00;
	vm0 =	veq.f32 v24, $3.000000000e+00  }
0xcc: {  	s0 =	sshll.u32 s8, $0x4;
	s9 =	sadd.s32 $0x80, s30  }
0xcd: {  	s0 =	sadd.s32 s0, s9  }
0xce: {  	s1 =	sand.u32 $0x70, s1;
	s8 =	sand.u32 $0x7C00, s9;
	s0 =	sor.u32 $0x380, s0  }
0xcf: {  	s1 =	sor.u32 s1, s8;
	v17 =	vld [tilespmem:s0+$0x0]  }
0xd0: {  	v18 =	vnsel vm1, $0xFF61B1E6, v12;
	v19 =	vld [tilespmem:s1+$0x200]  }
0xd1: {  	v20 =	vnsel vm1, $0x7F61B1E6, v12;
	v21 =	vnsel vm0, $0x7F61B1E6, v12;
	v12 =	vnsel vm0, $0xFF61B1E6, v12;
	v23 =	vld [tilespmem:s1+$0x280]  }
0xd2: {  	v22 =	vnsel vm1, $0xFF61B1E6, v15;
	v24 =	vnsel vm1, $0x7F61B1E6, v15;
	v59 =	vnsel vm0, $0xFF61B1E6, v15;
	v26 =	vld [tilespmem:s1+$0x300]  }
0xd3: {  	v14 =	vmax.f32 v14, v18;
	v15 =	vnsel vm0, $0x7F61B1E6, v15;
	v8 =	vmin.f32 v8, v20  }
0xd4: {  	v25 =	vnsel vm1, $0xFF61B1E6, v16;
	v18 =	vnsel vm1, $0x7F61B1E6, v16;
	vm1 =	veq.f32 v17, $2.000000000e+00  }
0xd5: {  	v10 =	vmax.f32 v10, v22;
	v60 =	vnsel vm0, $0xFF61B1E6, v16;
	v61 =	vnsel vm1, $0xFF61B1E6, v19  }
0xd6: {  	v13 =	vmax.f32 v13, v25;
	v62 =	vnsel vm1, $0xFF61B1E6, v23;
	v10 =	vmax.f32 v10, v61  }
0xd7: {  	v11 =	vmin.f32 v11, v24;
	v63 =	vnsel vm1, $0xFF61B1E6, v26;
	v13 =	vmax.f32 v13, v62;
	[tilespmem:$0x8400] =	vst v10  }
0xd8: {  	v16 =	vnsel vm0, $0x7F61B1E6, v16;
	v14 =	vmax.f32 v14, v63;
	v10 =	vnsel vm1, $0x7F61B1E6, v19;
	[tilespmem:$0x8480] =	vst v13  }
0xd9: {  	v9 =	vmin.f32 v9, v18;
	v13 =	vnsel vm1, $0x7F61B1E6, v23;
	[tilespmem:$0x8500] =	vst v14;
	v10 =	vmin.f32 v11, v10  }
0xda: {  	vm0 =	veq.f32 v17, $3.000000000e+00;
	v11 =	vnsel vm1, $0x7F61B1E6, v26;
	v9 =	vmin.f32 v9, v13;
	[tilespmem:$0x9800] =	vst v10  }
0xdb: {  	v7 =	vmax.f32 v7, v59;
	v10 =	vnsel vm0, $0xFF61B1E6, v19;
	v8 =	vmin.f32 v8, v11;
	[tilespmem:$0x9880] =	vst v9  }
0xdc: {  	v5 =	vmax.f32 v5, v60;
	v9 =	vnsel vm0, $0xFF61B1E6, v23;
	v7 =	vmax.f32 v7, v10;
	[tilespmem:$0x9900] =	vst v8  }
0xdd: {  	v6 =	vmax.f32 v6, v12;
	v8 =	vnsel vm0, $0xFF61B1E6, v26;
	v5 =	vmax.f32 v5, v9;
	[tilespmem:$0x8600] =	vst v7  }
0xde: {  	s30 =	simm.s32 $0x0;
	v4 =	vmin.f32 v4, v15;
	v7 =	vnsel vm0, $0x7F61B1E6, v19;
	v6 =	vmax.f32 v6, v8;
	[tilespmem:$0x8680] =	vst v5  }
0xdf: {  	v3 =	vmin.f32 v3, v16;
	s1 =	sand.u32 $0x7, s30;
	v5 =	vnsel vm0, $0x7F61B1E6, v23;
	v4 =	vmin.f32 v4, v7;
	[tilespmem:$0x8700] =	vst v6  }
0xe0: {  	v2 =	vmin.f32 v2, v21;
	s0 =	sshll.u32 s1, $0x4;
	v6 =	vnsel vm0, $0x7F61B1E6, v26;
	v3 =	vmin.f32 v3, v5;
	[tilespmem:$0x9A00] =	vst v4  }
0xe1: {  	s0 =	sadd.s32 $0x0, s0;
	v2 =	vmin.f32 v2, v6;
	[tilespmem:$0x9A80] =	vst v3  }
0xe2: {  	s9 =	sand.u32 $0x7C00, s30;
	s8 =	sand.u32 $0x70, s30;
	s0 =	sor.u32 $0x380, s0;
	[tilespmem:$0x9B00] =	vst v2  }
0xe3: {  	v3 =	vld [tilespmem:s0+$0x0];
	s0 =	sor.u32 s8, s9  }
0xe4: {  	v14 =	vimm.f32 $-3.000000010e+38;
	v13 =	vimm.f32 $-3.000000010e+38;
	v12 =	vld [tilespmem:s0+$0x300]  }
0xe5: {  	v11 =	vimm.f32 $3.000000010e+38;
	v10 =	vimm.f32 $-3.000000010e+38;
	v9 =	vimm.f32 $3.000000010e+38;
	v15 =	vld [tilespmem:s0+$0x200]  }
0xe6: {  	v8 =	vimm.f32 $3.000000010e+38;
	v7 =	vimm.f32 $-3.000000010e+38;
	v5 =	vimm.f32 $-3.000000010e+38;
	v16 =	vld [tilespmem:s0+$0x280]  }
0xe7: {  	s31 =	simm.s32 $0x1;
	v6 =	vimm.f32 $-3.000000010e+38;
	v4 =	vimm.f32 $3.000000010e+38;
	v2 =	vimm.f32 $3.000000010e+38  }
0xe8: {  	s1 =	simm.s32 $0x10;
	s8 =	sand.u32 $0x7, s31;
	s0 =	simm.s32 $0x20;
	vm1 =	veq.f32 v3, $4.000000000e+00;
	vm0 =	veq.f32 v3, $5.000000000e+00;
	v3 =	vimm.f32 $3.000000010e+38  }
.LBB2_7:
0xe9: {  	p1 =	sne.s32 s0, $0xF90;
	s8 =	sshll.u32 s8, $0x4;
	v17 =	vnsel vm1, $0xFF61B1E6, v12;
	v18 =	vnsel vm1, $0x7F61B1E6, v12;
	v19 =	vnsel vm0, $0x7F61B1E6, v12;
	s30 =	sadd.s32 $0x80, s30  }
0xea: {  	s8 =	sadd.s32 s8, s30;
	v20 =	vnsel vm1, $0xFF61B1E6, v15;
	v21 =	vnsel vm1, $0x7F61B1E6, v15;
	v2 =	vmin.f32 v2, v19  }
0xeb: {  	s1 =	sand.u32 $0x70, s1;
	s9 =	sand.u32 $0x7C00, s30;
	v22 =	vnsel vm0, $0xFF61B1E6, v15;
	s8 =	sor.u32 $0x380, s8;
	v19 =	vnsel vm1, $0xFF61B1E6, v16;
	v23 =	vnsel vm0, $0xFF61B1E6, v16  }
0xec: {  	v26 =	vnsel vm0, $0xFF61B1E6, v12;
	v27 =	vnsel vm0, $0x7F61B1E6, v15;
	s9 =	sor.u32 s1, s9;
	v25 =	vnsel vm1, $0x7F61B1E6, v16;
	s1 =	smov.u32 s0;
	v24 =	vld [tilespmem:s8+$0x0]  }
.Ltmp5:
0xed: {  	v10 =	vmax.f32 v10, v20;
	v13 =	vmax.f32 v13, v19;
	v19 =	vnsel vm0, $0x7F61B1E6, v16;
	v12 =	vld [tilespmem:s9+$0x300];
	(pc) =	sbr.rel @p1 .LBB2_7-.Ltmp5, $4  }
0xee: {  	v14 =	vmax.f32 v14, v17;
	v11 =	vmin.f32 v11, v21;
	v9 =	vmin.f32 v9, v25;
	v15 =	vld [tilespmem:s9+$0x200]  }
0xef: {  	v8 =	vmin.f32 v8, v18;
	v7 =	vmax.f32 v7, v22;
	v5 =	vmax.f32 v5, v23;
	v16 =	vld [tilespmem:s9+$0x280]  }
0xf0: {  	s31 =	sadd.s32 $0x1, s31;
	v6 =	vmax.f32 v6, v26;
	v4 =	vmin.f32 v4, v27;
	v3 =	vmin.f32 v3, v19  }
0xf1: {  	s0 =	sadd.s32 $0x10, s0;
	s8 =	sand.u32 $0x7, s31;
	vm1 =	veq.f32 v24, $4.000000000e+00;
	vm0 =	veq.f32 v24, $5.000000000e+00  }
0xf2: {  	s0 =	sshll.u32 s8, $0x4;
	s9 =	sadd.s32 $0x80, s30  }
0xf3: {  	s0 =	sadd.s32 s0, s9  }
0xf4: {  	s1 =	sand.u32 $0x70, s1;
	s8 =	sand.u32 $0x7C00, s9;
	s0 =	sor.u32 $0x380, s0  }
0xf5: {  	s1 =	sor.u32 s1, s8;
	v17 =	vld [tilespmem:s0+$0x0]  }
0xf6: {  	v18 =	vnsel vm1, $0xFF61B1E6, v12;
	v19 =	vld [tilespmem:s1+$0x200]  }
0xf7: {  	v20 =	vnsel vm1, $0x7F61B1E6, v12;
	v21 =	vnsel vm0, $0x7F61B1E6, v12;
	v12 =	vnsel vm0, $0xFF61B1E6, v12;
	v23 =	vld [tilespmem:s1+$0x280]  }
0xf8: {  	v22 =	vnsel vm1, $0xFF61B1E6, v15;
	v24 =	vnsel vm1, $0x7F61B1E6, v15;
	v59 =	vnsel vm0, $0xFF61B1E6, v15;
	v26 =	vld [tilespmem:s1+$0x300]  }
0xf9: {  	v14 =	vmax.f32 v14, v18;
	v15 =	vnsel vm0, $0x7F61B1E6, v15;
	v8 =	vmin.f32 v8, v20  }
0xfa: {  	v25 =	vnsel vm1, $0xFF61B1E6, v16;
	v18 =	vnsel vm1, $0x7F61B1E6, v16;
	vm1 =	veq.f32 v17, $4.000000000e+00  }
0xfb: {  	v10 =	vmax.f32 v10, v22;
	v60 =	vnsel vm0, $0xFF61B1E6, v16;
	v61 =	vnsel vm1, $0xFF61B1E6, v19  }
0xfc: {  	v13 =	vmax.f32 v13, v25;
	v62 =	vnsel vm1, $0xFF61B1E6, v23;
	v10 =	vmax.f32 v10, v61  }
0xfd: {  	v11 =	vmin.f32 v11, v24;
	v63 =	vnsel vm1, $0xFF61B1E6, v26;
	v13 =	vmax.f32 v13, v62;
	[tilespmem:$0x8800] =	vst v10  }
0xfe: {  	v16 =	vnsel vm0, $0x7F61B1E6, v16;
	v14 =	vmax.f32 v14, v63;
	v10 =	vnsel vm1, $0x7F61B1E6, v19;
	[tilespmem:$0x8880] =	vst v13  }
0xff: {  	v9 =	vmin.f32 v9, v18;
	v13 =	vnsel vm1, $0x7F61B1E6, v23;
	[tilespmem:$0x8900] =	vst v14;
	v10 =	vmin.f32 v11, v10  }
0x100: {  	vm0 =	veq.f32 v17, $5.000000000e+00;
	v11 =	vnsel vm1, $0x7F61B1E6, v26;
	v9 =	vmin.f32 v9, v13;
	[tilespmem:$0x9C00] =	vst v10  }
0x101: {  	v7 =	vmax.f32 v7, v59;
	v10 =	vnsel vm0, $0xFF61B1E6, v19;
	v8 =	vmin.f32 v8, v11;
	[tilespmem:$0x9C80] =	vst v9  }
0x102: {  	v5 =	vmax.f32 v5, v60;
	v9 =	vnsel vm0, $0xFF61B1E6, v23;
	v7 =	vmax.f32 v7, v10;
	[tilespmem:$0x9D00] =	vst v8  }
0x103: {  	v6 =	vmax.f32 v6, v12;
	v8 =	vnsel vm0, $0xFF61B1E6, v26;
	v5 =	vmax.f32 v5, v9;
	[tilespmem:$0x8A00] =	vst v7  }
0x104: {  	s30 =	simm.s32 $0x0;
	v4 =	vmin.f32 v4, v15;
	v7 =	vnsel vm0, $0x7F61B1E6, v19;
	v6 =	vmax.f32 v6, v8;
	[tilespmem:$0x8A80] =	vst v5  }
0x105: {  	v3 =	vmin.f32 v3, v16;
	s1 =	sand.u32 $0x7, s30;
	v5 =	vnsel vm0, $0x7F61B1E6, v23;
	v4 =	vmin.f32 v4, v7;
	[tilespmem:$0x8B00] =	vst v6  }
0x106: {  	v2 =	vmin.f32 v2, v21;
	s0 =	sshll.u32 s1, $0x4;
	v6 =	vnsel vm0, $0x7F61B1E6, v26;
	v3 =	vmin.f32 v3, v5;
	[tilespmem:$0x9E00] =	vst v4  }
0x107: {  	s0 =	sadd.s32 $0x0, s0;
	v2 =	vmin.f32 v2, v6;
	[tilespmem:$0x9E80] =	vst v3  }
0x108: {  	s9 =	sand.u32 $0x7C00, s30;
	s8 =	sand.u32 $0x70, s30;
	s0 =	sor.u32 $0x380, s0;
	[tilespmem:$0x9F00] =	vst v2  }
0x109: {  	v3 =	vld [tilespmem:s0+$0x0];
	s0 =	sor.u32 s8, s9  }
0x10a: {  	v14 =	vimm.f32 $-3.000000010e+38;
	v13 =	vimm.f32 $-3.000000010e+38;
	v12 =	vld [tilespmem:s0+$0x300]  }
0x10b: {  	v11 =	vimm.f32 $3.000000010e+38;
	v10 =	vimm.f32 $-3.000000010e+38;
	v9 =	vimm.f32 $3.000000010e+38;
	v15 =	vld [tilespmem:s0+$0x200]  }
0x10c: {  	v8 =	vimm.f32 $3.000000010e+38;
	v7 =	vimm.f32 $-3.000000010e+38;
	v5 =	vimm.f32 $-3.000000010e+38;
	v16 =	vld [tilespmem:s0+$0x280]  }
0x10d: {  	s31 =	simm.s32 $0x1;
	v6 =	vimm.f32 $-3.000000010e+38;
	v4 =	vimm.f32 $3.000000010e+38;
	v2 =	vimm.f32 $3.000000010e+38  }
0x10e: {  	s1 =	simm.s32 $0x10;
	s8 =	sand.u32 $0x7, s31;
	s0 =	simm.s32 $0x20;
	vm1 =	veq.f32 v3, $6.000000000e+00;
	vm0 =	veq.f32 v3, $7.000000000e+00;
	v3 =	vimm.f32 $3.000000010e+38  }
.LBB2_9:
0x10f: {  	p1 =	sne.s32 s0, $0xF90;
	s8 =	sshll.u32 s8, $0x4;
	v17 =	vnsel vm1, $0xFF61B1E6, v12;
	v18 =	vnsel vm1, $0x7F61B1E6, v12;
	v19 =	vnsel vm0, $0x7F61B1E6, v12;
	s30 =	sadd.s32 $0x80, s30  }
0x110: {  	s8 =	sadd.s32 s8, s30;
	v20 =	vnsel vm1, $0xFF61B1E6, v15;
	v21 =	vnsel vm1, $0x7F61B1E6, v15;
	v2 =	vmin.f32 v2, v19  }
0x111: {  	s1 =	sand.u32 $0x70, s1;
	s9 =	sand.u32 $0x7C00, s30;
	v22 =	vnsel vm0, $0xFF61B1E6, v15;
	s8 =	sor.u32 $0x380, s8;
	v19 =	vnsel vm1, $0xFF61B1E6, v16;
	v23 =	vnsel vm0, $0xFF61B1E6, v16  }
0x112: {  	v26 =	vnsel vm0, $0xFF61B1E6, v12;
	v27 =	vnsel vm0, $0x7F61B1E6, v15;
	s9 =	sor.u32 s1, s9;
	v25 =	vnsel vm1, $0x7F61B1E6, v16;
	s1 =	smov.u32 s0;
	v24 =	vld [tilespmem:s8+$0x0]  }
.Ltmp6:
0x113: {  	v10 =	vmax.f32 v10, v20;
	v13 =	vmax.f32 v13, v19;
	v19 =	vnsel vm0, $0x7F61B1E6, v16;
	v12 =	vld [tilespmem:s9+$0x300];
	(pc) =	sbr.rel @p1 .LBB2_9-.Ltmp6, $4  }
0x114: {  	v14 =	vmax.f32 v14, v17;
	v11 =	vmin.f32 v11, v21;
	v9 =	vmin.f32 v9, v25;
	v15 =	vld [tilespmem:s9+$0x200]  }
0x115: {  	v8 =	vmin.f32 v8, v18;
	v7 =	vmax.f32 v7, v22;
	v5 =	vmax.f32 v5, v23;
	v16 =	vld [tilespmem:s9+$0x280]  }
0x116: {  	s31 =	sadd.s32 $0x1, s31;
	v6 =	vmax.f32 v6, v26;
	v4 =	vmin.f32 v4, v27;
	v3 =	vmin.f32 v3, v19  }
0x117: {  	s0 =	sadd.s32 $0x10, s0;
	s8 =	sand.u32 $0x7, s31;
	vm1 =	veq.f32 v24, $6.000000000e+00;
	vm0 =	veq.f32 v24, $7.000000000e+00  }
0x118: {  	s0 =	sshll.u32 s8, $0x4;
	s9 =	sadd.s32 $0x80, s30  }
0x119: {  	s0 =	sadd.s32 s0, s9  }
0x11a: {  	s1 =	sand.u32 $0x70, s1;
	s8 =	sand.u32 $0x7C00, s9;
	s0 =	sor.u32 $0x380, s0  }
0x11b: {  	s1 =	sor.u32 s1, s8;
	v17 =	vld [tilespmem:s0+$0x0]  }
0x11c: {  	v18 =	vnsel vm1, $0xFF61B1E6, v12;
	v19 =	vld [tilespmem:s1+$0x200]  }
0x11d: {  	v20 =	vnsel vm1, $0x7F61B1E6, v12;
	v21 =	vnsel vm0, $0x7F61B1E6, v12;
	v12 =	vnsel vm0, $0xFF61B1E6, v12;
	v23 =	vld [tilespmem:s1+$0x280]  }
0x11e: {  	v22 =	vnsel vm1, $0xFF61B1E6, v15;
	v24 =	vnsel vm1, $0x7F61B1E6, v15;
	v59 =	vnsel vm0, $0xFF61B1E6, v15;
	v26 =	vld [tilespmem:s1+$0x300]  }
0x11f: {  	v14 =	vmax.f32 v14, v18;
	v15 =	vnsel vm0, $0x7F61B1E6, v15;
	v8 =	vmin.f32 v8, v20  }
0x120: {  	v25 =	vnsel vm1, $0xFF61B1E6, v16;
	v18 =	vnsel vm1, $0x7F61B1E6, v16;
	vm1 =	veq.f32 v17, $6.000000000e+00  }
0x121: {  	v10 =	vmax.f32 v10, v22;
	v60 =	vnsel vm0, $0xFF61B1E6, v16;
	v61 =	vnsel vm1, $0xFF61B1E6, v19  }
0x122: {  	v13 =	vmax.f32 v13, v25;
	v62 =	vnsel vm1, $0xFF61B1E6, v23;
	v10 =	vmax.f32 v10, v61  }
0x123: {  	v11 =	vmin.f32 v11, v24;
	v63 =	vnsel vm1, $0xFF61B1E6, v26;
	v13 =	vmax.f32 v13, v62;
	[tilespmem:$0x8C00] =	vst v10  }
0x124: {  	v16 =	vnsel vm0, $0x7F61B1E6, v16;
	v14 =	vmax.f32 v14, v63;
	v10 =	vnsel vm1, $0x7F61B1E6, v19;
	[tilespmem:$0x8C80] =	vst v13  }
0x125: {  	v9 =	vmin.f32 v9, v18;
	v13 =	vnsel vm1, $0x7F61B1E6, v23;
	[tilespmem:$0x8D00] =	vst v14;
	v10 =	vmin.f32 v11, v10  }
0x126: {  	vm0 =	veq.f32 v17, $7.000000000e+00;
	v11 =	vnsel vm1, $0x7F61B1E6, v26;
	v9 =	vmin.f32 v9, v13;
	[tilespmem:$0xA000] =	vst v10  }
0x127: {  	v7 =	vmax.f32 v7, v59;
	v10 =	vnsel vm0, $0xFF61B1E6, v19;
	v8 =	vmin.f32 v8, v11;
	[tilespmem:$0xA080] =	vst v9  }
0x128: {  	v5 =	vmax.f32 v5, v60;
	v9 =	vnsel vm0, $0xFF61B1E6, v23;
	v7 =	vmax.f32 v7, v10;
	[tilespmem:$0xA100] =	vst v8  }
0x129: {  	v6 =	vmax.f32 v6, v12;
	v8 =	vnsel vm0, $0xFF61B1E6, v26;
	v5 =	vmax.f32 v5, v9;
	[tilespmem:$0x8E00] =	vst v7  }
0x12a: {  	s30 =	simm.s32 $0x0;
	v4 =	vmin.f32 v4, v15;
	v7 =	vnsel vm0, $0x7F61B1E6, v19;
	v6 =	vmax.f32 v6, v8;
	[tilespmem:$0x8E80] =	vst v5  }
0x12b: {  	v3 =	vmin.f32 v3, v16;
	s1 =	sand.u32 $0x7, s30;
	v5 =	vnsel vm0, $0x7F61B1E6, v23;
	v4 =	vmin.f32 v4, v7;
	[tilespmem:$0x8F00] =	vst v6  }
0x12c: {  	v2 =	vmin.f32 v2, v21;
	s0 =	sshll.u32 s1, $0x4;
	v6 =	vnsel vm0, $0x7F61B1E6, v26;
	v3 =	vmin.f32 v3, v5;
	[tilespmem:$0xA200] =	vst v4  }
0x12d: {  	s0 =	sadd.s32 $0x0, s0;
	v2 =	vmin.f32 v2, v6;
	[tilespmem:$0xA280] =	vst v3  }
0x12e: {  	s9 =	sand.u32 $0x7C00, s30;
	s8 =	sand.u32 $0x70, s30;
	s0 =	sor.u32 $0x380, s0;
	[tilespmem:$0xA300] =	vst v2  }
0x12f: {  	v3 =	vld [tilespmem:s0+$0x0];
	s0 =	sor.u32 s8, s9  }
0x130: {  	v14 =	vimm.f32 $-3.000000010e+38;
	v13 =	vimm.f32 $-3.000000010e+38;
	v12 =	vld [tilespmem:s0+$0x300]  }
0x131: {  	v11 =	vimm.f32 $3.000000010e+38;
	v10 =	vimm.f32 $-3.000000010e+38;
	v9 =	vimm.f32 $3.000000010e+38;
	v15 =	vld [tilespmem:s0+$0x200]  }
0x132: {  	v8 =	vimm.f32 $3.000000010e+38;
	v7 =	vimm.f32 $-3.000000010e+38;
	v5 =	vimm.f32 $-3.000000010e+38;
	v16 =	vld [tilespmem:s0+$0x280]  }
0x133: {  	s31 =	simm.s32 $0x1;
	v6 =	vimm.f32 $-3.000000010e+38;
	v4 =	vimm.f32 $3.000000010e+38;
	v2 =	vimm.f32 $3.000000010e+38  }
0x134: {  	s1 =	simm.s32 $0x10;
	s8 =	sand.u32 $0x7, s31;
	s0 =	simm.s32 $0x20;
	vm1 =	veq.f32 v3, $8.000000000e+00;
	vm0 =	veq.f32 v3, $9.000000000e+00;
	v3 =	vimm.f32 $3.000000010e+38  }
.LBB2_11:
0x135: {  	p1 =	sne.s32 s0, $0xF90;
	s8 =	sshll.u32 s8, $0x4;
	v17 =	vnsel vm1, $0xFF61B1E6, v12;
	v18 =	vnsel vm1, $0x7F61B1E6, v12;
	v19 =	vnsel vm0, $0x7F61B1E6, v12;
	s30 =	sadd.s32 $0x80, s30  }
0x136: {  	v20 =	vnsel vm1, $0xFF61B1E6, v15;
	v21 =	vnsel vm1, $0x7F61B1E6, v15;
	s8 =	sadd.s32 s8, s30;
	v2 =	vmin.f32 v2, v19  }
0x137: {  	s1 =	sand.u32 $0x70, s1;
	v22 =	vnsel vm0, $0xFF61B1E6, v15;
	v23 =	vnsel vm0, $0xFF61B1E6, v16;
	s9 =	sand.u32 $0x7C00, s30;
	v19 =	vnsel vm1, $0xFF61B1E6, v16;
	s8 =	sor.u32 $0x380, s8  }
0x138: {  	v25 =	vnsel vm1, $0x7F61B1E6, v16;
	v26 =	vnsel vm0, $0xFF61B1E6, v12;
	v27 =	vnsel vm0, $0x7F61B1E6, v15;
	s9 =	sor.u32 s1, s9;
	s1 =	smov.u32 s0;
	v24 =	vld [tilespmem:s8+$0x0]  }
.Ltmp7:
0x139: {  	v10 =	vmax.f32 v10, v20;
	v13 =	vmax.f32 v13, v19;
	v19 =	vnsel vm0, $0x7F61B1E6, v16;
	v12 =	vld [tilespmem:s9+$0x300];
	(pc) =	sbr.rel @p1 .LBB2_11-.Ltmp7, $4  }
0x13a: {  	v14 =	vmax.f32 v14, v17;
	v11 =	vmin.f32 v11, v21;
	v9 =	vmin.f32 v9, v25;
	v15 =	vld [tilespmem:s9+$0x200]  }
0x13b: {  	v8 =	vmin.f32 v8, v18;
	v7 =	vmax.f32 v7, v22;
	v5 =	vmax.f32 v5, v23;
	v16 =	vld [tilespmem:s9+$0x280]  }
0x13c: {  	s31 =	sadd.s32 $0x1, s31;
	v6 =	vmax.f32 v6, v26;
	v4 =	vmin.f32 v4, v27;
	v3 =	vmin.f32 v3, v19  }
0x13d: {  	s0 =	sadd.s32 $0x10, s0;
	s8 =	sand.u32 $0x7, s31;
	vm1 =	veq.f32 v24, $8.000000000e+00;
	vm0 =	veq.f32 v24, $9.000000000e+00  }
.Ltmp8:
0x13e: {  	_ = 	snop;
	(pc) =	sbr.rel .LBB2_12-.Ltmp8, $1  }
0x13f: {  	_ =	sdelay $0x3  }
.LBB2_14:
0x140: {  	_ =	sfence.sel $0x180000  }
0x141: {  	[bflag:$0x0] =	sbarrier.arrive $0xFFFF  }
0x142: {  	_ =	strace $0x90000047  }
0x143: {  	s0 =	stileid.u32;
	[bflag:$0x2] =	sbarrier.arrive $0xFFFF  }
0x144: {  	p0 =	sne.s32 s0, $0x0;
	s0 =	rddreg [dreg:$0x3]  }
0x145: {  	s0 =	sadd.s32 @!p0 $0x100000, s0  }
0x146: {  	[sflag:s0] =	ssyncadd.tile.s32 @!p0 $0x1;
	_ =	shalt  }
.Lfunc_end2:
_tile_overlayer_lowered:
.L_overlay_start_2:
0x147: {  	(tag) =	ssettag $0x2  }
0x148: {  	s0 =	rddreg [dreg:$0x0];
	s2 =	stileid.u32  }
0x149: {  	s1 =	rddreg [dreg:$0x1];
	p0 =	sne.s32 s2, $0x0  }
0x14a: {  	s3 =	rddreg [dreg:$0x2];
	[bflag:$0x3] =	sbarrier.arrive $0xFFFF;
	s2 =	simm.s32 @!p0 $0x1C01  }
0x14b: {  	[timem:s3], [sflag:s2] =	dma.local @!p0 [hbm:s0], s1  }
0x14c: {  	s0 =	simm.s32 @!p0 $0x1  }
0x14d: {  	_ =	swait.ge @!p0 [sflag:s0], s1  }
0x14e: {  	s1 =	ssub.s32 @!p0 $0x0, s1;
	[sflag:s0] =	ssyncset.done @!p0 $0x0  }
0x14f: {  	[sflag:s0] =	ssyncadd.s32 @!p0 s1  }
0x150: {  	[bflag:$0x3] =	sbarrier.arrive $0xFFFF  }
0x151: {  	_ =	shalt  }

</sc_bundles>
